<compile_context>
chip_gen: v7x
topology: tpu7x:2x2x1
jax: 0.10.2.dev20260603
libtpu: 0.0.44.dev20260713+nightly
codegen_flags: <defaults>
</compile_context>

<pallas_src>
import functools

import jax
import jax.numpy as jnp
from jax import lax
from jax.experimental import pallas as pl
from jax.experimental.pallas import tpu as pltpu
from jax.experimental.pallas import tpu_sc as plsc

VOCAB = 100000
DIM = 128
BATCH = 4096
SEQ = 200

NC = 2
NS = 16
NW = NC * NS

B = BATCH * SEQ
B_PER_W = B // NW
CHUNK = 128
NCHUNK = B_PER_W // CHUNK
NBUF = 4
NOUTER = NCHUNK // NBUF

_mesh = plsc.VectorSubcoreMesh(core_axis_name="c", subcore_axis_name="s")


@functools.partial(
    pl.kernel,
    mesh=_mesh,
    out_type=jax.ShapeDtypeStruct((B, DIM), jnp.float32),
    scratch_types=[
        pltpu.VMEM((NCHUNK, CHUNK), jnp.int32),
        pltpu.VMEM((NBUF, CHUNK, DIM), jnp.float32),
        pltpu.VMEM((16, DIM), jnp.float32),
        pltpu.SemaphoreType.DMA,
        pltpu.SemaphoreType.DMA,
        pltpu.SemaphoreType.DMA,
        pltpu.SemaphoreType.DMA,
        pltpu.SemaphoreType.DMA,
        pltpu.SemaphoreType.DMA,
        pltpu.SemaphoreType.DMA,
        pltpu.SemaphoreType.DMA,
        pltpu.SemaphoreType.DMA,
    ],
)
def _embed(idx_hbm, table_hbm, out_hbm, idx_v, bufs, zeros_v,
           g0, g1, g2, g3, s0, s1, s2, s3, zsem):
    gsem = (g0, g1, g2, g3)
    ssem = (s0, s1, s2, s3)
    wid = lax.axis_index("s") * NC + lax.axis_index("c")
    crow = wid * NCHUNK
    base = wid * B_PER_W

    pltpu.sync_copy(idx_hbm.at[pl.ds(crow, NCHUNK)], idx_v)

    zvec = jnp.zeros((16,), jnp.float32)

    def zinit(r, _):
        for c in range(DIM // 16):
            zeros_v[r, pl.ds(c * 16, 16)] = zvec
        return 0

    lax.fori_loop(0, 16, zinit, 0)

    def fire_gather(g, b):
        pltpu.async_copy(table_hbm.at[idx_v.at[g]], bufs.at[b], gsem[b])

    def pad_fix(g):
        def min_groups(i, acc):
            iv = idx_v[g, pl.ds(i * 16, 16)]
            return jnp.minimum(acc, iv)

        idx_min = lax.fori_loop(
            0, CHUNK // 16, min_groups, jnp.full((16,), VOCAB, jnp.int32)
        )
        chunk_min = idx_min[0]
        for j in range(1, 16):
            chunk_min = jnp.minimum(chunk_min, idx_min[j])

        @pl.when(chunk_min == 0)
        def _():
            def fix_group(i, _):
                iv = idx_v[g, pl.ds(i * 16, 16)]
                is_pad = iv == 0
                group_min = iv[0]
                first = jnp.where(iv[15] == 0, 15, 16)
                for j in range(1, 16):
                    group_min = jnp.minimum(group_min, iv[j])
                for j in range(14, -1, -1):
                    first = jnp.where(iv[j] == 0, j, first)

                @pl.when(group_min == 0)
                def _():
                    gbase = base + g * CHUNK + i * 16
                    pos = gbase + lax.iota(jnp.int32, 16)
                    targets = jnp.where(is_pad, pos, gbase + first)
                    pltpu.async_copy(
                        zeros_v, out_hbm.at[targets], zsem
                    ).wait()

                return 0

            lax.fori_loop(0, CHUNK // 16, fix_group, 0)

    for b in range(NBUF):
        fire_gather(b, b)

    def outer(t, _):
        for b in range(NBUF):
            g = t * NBUF + b
            pltpu.make_async_copy(
                table_hbm.at[idx_v.at[g]], bufs.at[b], gsem[b]
            ).wait()
            pltpu.async_copy(
                bufs.at[b], out_hbm.at[pl.ds(base + g * CHUNK, CHUNK)],
                ssem[b],
            )
        for b in range(NBUF):
            g = t * NBUF + b
            pltpu.make_async_copy(
                bufs.at[b], out_hbm.at[pl.ds(base + g * CHUNK, CHUNK)],
                ssem[b],
            ).wait()
            pad_fix(g)
            gn = g + NBUF

            @pl.when(gn < NCHUNK)
            def _():
                fire_gather(gn, b)

        return 0

    lax.fori_loop(0, NOUTER, outer, 0)


def kernel(inputs, table):
    idx = inputs.reshape(B // CHUNK, CHUNK).astype(jnp.int32)
    out = _embed(idx, table)
    return out.reshape(BATCH, SEQ, DIM)

# --- scband reference (transcript-rebuilt; emitter-appended) ---
"""Pipeline reference for scband-embedding-171798692083 (READ-ONLY COPY).

The authoritative reference and input builder live on the scoring server;
editing this copy changes nothing except your own understanding.
"""

import jax, jax.numpy as jnp
import numpy as np

VOCAB = 100000
DIM = 128
BATCH = 4096
SEQ = 200

def setup_inputs(seed: int = 0) -> dict:
    key = jax.random.key(seed)
    k1, k2 = jax.random.split(key)
    inputs = jax.random.randint(k1, (BATCH, SEQ), 0, VOCAB, dtype=jnp.int64 if jax.config.read('jax_enable_x64') else jnp.int32)
    table = jax.random.normal(k2, (VOCAB, DIM), dtype=jnp.float32)
    return {"inputs": inputs, "table": table}

def reference(inputs, table):
    # zero_pad=True -> padding_idx=0: row 0 of the embedding table is forced to zero
    table_eff = table.at[0].set(0.0)
    # embedding lookup: gather rows
    out = jnp.take(table_eff, inputs, axis=0)  # [BATCH, SEQ, DIM]
    return out

if __name__ == "__main__":
    import jax
    _d = setup_inputs()
    print(jax.jit(kernel)(*tuple(_d.values())))

</pallas_src>

<mosaic_0001>
#map = affine_map<(d0, d1) -> (0, 0)>
module attributes {stable_mosaic.version = 14 : i64} {
  func.func @_embed(%arg0: i32, %arg1: i32, %arg2: memref<6400x128xi32, #tpu.memory_space<hbm>>, %arg3: memref<100000x128xf32, #tpu.memory_space<hbm>>, %arg4: memref<819200x128xf32, #tpu.memory_space<hbm>>, %arg5: memref<200x128xi32, #tpu.memory_space<vmem>>, %arg6: memref<4x128x128xf32, #tpu.memory_space<vmem>>, %arg7: memref<16x128xf32, #tpu.memory_space<vmem>>, %arg8: memref<!tpu.dma_semaphore, #tpu.memory_space<semaphore_mem>>, %arg9: memref<!tpu.dma_semaphore, #tpu.memory_space<semaphore_mem>>, %arg10: memref<!tpu.dma_semaphore, #tpu.memory_space<semaphore_mem>>, %arg11: memref<!tpu.dma_semaphore, #tpu.memory_space<semaphore_mem>>, %arg12: memref<!tpu.dma_semaphore, #tpu.memory_space<semaphore_mem>>, %arg13: memref<!tpu.dma_semaphore, #tpu.memory_space<semaphore_mem>>, %arg14: memref<!tpu.dma_semaphore, #tpu.memory_space<semaphore_mem>>, %arg15: memref<!tpu.dma_semaphore, #tpu.memory_space<semaphore_mem>>, %arg16: memref<!tpu.dma_semaphore, #tpu.memory_space<semaphore_mem>>) attributes {dimension_semantics = [#tpu.dimension_semantics<core_parallel>, #tpu.dimension_semantics<subcore_parallel>], iteration_bounds = array<i64: 2, 16>, scalar_prefetch = 0 : i64, scratch_operands = 12 : i64, tpu.core_type = #tpu.core_type<sc_vector_subcore>, window_params = [{transform_indices = #map}, {transform_indices = #map}, {transform_indices = #map}]} {
    %mul3A = arith.constant 2 : i32
    %mul3A_0 = arith.muli %arg1, %mul3A : i32
    %add3A = arith.addi %mul3A_0, %arg0 : i32
    %mul3A_1 = arith.constant 200 : i32
    %mul3A_2 = arith.muli %add3A, %mul3A_1 : i32
    %mul3A_3 = arith.constant 25600 : i32
    %mul3A_4 = arith.muli %add3A, %mul3A_3 : i32
    "tpu.region"() ({
      %run_scoped3A = tpu.sem_alloc : memref<!tpu.dma_semaphore, #tpu.memory_space<semaphore_mem>>
      %dma_start3A_66 = arith.constant 0 : i32
      %dma_start3A_67 = tpu.memref_slice %arg2[%mul3A_2, %dma_start3A_66] : memref<6400x128xi32, #tpu.memory_space<hbm>> -> memref<200x128xi32, #tpu.memory_space<hbm>>
      %dma_start3A_68 = arith.constant 0 : i32
      %dma_start3A_69 = tpu.memref_slice %arg2[%mul3A_2, %dma_start3A_68] : memref<6400x128xi32, #tpu.memory_space<hbm>> -> memref<200x128xi32, #tpu.memory_space<hbm>>
      tpu.enqueue_dma source(%dma_start3A_69 : memref<200x128xi32, #tpu.memory_space<hbm>>) target(%arg5 : memref<200x128xi32, #tpu.memory_space<vmem>>) target_semaphore(%run_scoped3A : memref<!tpu.dma_semaphore, #tpu.memory_space<semaphore_mem>>)
      %dma_wait3A = arith.constant 0 : i32
      %dma_wait3A_70 = tpu.memref_slice %arg2[%mul3A_2, %dma_wait3A] : memref<6400x128xi32, #tpu.memory_space<hbm>> -> memref<200x128xi32, #tpu.memory_space<hbm>>
      %dma_wait3A_71 = arith.constant 0 : i32
      %dma_wait3A_72 = tpu.memref_slice %arg2[%mul3A_2, %dma_wait3A_71] : memref<6400x128xi32, #tpu.memory_space<hbm>> -> memref<200x128xi32, #tpu.memory_space<hbm>>
      tpu.wait_dma2 semaphore(%run_scoped3A : memref<!tpu.dma_semaphore, #tpu.memory_space<semaphore_mem>>) src(%dma_wait3A_72 : memref<200x128xi32, #tpu.memory_space<hbm>>) dst(%arg5 : memref<200x128xi32, #tpu.memory_space<vmem>>)
      tpu.yield
    }) : () -> ()
    %broadcast_in_dim3A = arith.constant 0.000000e+00 : f32
    %broadcast_in_dim3A_5 = vector.broadcast %broadcast_in_dim3A : f32 to vector<16xf32>
    %scan3A = arith.constant 0 : i32
    %scan3A_6 = arith.constant 0 : i32
    %scan3A_7 = arith.constant 16 : i32
    %scan3A_8 = arith.addi %scan3A_6, %scan3A_7 : i32
    %scan3A_9 = arith.constant 1 : i32
    %scan3A_10 = scf.for %scan3A_66 = %scan3A_6 to %scan3A_8 step %scan3A_9 iter_args(%scan3A_67 = %scan3A) -> (i32)  : i32 {
      %swap3A = arith.index_cast %scan3A_66 : i32 to index
      %swap3A_68 = arith.constant 0 : index
      %swap3A_69 = tpu.vector_load %arg7[%swap3A, %swap3A_68] {strides = array<i32>} : memref<16x128xf32, #tpu.memory_space<vmem>>, vector<1x16xf32>,
      %swap3A_70 = vector.shape_cast %swap3A_69 : vector<1x16xf32> to vector<16xf32>
      %swap3A_71 = vector.shape_cast %broadcast_in_dim3A_5 : vector<16xf32> to vector<1x16xf32>
      tpu.vector_store %arg7[%swap3A, %swap3A_68], %swap3A_71 {strides = array<i32>} : memref<16x128xf32, #tpu.memory_space<vmem>>, vector<1x16xf32>,
      %swap3A_72 = arith.index_cast %scan3A_66 : i32 to index
      %swap3A_73 = arith.constant 16 : index
      %swap3A_74 = tpu.vector_load %arg7[%swap3A_72, %swap3A_73] {strides = array<i32>} : memref<16x128xf32, #tpu.memory_space<vmem>>, vector<1x16xf32>,
      %swap3A_75 = vector.shape_cast %swap3A_74 : vector<1x16xf32> to vector<16xf32>
      %swap3A_76 = vector.shape_cast %broadcast_in_dim3A_5 : vector<16xf32> to vector<1x16xf32>
      tpu.vector_store %arg7[%swap3A_72, %swap3A_73], %swap3A_76 {strides = array<i32>} : memref<16x128xf32, #tpu.memory_space<vmem>>, vector<1x16xf32>,
      %swap3A_77 = arith.index_cast %scan3A_66 : i32 to index
      %swap3A_78 = arith.constant 32 : index
      %swap3A_79 = tpu.vector_load %arg7[%swap3A_77, %swap3A_78] {strides = array<i32>} : memref<16x128xf32, #tpu.memory_space<vmem>>, vector<1x16xf32>,
      %swap3A_80 = vector.shape_cast %swap3A_79 : vector<1x16xf32> to vector<16xf32>
      %swap3A_81 = vector.shape_cast %broadcast_in_dim3A_5 : vector<16xf32> to vector<1x16xf32>
      tpu.vector_store %arg7[%swap3A_77, %swap3A_78], %swap3A_81 {strides = array<i32>} : memref<16x128xf32, #tpu.memory_space<vmem>>, vector<1x16xf32>,
      %swap3A_82 = arith.index_cast %scan3A_66 : i32 to index
      %swap3A_83 = arith.constant 48 : index
      %swap3A_84 = tpu.vector_load %arg7[%swap3A_82, %swap3A_83] {strides = array<i32>} : memref<16x128xf32, #tpu.memory_space<vmem>>, vector<1x16xf32>,
      %swap3A_85 = vector.shape_cast %swap3A_84 : vector<1x16xf32> to vector<16xf32>
      %swap3A_86 = vector.shape_cast %broadcast_in_dim3A_5 : vector<16xf32> to vector<1x16xf32>
      tpu.vector_store %arg7[%swap3A_82, %swap3A_83], %swap3A_86 {strides = array<i32>} : memref<16x128xf32, #tpu.memory_space<vmem>>, vector<1x16xf32>,
      %swap3A_87 = arith.index_cast %scan3A_66 : i32 to index
      %swap3A_88 = arith.constant 64 : index
      %swap3A_89 = tpu.vector_load %arg7[%swap3A_87, %swap3A_88] {strides = array<i32>} : memref<16x128xf32, #tpu.memory_space<vmem>>, vector<1x16xf32>,
      %swap3A_90 = vector.shape_cast %swap3A_89 : vector<1x16xf32> to vector<16xf32>
      %swap3A_91 = vector.shape_cast %broadcast_in_dim3A_5 : vector<16xf32> to vector<1x16xf32>
      tpu.vector_store %arg7[%swap3A_87, %swap3A_88], %swap3A_91 {strides = array<i32>} : memref<16x128xf32, #tpu.memory_space<vmem>>, vector<1x16xf32>,
      %swap3A_92 = arith.index_cast %scan3A_66 : i32 to index
      %swap3A_93 = arith.constant 80 : index
      %swap3A_94 = tpu.vector_load %arg7[%swap3A_92, %swap3A_93] {strides = array<i32>} : memref<16x128xf32, #tpu.memory_space<vmem>>, vector<1x16xf32>,
      %swap3A_95 = vector.shape_cast %swap3A_94 : vector<1x16xf32> to vector<16xf32>
      %swap3A_96 = vector.shape_cast %broadcast_in_dim3A_5 : vector<16xf32> to vector<1x16xf32>
      tpu.vector_store %arg7[%swap3A_92, %swap3A_93], %swap3A_96 {strides = array<i32>} : memref<16x128xf32, #tpu.memory_space<vmem>>, vector<1x16xf32>,
      %swap3A_97 = arith.index_cast %scan3A_66 : i32 to index
      %swap3A_98 = arith.constant 96 : index
      %swap3A_99 = tpu.vector_load %arg7[%swap3A_97, %swap3A_98] {strides = array<i32>} : memref<16x128xf32, #tpu.memory_space<vmem>>, vector<1x16xf32>,
      %swap3A_100 = vector.shape_cast %swap3A_99 : vector<1x16xf32> to vector<16xf32>
      %swap3A_101 = vector.shape_cast %broadcast_in_dim3A_5 : vector<16xf32> to vector<1x16xf32>
      tpu.vector_store %arg7[%swap3A_97, %swap3A_98], %swap3A_101 {strides = array<i32>} : memref<16x128xf32, #tpu.memory_space<vmem>>, vector<1x16xf32>,
      %swap3A_102 = arith.index_cast %scan3A_66 : i32 to index
      %swap3A_103 = arith.constant 112 : index
      %swap3A_104 = tpu.vector_load %arg7[%swap3A_102, %swap3A_103] {strides = array<i32>} : memref<16x128xf32, #tpu.memory_space<vmem>>, vector<1x16xf32>,
      %swap3A_105 = vector.shape_cast %swap3A_104 : vector<1x16xf32> to vector<16xf32>
      %swap3A_106 = vector.shape_cast %broadcast_in_dim3A_5 : vector<16xf32> to vector<1x16xf32>
      tpu.vector_store %arg7[%swap3A_102, %swap3A_103], %swap3A_106 {strides = array<i32>} : memref<16x128xf32, #tpu.memory_space<vmem>>, vector<1x16xf32>,
      %scan3A_107 = arith.constant 0 : i32
      scf.yield %scan3A_107 : i32
    }
    %scan3A_11 = arith.constant 16 : i32
    %dma_start3A = arith.constant 0 : i32
    %dma_start3A_12 = arith.constant 0 : i32
    %dma_start3A_13 = arith.constant 0 : i32
    %dma_start3A_14 = arith.constant 0 : i32
    %dma_start3A_15 = tpu.memref_slice %arg6[%dma_start3A_12, %dma_start3A_13, %dma_start3A_14] : memref<4x128x128xf32, #tpu.memory_space<vmem>> -> memref<1x128x128xf32, #tpu.memory_space<vmem>>
    %dma_start3A_16 = tpu.memref_squeeze %dma_start3A_15 : memref<1x128x128xf32, #tpu.memory_space<vmem>> -> memref<128x128xf32, #tpu.memory_space<vmem>>
    %dma_start3A_17 = arith.constant 0 : i32
    %dma_start3A_18 = tpu.memref_slice %arg5[%dma_start3A, %dma_start3A_17] : memref<200x128xi32, #tpu.memory_space<vmem>> -> memref<1x128xi32, #tpu.memory_space<vmem>>
    %dma_start3A_19 = tpu.memref_squeeze %dma_start3A_18 : memref<1x128xi32, #tpu.memory_space<vmem>> -> memref<128xi32, #tpu.memory_space<vmem>>
    %dma_start3A_20 = arith.constant 0 : i32
    %dma_start3A_21 = arith.constant 0 : i32
    %dma_start3A_22 = tpu.memref_slice %arg3[%dma_start3A_20, %dma_start3A_21] : memref<100000x128xf32, #tpu.memory_space<hbm>> -> memref<100000x128xf32, #tpu.memory_space<hbm>>
    tpu.enqueue_indirect_dma source(%dma_start3A_22 : memref<100000x128xf32, #tpu.memory_space<hbm>>) target(%dma_start3A_16 : memref<128x128xf32, #tpu.memory_space<vmem>>) offsets(%dma_start3A_19 : memref<128xi32, #tpu.memory_space<vmem>>) semaphore(%arg8 : memref<!tpu.dma_semaphore, #tpu.memory_space<semaphore_mem>>)
    %dma_start3A_23 = arith.constant 1 : i32
    %dma_start3A_24 = arith.constant 1 : i32
    %dma_start3A_25 = arith.constant 0 : i32
    %dma_start3A_26 = arith.constant 0 : i32
    %dma_start3A_27 = tpu.memref_slice %arg6[%dma_start3A_24, %dma_start3A_25, %dma_start3A_26] : memref<4x128x128xf32, #tpu.memory_space<vmem>> -> memref<1x128x128xf32, #tpu.memory_space<vmem>>
    %dma_start3A_28 = tpu.memref_squeeze %dma_start3A_27 : memref<1x128x128xf32, #tpu.memory_space<vmem>> -> memref<128x128xf32, #tpu.memory_space<vmem>>
    %dma_start3A_29 = arith.constant 0 : i32
    %dma_start3A_30 = tpu.memref_slice %arg5[%dma_start3A_23, %dma_start3A_29] : memref<200x128xi32, #tpu.memory_space<vmem>> -> memref<1x128xi32, #tpu.memory_space<vmem>>
    %dma_start3A_31 = tpu.memref_squeeze %dma_start3A_30 : memref<1x128xi32, #tpu.memory_space<vmem>> -> memref<128xi32, #tpu.memory_space<vmem>>
    %dma_start3A_32 = arith.constant 0 : i32
    %dma_start3A_33 = arith.constant 0 : i32
    %dma_start3A_34 = tpu.memref_slice %arg3[%dma_start3A_32, %dma_start3A_33] : memref<100000x128xf32, #tpu.memory_space<hbm>> -> memref<100000x128xf32, #tpu.memory_space<hbm>>
    tpu.enqueue_indirect_dma source(%dma_start3A_34 : memref<100000x128xf32, #tpu.memory_space<hbm>>) target(%dma_start3A_28 : memref<128x128xf32, #tpu.memory_space<vmem>>) offsets(%dma_start3A_31 : memref<128xi32, #tpu.memory_space<vmem>>) semaphore(%arg9 : memref<!tpu.dma_semaphore, #tpu.memory_space<semaphore_mem>>)
    %dma_start3A_35 = arith.constant 2 : i32
    %dma_start3A_36 = arith.constant 2 : i32
    %dma_start3A_37 = arith.constant 0 : i32
    %dma_start3A_38 = arith.constant 0 : i32
    %dma_start3A_39 = tpu.memref_slice %arg6[%dma_start3A_36, %dma_start3A_37, %dma_start3A_38] : memref<4x128x128xf32, #tpu.memory_space<vmem>> -> memref<1x128x128xf32, #tpu.memory_space<vmem>>
    %dma_start3A_40 = tpu.memref_squeeze %dma_start3A_39 : memref<1x128x128xf32, #tpu.memory_space<vmem>> -> memref<128x128xf32, #tpu.memory_space<vmem>>
    %dma_start3A_41 = arith.constant 0 : i32
    %dma_start3A_42 = tpu.memref_slice %arg5[%dma_start3A_35, %dma_start3A_41] : memref<200x128xi32, #tpu.memory_space<vmem>> -> memref<1x128xi32, #tpu.memory_space<vmem>>
    %dma_start3A_43 = tpu.memref_squeeze %dma_start3A_42 : memref<1x128xi32, #tpu.memory_space<vmem>> -> memref<128xi32, #tpu.memory_space<vmem>>
    %dma_start3A_44 = arith.constant 0 : i32
    %dma_start3A_45 = arith.constant 0 : i32
    %dma_start3A_46 = tpu.memref_slice %arg3[%dma_start3A_44, %dma_start3A_45] : memref<100000x128xf32, #tpu.memory_space<hbm>> -> memref<100000x128xf32, #tpu.memory_space<hbm>>
    tpu.enqueue_indirect_dma source(%dma_start3A_46 : memref<100000x128xf32, #tpu.memory_space<hbm>>) target(%dma_start3A_40 : memref<128x128xf32, #tpu.memory_space<vmem>>) offsets(%dma_start3A_43 : memref<128xi32, #tpu.memory_space<vmem>>) semaphore(%arg10 : memref<!tpu.dma_semaphore, #tpu.memory_space<semaphore_mem>>)
    %dma_start3A_47 = arith.constant 3 : i32
    %dma_start3A_48 = arith.constant 3 : i32
    %dma_start3A_49 = arith.constant 0 : i32
    %dma_start3A_50 = arith.constant 0 : i32
    %dma_start3A_51 = tpu.memref_slice %arg6[%dma_start3A_48, %dma_start3A_49, %dma_start3A_50] : memref<4x128x128xf32, #tpu.memory_space<vmem>> -> memref<1x128x128xf32, #tpu.memory_space<vmem>>
    %dma_start3A_52 = tpu.memref_squeeze %dma_start3A_51 : memref<1x128x128xf32, #tpu.memory_space<vmem>> -> memref<128x128xf32, #tpu.memory_space<vmem>>
    %dma_start3A_53 = arith.constant 0 : i32
    %dma_start3A_54 = tpu.memref_slice %arg5[%dma_start3A_47, %dma_start3A_53] : memref<200x128xi32, #tpu.memory_space<vmem>> -> memref<1x128xi32, #tpu.memory_space<vmem>>
    %dma_start3A_55 = tpu.memref_squeeze %dma_start3A_54 : memref<1x128xi32, #tpu.memory_space<vmem>> -> memref<128xi32, #tpu.memory_space<vmem>>
    %dma_start3A_56 = arith.constant 0 : i32
    %dma_start3A_57 = arith.constant 0 : i32
    %dma_start3A_58 = tpu.memref_slice %arg3[%dma_start3A_56, %dma_start3A_57] : memref<100000x128xf32, #tpu.memory_space<hbm>> -> memref<100000x128xf32, #tpu.memory_space<hbm>>
    tpu.enqueue_indirect_dma source(%dma_start3A_58 : memref<100000x128xf32, #tpu.memory_space<hbm>>) target(%dma_start3A_52 : memref<128x128xf32, #tpu.memory_space<vmem>>) offsets(%dma_start3A_55 : memref<128xi32, #tpu.memory_space<vmem>>) semaphore(%arg11 : memref<!tpu.dma_semaphore, #tpu.memory_space<semaphore_mem>>)
    %scan3A_59 = arith.constant 0 : i32
    %scan3A_60 = arith.constant 0 : i32
    %scan3A_61 = arith.constant 50 : i32
    %scan3A_62 = arith.addi %scan3A_60, %scan3A_61 : i32
    %scan3A_63 = arith.constant 1 : i32
    %scan3A_64 = scf.for %scan3A_66 = %scan3A_60 to %scan3A_62 step %scan3A_63 iter_args(%scan3A_67 = %scan3A_59) -> (i32)  : i32 {
      %mul3A_68 = arith.constant 4 : i32
      %mul3A_69 = arith.muli %scan3A_66, %mul3A_68 : i32
      %add3A_70 = arith.constant 0 : i32
      %add3A_71 = arith.addi %mul3A_69, %add3A_70 : i32
      %dma_wait3A = arith.constant 0 : i32
      %dma_wait3A_72 = arith.constant 0 : i32
      %dma_wait3A_73 = arith.constant 0 : i32
      %dma_wait3A_74 = tpu.memref_slice %arg6[%dma_wait3A, %dma_wait3A_72, %dma_wait3A_73] : memref<4x128x128xf32, #tpu.memory_space<vmem>> -> memref<1x128x128xf32, #tpu.memory_space<vmem>>
      %dma_wait3A_75 = tpu.memref_squeeze %dma_wait3A_74 : memref<1x128x128xf32, #tpu.memory_space<vmem>> -> memref<128x128xf32, #tpu.memory_space<vmem>>
      %dma_wait3A_76 = arith.constant 0 : i32
      %dma_wait3A_77 = tpu.memref_slice %arg5[%add3A_71, %dma_wait3A_76] : memref<200x128xi32, #tpu.memory_space<vmem>> -> memref<1x128xi32, #tpu.memory_space<vmem>>
      %dma_wait3A_78 = tpu.memref_squeeze %dma_wait3A_77 : memref<1x128xi32, #tpu.memory_space<vmem>> -> memref<128xi32, #tpu.memory_space<vmem>>
      %dma_wait3A_79 = arith.constant 0 : i32
      %dma_wait3A_80 = arith.constant 0 : i32
      %dma_wait3A_81 = tpu.memref_slice %arg3[%dma_wait3A_79, %dma_wait3A_80] : memref<100000x128xf32, #tpu.memory_space<hbm>> -> memref<100000x128xf32, #tpu.memory_space<hbm>>
      tpu.wait_indirect_dma semaphore(%arg8 : memref<!tpu.dma_semaphore, #tpu.memory_space<semaphore_mem>>) src(%dma_wait3A_81 : memref<100000x128xf32, #tpu.memory_space<hbm>>) dst(%dma_wait3A_75 : memref<128x128xf32, #tpu.memory_space<vmem>>)
      %mul3A_82 = arith.constant 128 : i32
      %mul3A_83 = arith.muli %add3A_71, %mul3A_82 : i32
      %add3A_84 = arith.addi %mul3A_4, %mul3A_83 : i32
      %dma_start3A_85 = arith.constant 0 : i32
      %dma_start3A_86 = arith.constant 0 : i32
      %dma_start3A_87 = arith.constant 0 : i32
      %dma_start3A_88 = tpu.memref_slice %arg6[%dma_start3A_85, %dma_start3A_86, %dma_start3A_87] : memref<4x128x128xf32, #tpu.memory_space<vmem>> -> memref<1x128x128xf32, #tpu.memory_space<vmem>>
      %dma_start3A_89 = tpu.memref_squeeze %dma_start3A_88 : memref<1x128x128xf32, #tpu.memory_space<vmem>> -> memref<128x128xf32, #tpu.memory_space<vmem>>
      %dma_start3A_90 = arith.constant 0 : i32
      %dma_start3A_91 = tpu.memref_slice %arg4[%add3A_84, %dma_start3A_90] : memref<819200x128xf32, #tpu.memory_space<hbm>> -> memref<128x128xf32, #tpu.memory_space<hbm>>
      %dma_start3A_92 = arith.constant 0 : i32
      %dma_start3A_93 = tpu.memref_slice %arg4[%add3A_84, %dma_start3A_92] : memref<819200x128xf32, #tpu.memory_space<hbm>> -> memref<128x128xf32, #tpu.memory_space<hbm>>
      %dma_start3A_94 = arith.constant 0 : i32
      %dma_start3A_95 = arith.constant 0 : i32
      %dma_start3A_96 = tpu.memref_slice %arg6[%dma_start3A_85, %dma_start3A_94, %dma_start3A_95] : memref<4x128x128xf32, #tpu.memory_space<vmem>> -> memref<1x128x128xf32, #tpu.memory_space<vmem>>
      %dma_start3A_97 = tpu.memref_squeeze %dma_start3A_96 : memref<1x128x128xf32, #tpu.memory_space<vmem>> -> memref<128x128xf32, #tpu.memory_space<vmem>>
      tpu.enqueue_dma source(%dma_start3A_97 : memref<128x128xf32, #tpu.memory_space<vmem>>) target(%dma_start3A_93 : memref<128x128xf32, #tpu.memory_space<hbm>>) target_semaphore(%arg12 : memref<!tpu.dma_semaphore, #tpu.memory_space<semaphore_mem>>)
      %mul3A_98 = arith.constant 4 : i32
      %mul3A_99 = arith.muli %scan3A_66, %mul3A_98 : i32
      %add3A_100 = arith.constant 1 : i32
      %add3A_101 = arith.addi %mul3A_99, %add3A_100 : i32
      %dma_wait3A_102 = arith.constant 1 : i32
      %dma_wait3A_103 = arith.constant 0 : i32
      %dma_wait3A_104 = arith.constant 0 : i32
      %dma_wait3A_105 = tpu.memref_slice %arg6[%dma_wait3A_102, %dma_wait3A_103, %dma_wait3A_104] : memref<4x128x128xf32, #tpu.memory_space<vmem>> -> memref<1x128x128xf32, #tpu.memory_space<vmem>>
      %dma_wait3A_106 = tpu.memref_squeeze %dma_wait3A_105 : memref<1x128x128xf32, #tpu.memory_space<vmem>> -> memref<128x128xf32, #tpu.memory_space<vmem>>
      %dma_wait3A_107 = arith.constant 0 : i32
      %dma_wait3A_108 = tpu.memref_slice %arg5[%add3A_101, %dma_wait3A_107] : memref<200x128xi32, #tpu.memory_space<vmem>> -> memref<1x128xi32, #tpu.memory_space<vmem>>
      %dma_wait3A_109 = tpu.memref_squeeze %dma_wait3A_108 : memref<1x128xi32, #tpu.memory_space<vmem>> -> memref<128xi32, #tpu.memory_space<vmem>>
      %dma_wait3A_110 = arith.constant 0 : i32
      %dma_wait3A_111 = arith.constant 0 : i32
      %dma_wait3A_112 = tpu.memref_slice %arg3[%dma_wait3A_110, %dma_wait3A_111] : memref<100000x128xf32, #tpu.memory_space<hbm>> -> memref<100000x128xf32, #tpu.memory_space<hbm>>
      tpu.wait_indirect_dma semaphore(%arg9 : memref<!tpu.dma_semaphore, #tpu.memory_space<semaphore_mem>>) src(%dma_wait3A_112 : memref<100000x128xf32, #tpu.memory_space<hbm>>) dst(%dma_wait3A_106 : memref<128x128xf32, #tpu.memory_space<vmem>>)
      %mul3A_113 = arith.constant 128 : i32
      %mul3A_114 = arith.muli %add3A_101, %mul3A_113 : i32
      %add3A_115 = arith.addi %mul3A_4, %mul3A_114 : i32
      %dma_start3A_116 = arith.constant 1 : i32
      %dma_start3A_117 = arith.constant 0 : i32
      %dma_start3A_118 = arith.constant 0 : i32
      %dma_start3A_119 = tpu.memref_slice %arg6[%dma_start3A_116, %dma_start3A_117, %dma_start3A_118] : memref<4x128x128xf32, #tpu.memory_space<vmem>> -> memref<1x128x128xf32, #tpu.memory_space<vmem>>
      %dma_start3A_120 = tpu.memref_squeeze %dma_start3A_119 : memref<1x128x128xf32, #tpu.memory_space<vmem>> -> memref<128x128xf32, #tpu.memory_space<vmem>>
      %dma_start3A_121 = arith.constant 0 : i32
      %dma_start3A_122 = tpu.memref_slice %arg4[%add3A_115, %dma_start3A_121] : memref<819200x128xf32, #tpu.memory_space<hbm>> -> memref<128x128xf32, #tpu.memory_space<hbm>>
      %dma_start3A_123 = arith.constant 0 : i32
      %dma_start3A_124 = tpu.memref_slice %arg4[%add3A_115, %dma_start3A_123] : memref<819200x128xf32, #tpu.memory_space<hbm>> -> memref<128x128xf32, #tpu.memory_space<hbm>>
      %dma_start3A_125 = arith.constant 0 : i32
      %dma_start3A_126 = arith.constant 0 : i32
      %dma_start3A_127 = tpu.memref_slice %arg6[%dma_start3A_116, %dma_start3A_125, %dma_start3A_126] : memref<4x128x128xf32, #tpu.memory_space<vmem>> -> memref<1x128x128xf32, #tpu.memory_space<vmem>>
      %dma_start3A_128 = tpu.memref_squeeze %dma_start3A_127 : memref<1x128x128xf32, #tpu.memory_space<vmem>> -> memref<128x128xf32, #tpu.memory_space<vmem>>
      tpu.enqueue_dma source(%dma_start3A_128 : memref<128x128xf32, #tpu.memory_space<vmem>>) target(%dma_start3A_124 : memref<128x128xf32, #tpu.memory_space<hbm>>) target_semaphore(%arg13 : memref<!tpu.dma_semaphore, #tpu.memory_space<semaphore_mem>>)
      %mul3A_129 = arith.constant 4 : i32
      %mul3A_130 = arith.muli %scan3A_66, %mul3A_129 : i32
      %add3A_131 = arith.constant 2 : i32
      %add3A_132 = arith.addi %mul3A_130, %add3A_131 : i32
      %dma_wait3A_133 = arith.constant 2 : i32
      %dma_wait3A_134 = arith.constant 0 : i32
      %dma_wait3A_135 = arith.constant 0 : i32
      %dma_wait3A_136 = tpu.memref_slice %arg6[%dma_wait3A_133, %dma_wait3A_134, %dma_wait3A_135] : memref<4x128x128xf32, #tpu.memory_space<vmem>> -> memref<1x128x128xf32, #tpu.memory_space<vmem>>
      %dma_wait3A_137 = tpu.memref_squeeze %dma_wait3A_136 : memref<1x128x128xf32, #tpu.memory_space<vmem>> -> memref<128x128xf32, #tpu.memory_space<vmem>>
      %dma_wait3A_138 = arith.constant 0 : i32
      %dma_wait3A_139 = tpu.memref_slice %arg5[%add3A_132, %dma_wait3A_138] : memref<200x128xi32, #tpu.memory_space<vmem>> -> memref<1x128xi32, #tpu.memory_space<vmem>>
      %dma_wait3A_140 = tpu.memref_squeeze %dma_wait3A_139 : memref<1x128xi32, #tpu.memory_space<vmem>> -> memref<128xi32, #tpu.memory_space<vmem>>
      %dma_wait3A_141 = arith.constant 0 : i32
      %dma_wait3A_142 = arith.constant 0 : i32
      %dma_wait3A_143 = tpu.memref_slice %arg3[%dma_wait3A_141, %dma_wait3A_142] : memref<100000x128xf32, #tpu.memory_space<hbm>> -> memref<100000x128xf32, #tpu.memory_space<hbm>>
      tpu.wait_indirect_dma semaphore(%arg10 : memref<!tpu.dma_semaphore, #tpu.memory_space<semaphore_mem>>) src(%dma_wait3A_143 : memref<100000x128xf32, #tpu.memory_space<hbm>>) dst(%dma_wait3A_137 : memref<128x128xf32, #tpu.memory_space<vmem>>)
      %mul3A_144 = arith.constant 128 : i32
      %mul3A_145 = arith.muli %add3A_132, %mul3A_144 : i32
      %add3A_146 = arith.addi %mul3A_4, %mul3A_145 : i32
      %dma_start3A_147 = arith.constant 2 : i32
      %dma_start3A_148 = arith.constant 0 : i32
      %dma_start3A_149 = arith.constant 0 : i32
      %dma_start3A_150 = tpu.memref_slice %arg6[%dma_start3A_147, %dma_start3A_148, %dma_start3A_149] : memref<4x128x128xf32, #tpu.memory_space<vmem>> -> memref<1x128x128xf32, #tpu.memory_space<vmem>>
      %dma_start3A_151 = tpu.memref_squeeze %dma_start3A_150 : memref<1x128x128xf32, #tpu.memory_space<vmem>> -> memref<128x128xf32, #tpu.memory_space<vmem>>
      %dma_start3A_152 = arith.constant 0 : i32
      %dma_start3A_153 = tpu.memref_slice %arg4[%add3A_146, %dma_start3A_152] : memref<819200x128xf32, #tpu.memory_space<hbm>> -> memref<128x128xf32, #tpu.memory_space<hbm>>
      %dma_start3A_154 = arith.constant 0 : i32
      %dma_start3A_155 = tpu.memref_slice %arg4[%add3A_146, %dma_start3A_154] : memref<819200x128xf32, #tpu.memory_space<hbm>> -> memref<128x128xf32, #tpu.memory_space<hbm>>
      %dma_start3A_156 = arith.constant 0 : i32
      %dma_start3A_157 = arith.constant 0 : i32
      %dma_start3A_158 = tpu.memref_slice %arg6[%dma_start3A_147, %dma_start3A_156, %dma_start3A_157] : memref<4x128x128xf32, #tpu.memory_space<vmem>> -> memref<1x128x128xf32, #tpu.memory_space<vmem>>
      %dma_start3A_159 = tpu.memref_squeeze %dma_start3A_158 : memref<1x128x128xf32, #tpu.memory_space<vmem>> -> memref<128x128xf32, #tpu.memory_space<vmem>>
      tpu.enqueue_dma source(%dma_start3A_159 : memref<128x128xf32, #tpu.memory_space<vmem>>) target(%dma_start3A_155 : memref<128x128xf32, #tpu.memory_space<hbm>>) target_semaphore(%arg14 : memref<!tpu.dma_semaphore, #tpu.memory_space<semaphore_mem>>)
      %mul3A_160 = arith.constant 4 : i32
      %mul3A_161 = arith.muli %scan3A_66, %mul3A_160 : i32
      %add3A_162 = arith.constant 3 : i32
      %add3A_163 = arith.addi %mul3A_161, %add3A_162 : i32
      %dma_wait3A_164 = arith.constant 3 : i32
      %dma_wait3A_165 = arith.constant 0 : i32
      %dma_wait3A_166 = arith.constant 0 : i32
      %dma_wait3A_167 = tpu.memref_slice %arg6[%dma_wait3A_164, %dma_wait3A_165, %dma_wait3A_166] : memref<4x128x128xf32, #tpu.memory_space<vmem>> -> memref<1x128x128xf32, #tpu.memory_space<vmem>>
      %dma_wait3A_168 = tpu.memref_squeeze %dma_wait3A_167 : memref<1x128x128xf32, #tpu.memory_space<vmem>> -> memref<128x128xf32, #tpu.memory_space<vmem>>
      %dma_wait3A_169 = arith.constant 0 : i32
      %dma_wait3A_170 = tpu.memref_slice %arg5[%add3A_163, %dma_wait3A_169] : memref<200x128xi32, #tpu.memory_space<vmem>> -> memref<1x128xi32, #tpu.memory_space<vmem>>
      %dma_wait3A_171 = tpu.memref_squeeze %dma_wait3A_170 : memref<1x128xi32, #tpu.memory_space<vmem>> -> memref<128xi32, #tpu.memory_space<vmem>>
      %dma_wait3A_172 = arith.constant 0 : i32
      %dma_wait3A_173 = arith.constant 0 : i32
      %dma_wait3A_174 = tpu.memref_slice %arg3[%dma_wait3A_172, %dma_wait3A_173] : memref<100000x128xf32, #tpu.memory_space<hbm>> -> memref<100000x128xf32, #tpu.memory_space<hbm>>
      tpu.wait_indirect_dma semaphore(%arg11 : memref<!tpu.dma_semaphore, #tpu.memory_space<semaphore_mem>>) src(%dma_wait3A_174 : memref<100000x128xf32, #tpu.memory_space<hbm>>) dst(%dma_wait3A_168 : memref<128x128xf32, #tpu.memory_space<vmem>>)
      %mul3A_175 = arith.constant 128 : i32
      %mul3A_176 = arith.muli %add3A_163, %mul3A_175 : i32
      %add3A_177 = arith.addi %mul3A_4, %mul3A_176 : i32
      %dma_start3A_178 = arith.constant 3 : i32
      %dma_start3A_179 = arith.constant 0 : i32
      %dma_start3A_180 = arith.constant 0 : i32
      %dma_start3A_181 = tpu.memref_slice %arg6[%dma_start3A_178, %dma_start3A_179, %dma_start3A_180] : memref<4x128x128xf32, #tpu.memory_space<vmem>> -> memref<1x128x128xf32, #tpu.memory_space<vmem>>
      %dma_start3A_182 = tpu.memref_squeeze %dma_start3A_181 : memref<1x128x128xf32, #tpu.memory_space<vmem>> -> memref<128x128xf32, #tpu.memory_space<vmem>>
      %dma_start3A_183 = arith.constant 0 : i32
      %dma_start3A_184 = tpu.memref_slice %arg4[%add3A_177, %dma_start3A_183] : memref<819200x128xf32, #tpu.memory_space<hbm>> -> memref<128x128xf32, #tpu.memory_space<hbm>>
      %dma_start3A_185 = arith.constant 0 : i32
      %dma_start3A_186 = tpu.memref_slice %arg4[%add3A_177, %dma_start3A_185] : memref<819200x128xf32, #tpu.memory_space<hbm>> -> memref<128x128xf32, #tpu.memory_space<hbm>>
      %dma_start3A_187 = arith.constant 0 : i32
      %dma_start3A_188 = arith.constant 0 : i32
      %dma_start3A_189 = tpu.memref_slice %arg6[%dma_start3A_178, %dma_start3A_187, %dma_start3A_188] : memref<4x128x128xf32, #tpu.memory_space<vmem>> -> memref<1x128x128xf32, #tpu.memory_space<vmem>>
      %dma_start3A_190 = tpu.memref_squeeze %dma_start3A_189 : memref<1x128x128xf32, #tpu.memory_space<vmem>> -> memref<128x128xf32, #tpu.memory_space<vmem>>
      tpu.enqueue_dma source(%dma_start3A_190 : memref<128x128xf32, #tpu.memory_space<vmem>>) target(%dma_start3A_186 : memref<128x128xf32, #tpu.memory_space<hbm>>) target_semaphore(%arg15 : memref<!tpu.dma_semaphore, #tpu.memory_space<semaphore_mem>>)
      %mul3A_191 = arith.constant 4 : i32
      %mul3A_192 = arith.muli %scan3A_66, %mul3A_191 : i32
      %add3A_193 = arith.constant 0 : i32
      %add3A_194 = arith.addi %mul3A_192, %add3A_193 : i32
      %mul3A_195 = arith.constant 128 : i32
      %mul3A_196 = arith.muli %add3A_194, %mul3A_195 : i32
      %add3A_197 = arith.addi %mul3A_4, %mul3A_196 : i32
      %dma_wait3A_198 = arith.constant 0 : i32
      %dma_wait3A_199 = arith.constant 0 : i32
      %dma_wait3A_200 = arith.constant 0 : i32
      %dma_wait3A_201 = tpu.memref_slice %arg6[%dma_wait3A_198, %dma_wait3A_199, %dma_wait3A_200] : memref<4x128x128xf32, #tpu.memory_space<vmem>> -> memref<1x128x128xf32, #tpu.memory_space<vmem>>
      %dma_wait3A_202 = tpu.memref_squeeze %dma_wait3A_201 : memref<1x128x128xf32, #tpu.memory_space<vmem>> -> memref<128x128xf32, #tpu.memory_space<vmem>>
      %dma_wait3A_203 = arith.constant 0 : i32
      %dma_wait3A_204 = tpu.memref_slice %arg4[%add3A_197, %dma_wait3A_203] : memref<819200x128xf32, #tpu.memory_space<hbm>> -> memref<128x128xf32, #tpu.memory_space<hbm>>
      %dma_wait3A_205 = arith.constant 0 : i32
      %dma_wait3A_206 = tpu.memref_slice %arg4[%add3A_197, %dma_wait3A_205] : memref<819200x128xf32, #tpu.memory_space<hbm>> -> memref<128x128xf32, #tpu.memory_space<hbm>>
      %dma_wait3A_207 = arith.constant 0 : i32
      %dma_wait3A_208 = arith.constant 0 : i32
      %dma_wait3A_209 = tpu.memref_slice %arg6[%dma_wait3A_198, %dma_wait3A_207, %dma_wait3A_208] : memref<4x128x128xf32, #tpu.memory_space<vmem>> -> memref<1x128x128xf32, #tpu.memory_space<vmem>>
      %dma_wait3A_210 = tpu.memref_squeeze %dma_wait3A_209 : memref<1x128x128xf32, #tpu.memory_space<vmem>> -> memref<128x128xf32, #tpu.memory_space<vmem>>
      tpu.wait_dma2 semaphore(%arg12 : memref<!tpu.dma_semaphore, #tpu.memory_space<semaphore_mem>>) src(%dma_wait3A_210 : memref<128x128xf32, #tpu.memory_space<vmem>>) dst(%dma_wait3A_206 : memref<128x128xf32, #tpu.memory_space<hbm>>)
      %broadcast_in_dim3A_211 = arith.constant 100000 : i32
      %broadcast_in_dim3A_212 = vector.broadcast %broadcast_in_dim3A_211 : i32 to vector<16xi32>
      %scan3A_213 = arith.constant 0 : i32
      %scan3A_214 = arith.constant 8 : i32
      %scan3A_215 = arith.addi %scan3A_213, %scan3A_214 : i32
      %scan3A_216 = arith.constant 1 : i32
      %scan3A_217 = scf.for %scan3A_533 = %scan3A_213 to %scan3A_215 step %scan3A_216 iter_args(%scan3A_534 = %broadcast_in_dim3A_212) -> (vector<16xi32>)  : i32 {
        %mul3A_535 = arith.constant 16 : i32
        %mul3A_536 = arith.muli %scan3A_533, %mul3A_535 : i32
        %get3A = arith.index_cast %add3A_194 : i32 to index
        %get3A_537 = arith.index_cast %mul3A_536 : i32 to index
        %get3A_538 = tpu.vector_load %arg5[%get3A, %get3A_537] {strides = array<i32>} : memref<200x128xi32, #tpu.memory_space<vmem>>, vector<1x16xi32>,
        %get3A_539 = vector.shape_cast %get3A_538 : vector<1x16xi32> to vector<16xi32>
        %min3A_540 = arith.minsi %scan3A_534, %get3A_539 : vector<16xi32>
        scf.yield %min3A_540 : vector<16xi32>
      }
      %scan3A_218 = arith.constant 8 : i32
      %slice3A = vector.extract_strided_slice %scan3A_217 {offsets = [0], sizes = [1], strides = [1]} : vector<16xi32> to vector<1xi32>
      %squeeze3A = vector.extract %slice3A[0] : i32 from vector<1xi32>
      %slice3A_219 = vector.extract_strided_slice %scan3A_217 {offsets = [1], sizes = [1], strides = [1]} : vector<16xi32> to vector<1xi32>
      %squeeze3A_220 = vector.extract %slice3A_219[0] : i32 from vector<1xi32>
      %min3A = arith.minsi %squeeze3A, %squeeze3A_220 : i32
      %slice3A_221 = vector.extract_strided_slice %scan3A_217 {offsets = [2], sizes = [1], strides = [1]} : vector<16xi32> to vector<1xi32>
      %squeeze3A_222 = vector.extract %slice3A_221[0] : i32 from vector<1xi32>
      %min3A_223 = arith.minsi %min3A, %squeeze3A_222 : i32
      %slice3A_224 = vector.extract_strided_slice %scan3A_217 {offsets = [3], sizes = [1], strides = [1]} : vector<16xi32> to vector<1xi32>
      %squeeze3A_225 = vector.extract %slice3A_224[0] : i32 from vector<1xi32>
      %min3A_226 = arith.minsi %min3A_223, %squeeze3A_225 : i32
      %slice3A_227 = vector.extract_strided_slice %scan3A_217 {offsets = [4], sizes = [1], strides = [1]} : vector<16xi32> to vector<1xi32>
      %squeeze3A_228 = vector.extract %slice3A_227[0] : i32 from vector<1xi32>
      %min3A_229 = arith.minsi %min3A_226, %squeeze3A_228 : i32
      %slice3A_230 = vector.extract_strided_slice %scan3A_217 {offsets = [5], sizes = [1], strides = [1]} : vector<16xi32> to vector<1xi32>
      %squeeze3A_231 = vector.extract %slice3A_230[0] : i32 from vector<1xi32>
      %min3A_232 = arith.minsi %min3A_229, %squeeze3A_231 : i32
      %slice3A_233 = vector.extract_strided_slice %scan3A_217 {offsets = [6], sizes = [1], strides = [1]} : vector<16xi32> to vector<1xi32>
      %squeeze3A_234 = vector.extract %slice3A_233[0] : i32 from vector<1xi32>
      %min3A_235 = arith.minsi %min3A_232, %squeeze3A_234 : i32
      %slice3A_236 = vector.extract_strided_slice %scan3A_217 {offsets = [7], sizes = [1], strides = [1]} : vector<16xi32> to vector<1xi32>
      %squeeze3A_237 = vector.extract %slice3A_236[0] : i32 from vector<1xi32>
      %min3A_238 = arith.minsi %min3A_235, %squeeze3A_237 : i32
      %slice3A_239 = vector.extract_strided_slice %scan3A_217 {offsets = [8], sizes = [1], strides = [1]} : vector<16xi32> to vector<1xi32>
      %squeeze3A_240 = vector.extract %slice3A_239[0] : i32 from vector<1xi32>
      %min3A_241 = arith.minsi %min3A_238, %squeeze3A_240 : i32
      %slice3A_242 = vector.extract_strided_slice %scan3A_217 {offsets = [9], sizes = [1], strides = [1]} : vector<16xi32> to vector<1xi32>
      %squeeze3A_243 = vector.extract %slice3A_242[0] : i32 from vector<1xi32>
      %min3A_244 = arith.minsi %min3A_241, %squeeze3A_243 : i32
      %slice3A_245 = vector.extract_strided_slice %scan3A_217 {offsets = [10], sizes = [1], strides = [1]} : vector<16xi32> to vector<1xi32>
      %squeeze3A_246 = vector.extract %slice3A_245[0] : i32 from vector<1xi32>
      %min3A_247 = arith.minsi %min3A_244, %squeeze3A_246 : i32
      %slice3A_248 = vector.extract_strided_slice %scan3A_217 {offsets = [11], sizes = [1], strides = [1]} : vector<16xi32> to vector<1xi32>
      %squeeze3A_249 = vector.extract %slice3A_248[0] : i32 from vector<1xi32>
      %min3A_250 = arith.minsi %min3A_247, %squeeze3A_249 : i32
      %slice3A_251 = vector.extract_strided_slice %scan3A_217 {offsets = [12], sizes = [1], strides = [1]} : vector<16xi32> to vector<1xi32>
      %squeeze3A_252 = vector.extract %slice3A_251[0] : i32 from vector<1xi32>
      %min3A_253 = arith.minsi %min3A_250, %squeeze3A_252 : i32
      %slice3A_254 = vector.extract_strided_slice %scan3A_217 {offsets = [13], sizes = [1], strides = [1]} : vector<16xi32> to vector<1xi32>
      %squeeze3A_255 = vector.extract %slice3A_254[0] : i32 from vector<1xi32>
      %min3A_256 = arith.minsi %min3A_253, %squeeze3A_255 : i32
      %slice3A_257 = vector.extract_strided_slice %scan3A_217 {offsets = [14], sizes = [1], strides = [1]} : vector<16xi32> to vector<1xi32>
      %squeeze3A_258 = vector.extract %slice3A_257[0] : i32 from vector<1xi32>
      %min3A_259 = arith.minsi %min3A_256, %squeeze3A_258 : i32
      %slice3A_260 = vector.extract_strided_slice %scan3A_217 {offsets = [15], sizes = [1], strides = [1]} : vector<16xi32> to vector<1xi32>
      %squeeze3A_261 = vector.extract %slice3A_260[0] : i32 from vector<1xi32>
      %min3A_262 = arith.minsi %min3A_259, %squeeze3A_261 : i32
      %eq3A = arith.constant 0 : i32
      %eq3A_263 = arith.cmpi eq, %min3A_262, %eq3A : i32
      %convert_element_type3A = arith.extui %eq3A_263 : i1 to i32
      %cond3A = arith.constant 0 : i32
      %cond3A_264 = arith.cmpi ne, %convert_element_type3A, %cond3A : i32
      scf.if %cond3A_264 {
        %scan3A_533 = arith.constant 0 : i32
        %scan3A_534 = arith.constant 0 : i32
        %scan3A_535 = arith.constant 8 : i32
        %scan3A_536 = arith.addi %scan3A_534, %scan3A_535 : i32
        %scan3A_537 = arith.constant 1 : i32
        %scan3A_538 = scf.for %scan3A_540 = %scan3A_534 to %scan3A_536 step %scan3A_537 iter_args(%scan3A_541 = %scan3A_533) -> (i32)  : i32 {
          %mul3A_542 = arith.constant 16 : i32
          %mul3A_543 = arith.muli %scan3A_540, %mul3A_542 : i32
          %get3A = arith.index_cast %add3A_194 : i32 to index
          %get3A_544 = arith.index_cast %mul3A_543 : i32 to index
          %get3A_545 = tpu.vector_load %arg5[%get3A, %get3A_544] {strides = array<i32>} : memref<200x128xi32, #tpu.memory_space<vmem>>, vector<1x16xi32>,
          %get3A_546 = vector.shape_cast %get3A_545 : vector<1x16xi32> to vector<16xi32>
          %eq3A_547 = arith.constant 0 : i32
          %eq3A_548 = vector.broadcast %eq3A_547 : i32 to vector<16xi32>
          %eq3A_549 = arith.cmpi eq, %get3A_546, %eq3A_548 : vector<16xi32>
          %slice3A_550 = vector.extract_strided_slice %get3A_546 {offsets = [0], sizes = [1], strides = [1]} : vector<16xi32> to vector<1xi32>
          %squeeze3A_551 = vector.extract %slice3A_550[0] : i32 from vector<1xi32>
          %slice3A_552 = vector.extract_strided_slice %get3A_546 {offsets = [15], sizes = [1], strides = [1]} : vector<16xi32> to vector<1xi32>
          %squeeze3A_553 = vector.extract %slice3A_552[0] : i32 from vector<1xi32>
          %eq3A_554 = arith.constant 0 : i32
          %eq3A_555 = arith.cmpi eq, %squeeze3A_553, %eq3A_554 : i32
          %jit3A = arith.constant 15 : i32
          %jit3A_556 = arith.constant 16 : i32
          %select_n3A = arith.select %eq3A_555, %jit3A, %jit3A_556 : i32
          %slice3A_557 = vector.extract_strided_slice %get3A_546 {offsets = [1], sizes = [1], strides = [1]} : vector<16xi32> to vector<1xi32>
          %squeeze3A_558 = vector.extract %slice3A_557[0] : i32 from vector<1xi32>
          %min3A_559 = arith.minsi %squeeze3A_551, %squeeze3A_558 : i32
          %slice3A_560 = vector.extract_strided_slice %get3A_546 {offsets = [2], sizes = [1], strides = [1]} : vector<16xi32> to vector<1xi32>
          %squeeze3A_561 = vector.extract %slice3A_560[0] : i32 from vector<1xi32>
          %min3A_562 = arith.minsi %min3A_559, %squeeze3A_561 : i32
          %slice3A_563 = vector.extract_strided_slice %get3A_546 {offsets = [3], sizes = [1], strides = [1]} : vector<16xi32> to vector<1xi32>
          %squeeze3A_564 = vector.extract %slice3A_563[0] : i32 from vector<1xi32>
          %min3A_565 = arith.minsi %min3A_562, %squeeze3A_564 : i32
          %slice3A_566 = vector.extract_strided_slice %get3A_546 {offsets = [4], sizes = [1], strides = [1]} : vector<16xi32> to vector<1xi32>
          %squeeze3A_567 = vector.extract %slice3A_566[0] : i32 from vector<1xi32>
          %min3A_568 = arith.minsi %min3A_565, %squeeze3A_567 : i32
          %slice3A_569 = vector.extract_strided_slice %get3A_546 {offsets = [5], sizes = [1], strides = [1]} : vector<16xi32> to vector<1xi32>
          %squeeze3A_570 = vector.extract %slice3A_569[0] : i32 from vector<1xi32>
          %min3A_571 = arith.minsi %min3A_568, %squeeze3A_570 : i32
          %slice3A_572 = vector.extract_strided_slice %get3A_546 {offsets = [6], sizes = [1], strides = [1]} : vector<16xi32> to vector<1xi32>
          %squeeze3A_573 = vector.extract %slice3A_572[0] : i32 from vector<1xi32>
          %min3A_574 = arith.minsi %min3A_571, %squeeze3A_573 : i32
          %slice3A_575 = vector.extract_strided_slice %get3A_546 {offsets = [7], sizes = [1], strides = [1]} : vector<16xi32> to vector<1xi32>
          %squeeze3A_576 = vector.extract %slice3A_575[0] : i32 from vector<1xi32>
          %min3A_577 = arith.minsi %min3A_574, %squeeze3A_576 : i32
          %slice3A_578 = vector.extract_strided_slice %get3A_546 {offsets = [8], sizes = [1], strides = [1]} : vector<16xi32> to vector<1xi32>
          %squeeze3A_579 = vector.extract %slice3A_578[0] : i32 from vector<1xi32>
          %min3A_580 = arith.minsi %min3A_577, %squeeze3A_579 : i32
          %slice3A_581 = vector.extract_strided_slice %get3A_546 {offsets = [9], sizes = [1], strides = [1]} : vector<16xi32> to vector<1xi32>
          %squeeze3A_582 = vector.extract %slice3A_581[0] : i32 from vector<1xi32>
          %min3A_583 = arith.minsi %min3A_580, %squeeze3A_582 : i32
          %slice3A_584 = vector.extract_strided_slice %get3A_546 {offsets = [10], sizes = [1], strides = [1]} : vector<16xi32> to vector<1xi32>
          %squeeze3A_585 = vector.extract %slice3A_584[0] : i32 from vector<1xi32>
          %min3A_586 = arith.minsi %min3A_583, %squeeze3A_585 : i32
          %slice3A_587 = vector.extract_strided_slice %get3A_546 {offsets = [11], sizes = [1], strides = [1]} : vector<16xi32> to vector<1xi32>
          %squeeze3A_588 = vector.extract %slice3A_587[0] : i32 from vector<1xi32>
          %min3A_589 = arith.minsi %min3A_586, %squeeze3A_588 : i32
          %slice3A_590 = vector.extract_strided_slice %get3A_546 {offsets = [12], sizes = [1], strides = [1]} : vector<16xi32> to vector<1xi32>
          %squeeze3A_591 = vector.extract %slice3A_590[0] : i32 from vector<1xi32>
          %min3A_592 = arith.minsi %min3A_589, %squeeze3A_591 : i32
          %slice3A_593 = vector.extract_strided_slice %get3A_546 {offsets = [13], sizes = [1], strides = [1]} : vector<16xi32> to vector<1xi32>
          %squeeze3A_594 = vector.extract %slice3A_593[0] : i32 from vector<1xi32>
          %min3A_595 = arith.minsi %min3A_592, %squeeze3A_594 : i32
          %slice3A_596 = vector.extract_strided_slice %get3A_546 {offsets = [14], sizes = [1], strides = [1]} : vector<16xi32> to vector<1xi32>
          %squeeze3A_597 = vector.extract %slice3A_596[0] : i32 from vector<1xi32>
          %min3A_598 = arith.minsi %min3A_595, %squeeze3A_597 : i32
          %slice3A_599 = vector.extract_strided_slice %get3A_546 {offsets = [15], sizes = [1], strides = [1]} : vector<16xi32> to vector<1xi32>
          %squeeze3A_600 = vector.extract %slice3A_599[0] : i32 from vector<1xi32>
          %min3A_601 = arith.minsi %min3A_598, %squeeze3A_600 : i32
          %slice3A_602 = vector.extract_strided_slice %get3A_546 {offsets = [14], sizes = [1], strides = [1]} : vector<16xi32> to vector<1xi32>
          %squeeze3A_603 = vector.extract %slice3A_602[0] : i32 from vector<1xi32>
          %eq3A_604 = arith.constant 0 : i32
          %eq3A_605 = arith.cmpi eq, %squeeze3A_603, %eq3A_604 : i32
          %jit3A_606 = arith.constant 14 : i32
          %select_n3A_607 = arith.select %eq3A_605, %jit3A_606, %select_n3A : i32
          %slice3A_608 = vector.extract_strided_slice %get3A_546 {offsets = [13], sizes = [1], strides = [1]} : vector<16xi32> to vector<1xi32>
          %squeeze3A_609 = vector.extract %slice3A_608[0] : i32 from vector<1xi32>
          %eq3A_610 = arith.constant 0 : i32
          %eq3A_611 = arith.cmpi eq, %squeeze3A_609, %eq3A_610 : i32
          %jit3A_612 = arith.constant 13 : i32
          %select_n3A_613 = arith.select %eq3A_611, %jit3A_612, %select_n3A_607 : i32
          %slice3A_614 = vector.extract_strided_slice %get3A_546 {offsets = [12], sizes = [1], strides = [1]} : vector<16xi32> to vector<1xi32>
          %squeeze3A_615 = vector.extract %slice3A_614[0] : i32 from vector<1xi32>
          %eq3A_616 = arith.constant 0 : i32
          %eq3A_617 = arith.cmpi eq, %squeeze3A_615, %eq3A_616 : i32
          %jit3A_618 = arith.constant 12 : i32
          %select_n3A_619 = arith.select %eq3A_617, %jit3A_618, %select_n3A_613 : i32
          %slice3A_620 = vector.extract_strided_slice %get3A_546 {offsets = [11], sizes = [1], strides = [1]} : vector<16xi32> to vector<1xi32>
          %squeeze3A_621 = vector.extract %slice3A_620[0] : i32 from vector<1xi32>
          %eq3A_622 = arith.constant 0 : i32
          %eq3A_623 = arith.cmpi eq, %squeeze3A_621, %eq3A_622 : i32
          %jit3A_624 = arith.constant 11 : i32
          %select_n3A_625 = arith.select %eq3A_623, %jit3A_624, %select_n3A_619 : i32
          %slice3A_626 = vector.extract_strided_slice %get3A_546 {offsets = [10], sizes = [1], strides = [1]} : vector<16xi32> to vector<1xi32>
          %squeeze3A_627 = vector.extract %slice3A_626[0] : i32 from vector<1xi32>
          %eq3A_628 = arith.constant 0 : i32
          %eq3A_629 = arith.cmpi eq, %squeeze3A_627, %eq3A_628 : i32
          %jit3A_630 = arith.constant 10 : i32
          %select_n3A_631 = arith.select %eq3A_629, %jit3A_630, %select_n3A_625 : i32
          %slice3A_632 = vector.extract_strided_slice %get3A_546 {offsets = [9], sizes = [1], strides = [1]} : vector<16xi32> to vector<1xi32>
          %squeeze3A_633 = vector.extract %slice3A_632[0] : i32 from vector<1xi32>
          %eq3A_634 = arith.constant 0 : i32
          %eq3A_635 = arith.cmpi eq, %squeeze3A_633, %eq3A_634 : i32
          %jit3A_636 = arith.constant 9 : i32
          %select_n3A_637 = arith.select %eq3A_635, %jit3A_636, %select_n3A_631 : i32
          %slice3A_638 = vector.extract_strided_slice %get3A_546 {offsets = [8], sizes = [1], strides = [1]} : vector<16xi32> to vector<1xi32>
          %squeeze3A_639 = vector.extract %slice3A_638[0] : i32 from vector<1xi32>
          %eq3A_640 = arith.constant 0 : i32
          %eq3A_641 = arith.cmpi eq, %squeeze3A_639, %eq3A_640 : i32
          %jit3A_642 = arith.constant 8 : i32
          %select_n3A_643 = arith.select %eq3A_641, %jit3A_642, %select_n3A_637 : i32
          %slice3A_644 = vector.extract_strided_slice %get3A_546 {offsets = [7], sizes = [1], strides = [1]} : vector<16xi32> to vector<1xi32>
          %squeeze3A_645 = vector.extract %slice3A_644[0] : i32 from vector<1xi32>
          %eq3A_646 = arith.constant 0 : i32
          %eq3A_647 = arith.cmpi eq, %squeeze3A_645, %eq3A_646 : i32
          %jit3A_648 = arith.constant 7 : i32
          %select_n3A_649 = arith.select %eq3A_647, %jit3A_648, %select_n3A_643 : i32
          %slice3A_650 = vector.extract_strided_slice %get3A_546 {offsets = [6], sizes = [1], strides = [1]} : vector<16xi32> to vector<1xi32>
          %squeeze3A_651 = vector.extract %slice3A_650[0] : i32 from vector<1xi32>
          %eq3A_652 = arith.constant 0 : i32
          %eq3A_653 = arith.cmpi eq, %squeeze3A_651, %eq3A_652 : i32
          %jit3A_654 = arith.constant 6 : i32
          %select_n3A_655 = arith.select %eq3A_653, %jit3A_654, %select_n3A_649 : i32
          %slice3A_656 = vector.extract_strided_slice %get3A_546 {offsets = [5], sizes = [1], strides = [1]} : vector<16xi32> to vector<1xi32>
          %squeeze3A_657 = vector.extract %slice3A_656[0] : i32 from vector<1xi32>
          %eq3A_658 = arith.constant 0 : i32
          %eq3A_659 = arith.cmpi eq, %squeeze3A_657, %eq3A_658 : i32
          %jit3A_660 = arith.constant 5 : i32
          %select_n3A_661 = arith.select %eq3A_659, %jit3A_660, %select_n3A_655 : i32
          %slice3A_662 = vector.extract_strided_slice %get3A_546 {offsets = [4], sizes = [1], strides = [1]} : vector<16xi32> to vector<1xi32>
          %squeeze3A_663 = vector.extract %slice3A_662[0] : i32 from vector<1xi32>
          %eq3A_664 = arith.constant 0 : i32
          %eq3A_665 = arith.cmpi eq, %squeeze3A_663, %eq3A_664 : i32
          %jit3A_666 = arith.constant 4 : i32
          %select_n3A_667 = arith.select %eq3A_665, %jit3A_666, %select_n3A_661 : i32
          %slice3A_668 = vector.extract_strided_slice %get3A_546 {offsets = [3], sizes = [1], strides = [1]} : vector<16xi32> to vector<1xi32>
          %squeeze3A_669 = vector.extract %slice3A_668[0] : i32 from vector<1xi32>
          %eq3A_670 = arith.constant 0 : i32
          %eq3A_671 = arith.cmpi eq, %squeeze3A_669, %eq3A_670 : i32
          %jit3A_672 = arith.constant 3 : i32
          %select_n3A_673 = arith.select %eq3A_671, %jit3A_672, %select_n3A_667 : i32
          %slice3A_674 = vector.extract_strided_slice %get3A_546 {offsets = [2], sizes = [1], strides = [1]} : vector<16xi32> to vector<1xi32>
          %squeeze3A_675 = vector.extract %slice3A_674[0] : i32 from vector<1xi32>
          %eq3A_676 = arith.constant 0 : i32
          %eq3A_677 = arith.cmpi eq, %squeeze3A_675, %eq3A_676 : i32
          %jit3A_678 = arith.constant 2 : i32
          %select_n3A_679 = arith.select %eq3A_677, %jit3A_678, %select_n3A_673 : i32
          %slice3A_680 = vector.extract_strided_slice %get3A_546 {offsets = [1], sizes = [1], strides = [1]} : vector<16xi32> to vector<1xi32>
          %squeeze3A_681 = vector.extract %slice3A_680[0] : i32 from vector<1xi32>
          %eq3A_682 = arith.constant 0 : i32
          %eq3A_683 = arith.cmpi eq, %squeeze3A_681, %eq3A_682 : i32
          %jit3A_684 = arith.constant 1 : i32
          %select_n3A_685 = arith.select %eq3A_683, %jit3A_684, %select_n3A_679 : i32
          %slice3A_686 = vector.extract_strided_slice %get3A_546 {offsets = [0], sizes = [1], strides = [1]} : vector<16xi32> to vector<1xi32>
          %squeeze3A_687 = vector.extract %slice3A_686[0] : i32 from vector<1xi32>
          %eq3A_688 = arith.constant 0 : i32
          %eq3A_689 = arith.cmpi eq, %squeeze3A_687, %eq3A_688 : i32
          %jit3A_690 = arith.constant 0 : i32
          %select_n3A_691 = arith.select %eq3A_689, %jit3A_690, %select_n3A_685 : i32
          %eq3A_692 = arith.constant 0 : i32
          %eq3A_693 = arith.cmpi eq, %min3A_601, %eq3A_692 : i32
          %convert_element_type3A_694 = arith.extui %eq3A_693 : i1 to i32
          %cond3A_695 = arith.constant 0 : i32
          %cond3A_696 = arith.cmpi ne, %convert_element_type3A_694, %cond3A_695 : i32
          scf.if %cond3A_696 {
            %mul3A_698 = arith.constant 128 : i32
            %mul3A_699 = arith.muli %add3A_194, %mul3A_698 : i32
            %add3A_700 = arith.addi %mul3A_4, %mul3A_699 : i32
            %mul3A_701 = arith.constant 16 : i32
            %mul3A_702 = arith.muli %scan3A_540, %mul3A_701 : i32
            %add3A_703 = arith.addi %add3A_700, %mul3A_702 : i32
            %iota3A = tpu.iota {dimensions = array<i32: 0>} : vector<16xi32>
            %add3A_704 = vector.broadcast %add3A_703 : i32 to vector<16xi32>
            %add3A_705 = arith.addi %add3A_704, %iota3A : vector<16xi32>
            %add3A_706 = arith.addi %add3A_703, %select_n3A_691 : i32
            %broadcast_in_dim3A_707 = vector.broadcast %add3A_706 : i32 to vector<16xi32>
            %select_n3A_708 = arith.select %eq3A_549, %add3A_705, %broadcast_in_dim3A_707 : vector<16xi1>, vector<16xi32>
            %dma_start3A_709 = arith.constant 0 : i32
            %dma_start3A_710 = arith.constant 0 : i32
            %dma_start3A_711 = tpu.memref_slice %arg4[%dma_start3A_709, %dma_start3A_710] : memref<819200x128xf32, #tpu.memory_space<hbm>> -> memref<819200x128xf32, #tpu.memory_space<hbm>>
            tpu.enqueue_indirect_dma source(%arg7 : memref<16x128xf32, #tpu.memory_space<vmem>>) target(%dma_start3A_711 : memref<819200x128xf32, #tpu.memory_space<hbm>>) offsets(%select_n3A_708 : vector<16xi32>) semaphore(%arg16 : memref<!tpu.dma_semaphore, #tpu.memory_space<semaphore_mem>>)
            %dma_wait3A_712 = arith.constant 0 : i32
            %dma_wait3A_713 = arith.constant 0 : i32
            %dma_wait3A_714 = tpu.memref_slice %arg4[%dma_wait3A_712, %dma_wait3A_713] : memref<819200x128xf32, #tpu.memory_space<hbm>> -> memref<819200x128xf32, #tpu.memory_space<hbm>>
            tpu.wait_indirect_dma semaphore(%arg16 : memref<!tpu.dma_semaphore, #tpu.memory_space<semaphore_mem>>) src(%arg7 : memref<16x128xf32, #tpu.memory_space<vmem>>) dst(%dma_wait3A_714 : memref<819200x128xf32, #tpu.memory_space<hbm>>)
          } else {
          }
          %scan3A_697 = arith.constant 0 : i32
          scf.yield %scan3A_697 : i32
        }
        %scan3A_539 = arith.constant 8 : i32
      } else {
      }
      %add3A_265 = arith.constant 4 : i32
      %add3A_266 = arith.addi %add3A_194, %add3A_265 : i32
      %lt3A = arith.constant 200 : i32
      %lt3A_267 = arith.cmpi slt, %add3A_266, %lt3A : i32
      %convert_element_type3A_268 = arith.extui %lt3A_267 : i1 to i32
      %cond3A_269 = arith.constant 0 : i32
      %cond3A_270 = arith.cmpi ne, %convert_element_type3A_268, %cond3A_269 : i32
      scf.if %cond3A_270 {
        %dma_start3A_533 = arith.constant 0 : i32
        %dma_start3A_534 = arith.constant 0 : i32
        %dma_start3A_535 = arith.constant 0 : i32
        %dma_start3A_536 = tpu.memref_slice %arg6[%dma_start3A_533, %dma_start3A_534, %dma_start3A_535] : memref<4x128x128xf32, #tpu.memory_space<vmem>> -> memref<1x128x128xf32, #tpu.memory_space<vmem>>
        %dma_start3A_537 = tpu.memref_squeeze %dma_start3A_536 : memref<1x128x128xf32, #tpu.memory_space<vmem>> -> memref<128x128xf32, #tpu.memory_space<vmem>>
        %dma_start3A_538 = arith.constant 0 : i32
        %dma_start3A_539 = tpu.memref_slice %arg5[%add3A_266, %dma_start3A_538] : memref<200x128xi32, #tpu.memory_space<vmem>> -> memref<1x128xi32, #tpu.memory_space<vmem>>
        %dma_start3A_540 = tpu.memref_squeeze %dma_start3A_539 : memref<1x128xi32, #tpu.memory_space<vmem>> -> memref<128xi32, #tpu.memory_space<vmem>>
        %dma_start3A_541 = arith.constant 0 : i32
        %dma_start3A_542 = arith.constant 0 : i32
        %dma_start3A_543 = tpu.memref_slice %arg3[%dma_start3A_541, %dma_start3A_542] : memref<100000x128xf32, #tpu.memory_space<hbm>> -> memref<100000x128xf32, #tpu.memory_space<hbm>>
        tpu.enqueue_indirect_dma source(%dma_start3A_543 : memref<100000x128xf32, #tpu.memory_space<hbm>>) target(%dma_start3A_537 : memref<128x128xf32, #tpu.memory_space<vmem>>) offsets(%dma_start3A_540 : memref<128xi32, #tpu.memory_space<vmem>>) semaphore(%arg8 : memref<!tpu.dma_semaphore, #tpu.memory_space<semaphore_mem>>)
      } else {
      }
      %mul3A_271 = arith.constant 4 : i32
      %mul3A_272 = arith.muli %scan3A_66, %mul3A_271 : i32
      %add3A_273 = arith.constant 1 : i32
      %add3A_274 = arith.addi %mul3A_272, %add3A_273 : i32
      %mul3A_275 = arith.constant 128 : i32
      %mul3A_276 = arith.muli %add3A_274, %mul3A_275 : i32
      %add3A_277 = arith.addi %mul3A_4, %mul3A_276 : i32
      %dma_wait3A_278 = arith.constant 1 : i32
      %dma_wait3A_279 = arith.constant 0 : i32
      %dma_wait3A_280 = arith.constant 0 : i32
      %dma_wait3A_281 = tpu.memref_slice %arg6[%dma_wait3A_278, %dma_wait3A_279, %dma_wait3A_280] : memref<4x128x128xf32, #tpu.memory_space<vmem>> -> memref<1x128x128xf32, #tpu.memory_space<vmem>>
      %dma_wait3A_282 = tpu.memref_squeeze %dma_wait3A_281 : memref<1x128x128xf32, #tpu.memory_space<vmem>> -> memref<128x128xf32, #tpu.memory_space<vmem>>
      %dma_wait3A_283 = arith.constant 0 : i32
      %dma_wait3A_284 = tpu.memref_slice %arg4[%add3A_277, %dma_wait3A_283] : memref<819200x128xf32, #tpu.memory_space<hbm>> -> memref<128x128xf32, #tpu.memory_space<hbm>>
      %dma_wait3A_285 = arith.constant 0 : i32
      %dma_wait3A_286 = tpu.memref_slice %arg4[%add3A_277, %dma_wait3A_285] : memref<819200x128xf32, #tpu.memory_space<hbm>> -> memref<128x128xf32, #tpu.memory_space<hbm>>
      %dma_wait3A_287 = arith.constant 0 : i32
      %dma_wait3A_288 = arith.constant 0 : i32
      %dma_wait3A_289 = tpu.memref_slice %arg6[%dma_wait3A_278, %dma_wait3A_287, %dma_wait3A_288] : memref<4x128x128xf32, #tpu.memory_space<vmem>> -> memref<1x128x128xf32, #tpu.memory_space<vmem>>
      %dma_wait3A_290 = tpu.memref_squeeze %dma_wait3A_289 : memref<1x128x128xf32, #tpu.memory_space<vmem>> -> memref<128x128xf32, #tpu.memory_space<vmem>>
      tpu.wait_dma2 semaphore(%arg13 : memref<!tpu.dma_semaphore, #tpu.memory_space<semaphore_mem>>) src(%dma_wait3A_290 : memref<128x128xf32, #tpu.memory_space<vmem>>) dst(%dma_wait3A_286 : memref<128x128xf32, #tpu.memory_space<hbm>>)
      %broadcast_in_dim3A_291 = arith.constant 100000 : i32
      %broadcast_in_dim3A_292 = vector.broadcast %broadcast_in_dim3A_291 : i32 to vector<16xi32>
      %scan3A_293 = arith.constant 0 : i32
      %scan3A_294 = arith.constant 8 : i32
      %scan3A_295 = arith.addi %scan3A_293, %scan3A_294 : i32
      %scan3A_296 = arith.constant 1 : i32
      %scan3A_297 = scf.for %scan3A_533 = %scan3A_293 to %scan3A_295 step %scan3A_296 iter_args(%scan3A_534 = %broadcast_in_dim3A_292) -> (vector<16xi32>)  : i32 {
        %mul3A_535 = arith.constant 16 : i32
        %mul3A_536 = arith.muli %scan3A_533, %mul3A_535 : i32
        %get3A = arith.index_cast %add3A_274 : i32 to index
        %get3A_537 = arith.index_cast %mul3A_536 : i32 to index
        %get3A_538 = tpu.vector_load %arg5[%get3A, %get3A_537] {strides = array<i32>} : memref<200x128xi32, #tpu.memory_space<vmem>>, vector<1x16xi32>,
        %get3A_539 = vector.shape_cast %get3A_538 : vector<1x16xi32> to vector<16xi32>
        %min3A_540 = arith.minsi %scan3A_534, %get3A_539 : vector<16xi32>
        scf.yield %min3A_540 : vector<16xi32>
      }
      %scan3A_298 = arith.constant 8 : i32
      %slice3A_299 = vector.extract_strided_slice %scan3A_297 {offsets = [0], sizes = [1], strides = [1]} : vector<16xi32> to vector<1xi32>
      %squeeze3A_300 = vector.extract %slice3A_299[0] : i32 from vector<1xi32>
      %slice3A_301 = vector.extract_strided_slice %scan3A_297 {offsets = [1], sizes = [1], strides = [1]} : vector<16xi32> to vector<1xi32>
      %squeeze3A_302 = vector.extract %slice3A_301[0] : i32 from vector<1xi32>
      %min3A_303 = arith.minsi %squeeze3A_300, %squeeze3A_302 : i32
      %slice3A_304 = vector.extract_strided_slice %scan3A_297 {offsets = [2], sizes = [1], strides = [1]} : vector<16xi32> to vector<1xi32>
      %squeeze3A_305 = vector.extract %slice3A_304[0] : i32 from vector<1xi32>
      %min3A_306 = arith.minsi %min3A_303, %squeeze3A_305 : i32
      %slice3A_307 = vector.extract_strided_slice %scan3A_297 {offsets = [3], sizes = [1], strides = [1]} : vector<16xi32> to vector<1xi32>
      %squeeze3A_308 = vector.extract %slice3A_307[0] : i32 from vector<1xi32>
      %min3A_309 = arith.minsi %min3A_306, %squeeze3A_308 : i32
      %slice3A_310 = vector.extract_strided_slice %scan3A_297 {offsets = [4], sizes = [1], strides = [1]} : vector<16xi32> to vector<1xi32>
      %squeeze3A_311 = vector.extract %slice3A_310[0] : i32 from vector<1xi32>
      %min3A_312 = arith.minsi %min3A_309, %squeeze3A_311 : i32
      %slice3A_313 = vector.extract_strided_slice %scan3A_297 {offsets = [5], sizes = [1], strides = [1]} : vector<16xi32> to vector<1xi32>
      %squeeze3A_314 = vector.extract %slice3A_313[0] : i32 from vector<1xi32>
      %min3A_315 = arith.minsi %min3A_312, %squeeze3A_314 : i32
      %slice3A_316 = vector.extract_strided_slice %scan3A_297 {offsets = [6], sizes = [1], strides = [1]} : vector<16xi32> to vector<1xi32>
      %squeeze3A_317 = vector.extract %slice3A_316[0] : i32 from vector<1xi32>
      %min3A_318 = arith.minsi %min3A_315, %squeeze3A_317 : i32
      %slice3A_319 = vector.extract_strided_slice %scan3A_297 {offsets = [7], sizes = [1], strides = [1]} : vector<16xi32> to vector<1xi32>
      %squeeze3A_320 = vector.extract %slice3A_319[0] : i32 from vector<1xi32>
      %min3A_321 = arith.minsi %min3A_318, %squeeze3A_320 : i32
      %slice3A_322 = vector.extract_strided_slice %scan3A_297 {offsets = [8], sizes = [1], strides = [1]} : vector<16xi32> to vector<1xi32>
      %squeeze3A_323 = vector.extract %slice3A_322[0] : i32 from vector<1xi32>
      %min3A_324 = arith.minsi %min3A_321, %squeeze3A_323 : i32
      %slice3A_325 = vector.extract_strided_slice %scan3A_297 {offsets = [9], sizes = [1], strides = [1]} : vector<16xi32> to vector<1xi32>
      %squeeze3A_326 = vector.extract %slice3A_325[0] : i32 from vector<1xi32>
      %min3A_327 = arith.minsi %min3A_324, %squeeze3A_326 : i32
      %slice3A_328 = vector.extract_strided_slice %scan3A_297 {offsets = [10], sizes = [1], strides = [1]} : vector<16xi32> to vector<1xi32>
      %squeeze3A_329 = vector.extract %slice3A_328[0] : i32 from vector<1xi32>
      %min3A_330 = arith.minsi %min3A_327, %squeeze3A_329 : i32
      %slice3A_331 = vector.extract_strided_slice %scan3A_297 {offsets = [11], sizes = [1], strides = [1]} : vector<16xi32> to vector<1xi32>
      %squeeze3A_332 = vector.extract %slice3A_331[0] : i32 from vector<1xi32>
      %min3A_333 = arith.minsi %min3A_330, %squeeze3A_332 : i32
      %slice3A_334 = vector.extract_strided_slice %scan3A_297 {offsets = [12], sizes = [1], strides = [1]} : vector<16xi32> to vector<1xi32>
      %squeeze3A_335 = vector.extract %slice3A_334[0] : i32 from vector<1xi32>
      %min3A_336 = arith.minsi %min3A_333, %squeeze3A_335 : i32
      %slice3A_337 = vector.extract_strided_slice %scan3A_297 {offsets = [13], sizes = [1], strides = [1]} : vector<16xi32> to vector<1xi32>
      %squeeze3A_338 = vector.extract %slice3A_337[0] : i32 from vector<1xi32>
      %min3A_339 = arith.minsi %min3A_336, %squeeze3A_338 : i32
      %slice3A_340 = vector.extract_strided_slice %scan3A_297 {offsets = [14], sizes = [1], strides = [1]} : vector<16xi32> to vector<1xi32>
      %squeeze3A_341 = vector.extract %slice3A_340[0] : i32 from vector<1xi32>
      %min3A_342 = arith.minsi %min3A_339, %squeeze3A_341 : i32
      %slice3A_343 = vector.extract_strided_slice %scan3A_297 {offsets = [15], sizes = [1], strides = [1]} : vector<16xi32> to vector<1xi32>
      %squeeze3A_344 = vector.extract %slice3A_343[0] : i32 from vector<1xi32>
      %min3A_345 = arith.minsi %min3A_342, %squeeze3A_344 : i32
      %eq3A_346 = arith.constant 0 : i32
      %eq3A_347 = arith.cmpi eq, %min3A_345, %eq3A_346 : i32
      %convert_element_type3A_348 = arith.extui %eq3A_347 : i1 to i32
      %cond3A_349 = arith.constant 0 : i32
      %cond3A_350 = arith.cmpi ne, %convert_element_type3A_348, %cond3A_349 : i32
      scf.if %cond3A_350 {
        %scan3A_533 = arith.constant 0 : i32
        %scan3A_534 = arith.constant 0 : i32
        %scan3A_535 = arith.constant 8 : i32
        %scan3A_536 = arith.addi %scan3A_534, %scan3A_535 : i32
        %scan3A_537 = arith.constant 1 : i32
        %scan3A_538 = scf.for %scan3A_540 = %scan3A_534 to %scan3A_536 step %scan3A_537 iter_args(%scan3A_541 = %scan3A_533) -> (i32)  : i32 {
          %mul3A_542 = arith.constant 16 : i32
          %mul3A_543 = arith.muli %scan3A_540, %mul3A_542 : i32
          %get3A = arith.index_cast %add3A_274 : i32 to index
          %get3A_544 = arith.index_cast %mul3A_543 : i32 to index
          %get3A_545 = tpu.vector_load %arg5[%get3A, %get3A_544] {strides = array<i32>} : memref<200x128xi32, #tpu.memory_space<vmem>>, vector<1x16xi32>,
          %get3A_546 = vector.shape_cast %get3A_545 : vector<1x16xi32> to vector<16xi32>
          %eq3A_547 = arith.constant 0 : i32
          %eq3A_548 = vector.broadcast %eq3A_547 : i32 to vector<16xi32>
          %eq3A_549 = arith.cmpi eq, %get3A_546, %eq3A_548 : vector<16xi32>
          %slice3A_550 = vector.extract_strided_slice %get3A_546 {offsets = [0], sizes = [1], strides = [1]} : vector<16xi32> to vector<1xi32>
          %squeeze3A_551 = vector.extract %slice3A_550[0] : i32 from vector<1xi32>
          %slice3A_552 = vector.extract_strided_slice %get3A_546 {offsets = [15], sizes = [1], strides = [1]} : vector<16xi32> to vector<1xi32>
          %squeeze3A_553 = vector.extract %slice3A_552[0] : i32 from vector<1xi32>
          %eq3A_554 = arith.constant 0 : i32
          %eq3A_555 = arith.cmpi eq, %squeeze3A_553, %eq3A_554 : i32
          %jit3A = arith.constant 15 : i32
          %jit3A_556 = arith.constant 16 : i32
          %select_n3A = arith.select %eq3A_555, %jit3A, %jit3A_556 : i32
          %slice3A_557 = vector.extract_strided_slice %get3A_546 {offsets = [1], sizes = [1], strides = [1]} : vector<16xi32> to vector<1xi32>
          %squeeze3A_558 = vector.extract %slice3A_557[0] : i32 from vector<1xi32>
          %min3A_559 = arith.minsi %squeeze3A_551, %squeeze3A_558 : i32
          %slice3A_560 = vector.extract_strided_slice %get3A_546 {offsets = [2], sizes = [1], strides = [1]} : vector<16xi32> to vector<1xi32>
          %squeeze3A_561 = vector.extract %slice3A_560[0] : i32 from vector<1xi32>
          %min3A_562 = arith.minsi %min3A_559, %squeeze3A_561 : i32
          %slice3A_563 = vector.extract_strided_slice %get3A_546 {offsets = [3], sizes = [1], strides = [1]} : vector<16xi32> to vector<1xi32>
          %squeeze3A_564 = vector.extract %slice3A_563[0] : i32 from vector<1xi32>
          %min3A_565 = arith.minsi %min3A_562, %squeeze3A_564 : i32
          %slice3A_566 = vector.extract_strided_slice %get3A_546 {offsets = [4], sizes = [1], strides = [1]} : vector<16xi32> to vector<1xi32>
          %squeeze3A_567 = vector.extract %slice3A_566[0] : i32 from vector<1xi32>
          %min3A_568 = arith.minsi %min3A_565, %squeeze3A_567 : i32
          %slice3A_569 = vector.extract_strided_slice %get3A_546 {offsets = [5], sizes = [1], strides = [1]} : vector<16xi32> to vector<1xi32>
          %squeeze3A_570 = vector.extract %slice3A_569[0] : i32 from vector<1xi32>
          %min3A_571 = arith.minsi %min3A_568, %squeeze3A_570 : i32
          %slice3A_572 = vector.extract_strided_slice %get3A_546 {offsets = [6], sizes = [1], strides = [1]} : vector<16xi32> to vector<1xi32>
          %squeeze3A_573 = vector.extract %slice3A_572[0] : i32 from vector<1xi32>
          %min3A_574 = arith.minsi %min3A_571, %squeeze3A_573 : i32
          %slice3A_575 = vector.extract_strided_slice %get3A_546 {offsets = [7], sizes = [1], strides = [1]} : vector<16xi32> to vector<1xi32>
          %squeeze3A_576 = vector.extract %slice3A_575[0] : i32 from vector<1xi32>
          %min3A_577 = arith.minsi %min3A_574, %squeeze3A_576 : i32
          %slice3A_578 = vector.extract_strided_slice %get3A_546 {offsets = [8], sizes = [1], strides = [1]} : vector<16xi32> to vector<1xi32>
          %squeeze3A_579 = vector.extract %slice3A_578[0] : i32 from vector<1xi32>
          %min3A_580 = arith.minsi %min3A_577, %squeeze3A_579 : i32
          %slice3A_581 = vector.extract_strided_slice %get3A_546 {offsets = [9], sizes = [1], strides = [1]} : vector<16xi32> to vector<1xi32>
          %squeeze3A_582 = vector.extract %slice3A_581[0] : i32 from vector<1xi32>
          %min3A_583 = arith.minsi %min3A_580, %squeeze3A_582 : i32
          %slice3A_584 = vector.extract_strided_slice %get3A_546 {offsets = [10], sizes = [1], strides = [1]} : vector<16xi32> to vector<1xi32>
          %squeeze3A_585 = vector.extract %slice3A_584[0] : i32 from vector<1xi32>
          %min3A_586 = arith.minsi %min3A_583, %squeeze3A_585 : i32
          %slice3A_587 = vector.extract_strided_slice %get3A_546 {offsets = [11], sizes = [1], strides = [1]} : vector<16xi32> to vector<1xi32>
          %squeeze3A_588 = vector.extract %slice3A_587[0] : i32 from vector<1xi32>
          %min3A_589 = arith.minsi %min3A_586, %squeeze3A_588 : i32
          %slice3A_590 = vector.extract_strided_slice %get3A_546 {offsets = [12], sizes = [1], strides = [1]} : vector<16xi32> to vector<1xi32>
          %squeeze3A_591 = vector.extract %slice3A_590[0] : i32 from vector<1xi32>
          %min3A_592 = arith.minsi %min3A_589, %squeeze3A_591 : i32
          %slice3A_593 = vector.extract_strided_slice %get3A_546 {offsets = [13], sizes = [1], strides = [1]} : vector<16xi32> to vector<1xi32>
          %squeeze3A_594 = vector.extract %slice3A_593[0] : i32 from vector<1xi32>
          %min3A_595 = arith.minsi %min3A_592, %squeeze3A_594 : i32
          %slice3A_596 = vector.extract_strided_slice %get3A_546 {offsets = [14], sizes = [1], strides = [1]} : vector<16xi32> to vector<1xi32>
          %squeeze3A_597 = vector.extract %slice3A_596[0] : i32 from vector<1xi32>
          %min3A_598 = arith.minsi %min3A_595, %squeeze3A_597 : i32
          %slice3A_599 = vector.extract_strided_slice %get3A_546 {offsets = [15], sizes = [1], strides = [1]} : vector<16xi32> to vector<1xi32>
          %squeeze3A_600 = vector.extract %slice3A_599[0] : i32 from vector<1xi32>
          %min3A_601 = arith.minsi %min3A_598, %squeeze3A_600 : i32
          %slice3A_602 = vector.extract_strided_slice %get3A_546 {offsets = [14], sizes = [1], strides = [1]} : vector<16xi32> to vector<1xi32>
          %squeeze3A_603 = vector.extract %slice3A_602[0] : i32 from vector<1xi32>
          %eq3A_604 = arith.constant 0 : i32
          %eq3A_605 = arith.cmpi eq, %squeeze3A_603, %eq3A_604 : i32
          %jit3A_606 = arith.constant 14 : i32
          %select_n3A_607 = arith.select %eq3A_605, %jit3A_606, %select_n3A : i32
          %slice3A_608 = vector.extract_strided_slice %get3A_546 {offsets = [13], sizes = [1], strides = [1]} : vector<16xi32> to vector<1xi32>
          %squeeze3A_609 = vector.extract %slice3A_608[0] : i32 from vector<1xi32>
          %eq3A_610 = arith.constant 0 : i32
          %eq3A_611 = arith.cmpi eq, %squeeze3A_609, %eq3A_610 : i32
          %jit3A_612 = arith.constant 13 : i32
          %select_n3A_613 = arith.select %eq3A_611, %jit3A_612, %select_n3A_607 : i32
          %slice3A_614 = vector.extract_strided_slice %get3A_546 {offsets = [12], sizes = [1], strides = [1]} : vector<16xi32> to vector<1xi32>
          %squeeze3A_615 = vector.extract %slice3A_614[0] : i32 from vector<1xi32>
          %eq3A_616 = arith.constant 0 : i32
          %eq3A_617 = arith.cmpi eq, %squeeze3A_615, %eq3A_616 : i32
          %jit3A_618 = arith.constant 12 : i32
          %select_n3A_619 = arith.select %eq3A_617, %jit3A_618, %select_n3A_613 : i32
          %slice3A_620 = vector.extract_strided_slice %get3A_546 {offsets = [11], sizes = [1], strides = [1]} : vector<16xi32> to vector<1xi32>
          %squeeze3A_621 = vector.extract %slice3A_620[0] : i32 from vector<1xi32>
          %eq3A_622 = arith.constant 0 : i32
          %eq3A_623 = arith.cmpi eq, %squeeze3A_621, %eq3A_622 : i32
          %jit3A_624 = arith.constant 11 : i32
          %select_n3A_625 = arith.select %eq3A_623, %jit3A_624, %select_n3A_619 : i32
          %slice3A_626 = vector.extract_strided_slice %get3A_546 {offsets = [10], sizes = [1], strides = [1]} : vector<16xi32> to vector<1xi32>
          %squeeze3A_627 = vector.extract %slice3A_626[0] : i32 from vector<1xi32>
          %eq3A_628 = arith.constant 0 : i32
          %eq3A_629 = arith.cmpi eq, %squeeze3A_627, %eq3A_628 : i32
          %jit3A_630 = arith.constant 10 : i32
          %select_n3A_631 = arith.select %eq3A_629, %jit3A_630, %select_n3A_625 : i32
          %slice3A_632 = vector.extract_strided_slice %get3A_546 {offsets = [9], sizes = [1], strides = [1]} : vector<16xi32> to vector<1xi32>
          %squeeze3A_633 = vector.extract %slice3A_632[0] : i32 from vector<1xi32>
          %eq3A_634 = arith.constant 0 : i32
          %eq3A_635 = arith.cmpi eq, %squeeze3A_633, %eq3A_634 : i32
          %jit3A_636 = arith.constant 9 : i32
          %select_n3A_637 = arith.select %eq3A_635, %jit3A_636, %select_n3A_631 : i32
          %slice3A_638 = vector.extract_strided_slice %get3A_546 {offsets = [8], sizes = [1], strides = [1]} : vector<16xi32> to vector<1xi32>
          %squeeze3A_639 = vector.extract %slice3A_638[0] : i32 from vector<1xi32>
          %eq3A_640 = arith.constant 0 : i32
          %eq3A_641 = arith.cmpi eq, %squeeze3A_639, %eq3A_640 : i32
          %jit3A_642 = arith.constant 8 : i32
          %select_n3A_643 = arith.select %eq3A_641, %jit3A_642, %select_n3A_637 : i32
          %slice3A_644 = vector.extract_strided_slice %get3A_546 {offsets = [7], sizes = [1], strides = [1]} : vector<16xi32> to vector<1xi32>
          %squeeze3A_645 = vector.extract %slice3A_644[0] : i32 from vector<1xi32>
          %eq3A_646 = arith.constant 0 : i32
          %eq3A_647 = arith.cmpi eq, %squeeze3A_645, %eq3A_646 : i32
          %jit3A_648 = arith.constant 7 : i32
          %select_n3A_649 = arith.select %eq3A_647, %jit3A_648, %select_n3A_643 : i32
          %slice3A_650 = vector.extract_strided_slice %get3A_546 {offsets = [6], sizes = [1], strides = [1]} : vector<16xi32> to vector<1xi32>
          %squeeze3A_651 = vector.extract %slice3A_650[0] : i32 from vector<1xi32>
          %eq3A_652 = arith.constant 0 : i32
          %eq3A_653 = arith.cmpi eq, %squeeze3A_651, %eq3A_652 : i32
          %jit3A_654 = arith.constant 6 : i32
          %select_n3A_655 = arith.select %eq3A_653, %jit3A_654, %select_n3A_649 : i32
          %slice3A_656 = vector.extract_strided_slice %get3A_546 {offsets = [5], sizes = [1], strides = [1]} : vector<16xi32> to vector<1xi32>
          %squeeze3A_657 = vector.extract %slice3A_656[0] : i32 from vector<1xi32>
          %eq3A_658 = arith.constant 0 : i32
          %eq3A_659 = arith.cmpi eq, %squeeze3A_657, %eq3A_658 : i32
          %jit3A_660 = arith.constant 5 : i32
          %select_n3A_661 = arith.select %eq3A_659, %jit3A_660, %select_n3A_655 : i32
          %slice3A_662 = vector.extract_strided_slice %get3A_546 {offsets = [4], sizes = [1], strides = [1]} : vector<16xi32> to vector<1xi32>
          %squeeze3A_663 = vector.extract %slice3A_662[0] : i32 from vector<1xi32>
          %eq3A_664 = arith.constant 0 : i32
          %eq3A_665 = arith.cmpi eq, %squeeze3A_663, %eq3A_664 : i32
          %jit3A_666 = arith.constant 4 : i32
          %select_n3A_667 = arith.select %eq3A_665, %jit3A_666, %select_n3A_661 : i32
          %slice3A_668 = vector.extract_strided_slice %get3A_546 {offsets = [3], sizes = [1], strides = [1]} : vector<16xi32> to vector<1xi32>
          %squeeze3A_669 = vector.extract %slice3A_668[0] : i32 from vector<1xi32>
          %eq3A_670 = arith.constant 0 : i32
          %eq3A_671 = arith.cmpi eq, %squeeze3A_669, %eq3A_670 : i32
          %jit3A_672 = arith.constant 3 : i32
          %select_n3A_673 = arith.select %eq3A_671, %jit3A_672, %select_n3A_667 : i32
          %slice3A_674 = vector.extract_strided_slice %get3A_546 {offsets = [2], sizes = [1], strides = [1]} : vector<16xi32> to vector<1xi32>
          %squeeze3A_675 = vector.extract %slice3A_674[0] : i32 from vector<1xi32>
          %eq3A_676 = arith.constant 0 : i32
          %eq3A_677 = arith.cmpi eq, %squeeze3A_675, %eq3A_676 : i32
          %jit3A_678 = arith.constant 2 : i32
          %select_n3A_679 = arith.select %eq3A_677, %jit3A_678, %select_n3A_673 : i32
          %slice3A_680 = vector.extract_strided_slice %get3A_546 {offsets = [1], sizes = [1], strides = [1]} : vector<16xi32> to vector<1xi32>
          %squeeze3A_681 = vector.extract %slice3A_680[0] : i32 from vector<1xi32>
          %eq3A_682 = arith.constant 0 : i32
          %eq3A_683 = arith.cmpi eq, %squeeze3A_681, %eq3A_682 : i32
          %jit3A_684 = arith.constant 1 : i32
          %select_n3A_685 = arith.select %eq3A_683, %jit3A_684, %select_n3A_679 : i32
          %slice3A_686 = vector.extract_strided_slice %get3A_546 {offsets = [0], sizes = [1], strides = [1]} : vector<16xi32> to vector<1xi32>
          %squeeze3A_687 = vector.extract %slice3A_686[0] : i32 from vector<1xi32>
          %eq3A_688 = arith.constant 0 : i32
          %eq3A_689 = arith.cmpi eq, %squeeze3A_687, %eq3A_688 : i32
          %jit3A_690 = arith.constant 0 : i32
          %select_n3A_691 = arith.select %eq3A_689, %jit3A_690, %select_n3A_685 : i32
          %eq3A_692 = arith.constant 0 : i32
          %eq3A_693 = arith.cmpi eq, %min3A_601, %eq3A_692 : i32
          %convert_element_type3A_694 = arith.extui %eq3A_693 : i1 to i32
          %cond3A_695 = arith.constant 0 : i32
          %cond3A_696 = arith.cmpi ne, %convert_element_type3A_694, %cond3A_695 : i32
          scf.if %cond3A_696 {
            %mul3A_698 = arith.constant 128 : i32
            %mul3A_699 = arith.muli %add3A_274, %mul3A_698 : i32
            %add3A_700 = arith.addi %mul3A_4, %mul3A_699 : i32
            %mul3A_701 = arith.constant 16 : i32
            %mul3A_702 = arith.muli %scan3A_540, %mul3A_701 : i32
            %add3A_703 = arith.addi %add3A_700, %mul3A_702 : i32
            %iota3A = tpu.iota {dimensions = array<i32: 0>} : vector<16xi32>
            %add3A_704 = vector.broadcast %add3A_703 : i32 to vector<16xi32>
            %add3A_705 = arith.addi %add3A_704, %iota3A : vector<16xi32>
            %add3A_706 = arith.addi %add3A_703, %select_n3A_691 : i32
            %broadcast_in_dim3A_707 = vector.broadcast %add3A_706 : i32 to vector<16xi32>
            %select_n3A_708 = arith.select %eq3A_549, %add3A_705, %broadcast_in_dim3A_707 : vector<16xi1>, vector<16xi32>
            %dma_start3A_709 = arith.constant 0 : i32
            %dma_start3A_710 = arith.constant 0 : i32
            %dma_start3A_711 = tpu.memref_slice %arg4[%dma_start3A_709, %dma_start3A_710] : memref<819200x128xf32, #tpu.memory_space<hbm>> -> memref<819200x128xf32, #tpu.memory_space<hbm>>
            tpu.enqueue_indirect_dma source(%arg7 : memref<16x128xf32, #tpu.memory_space<vmem>>) target(%dma_start3A_711 : memref<819200x128xf32, #tpu.memory_space<hbm>>) offsets(%select_n3A_708 : vector<16xi32>) semaphore(%arg16 : memref<!tpu.dma_semaphore, #tpu.memory_space<semaphore_mem>>)
            %dma_wait3A_712 = arith.constant 0 : i32
            %dma_wait3A_713 = arith.constant 0 : i32
            %dma_wait3A_714 = tpu.memref_slice %arg4[%dma_wait3A_712, %dma_wait3A_713] : memref<819200x128xf32, #tpu.memory_space<hbm>> -> memref<819200x128xf32, #tpu.memory_space<hbm>>
            tpu.wait_indirect_dma semaphore(%arg16 : memref<!tpu.dma_semaphore, #tpu.memory_space<semaphore_mem>>) src(%arg7 : memref<16x128xf32, #tpu.memory_space<vmem>>) dst(%dma_wait3A_714 : memref<819200x128xf32, #tpu.memory_space<hbm>>)
          } else {
          }
          %scan3A_697 = arith.constant 0 : i32
          scf.yield %scan3A_697 : i32
        }
        %scan3A_539 = arith.constant 8 : i32
      } else {
      }
      %add3A_351 = arith.constant 4 : i32
      %add3A_352 = arith.addi %add3A_274, %add3A_351 : i32
      %lt3A_353 = arith.constant 200 : i32
      %lt3A_354 = arith.cmpi slt, %add3A_352, %lt3A_353 : i32
      %convert_element_type3A_355 = arith.extui %lt3A_354 : i1 to i32
      %cond3A_356 = arith.constant 0 : i32
      %cond3A_357 = arith.cmpi ne, %convert_element_type3A_355, %cond3A_356 : i32
      scf.if %cond3A_357 {
        %dma_start3A_533 = arith.constant 1 : i32
        %dma_start3A_534 = arith.constant 0 : i32
        %dma_start3A_535 = arith.constant 0 : i32
        %dma_start3A_536 = tpu.memref_slice %arg6[%dma_start3A_533, %dma_start3A_534, %dma_start3A_535] : memref<4x128x128xf32, #tpu.memory_space<vmem>> -> memref<1x128x128xf32, #tpu.memory_space<vmem>>
        %dma_start3A_537 = tpu.memref_squeeze %dma_start3A_536 : memref<1x128x128xf32, #tpu.memory_space<vmem>> -> memref<128x128xf32, #tpu.memory_space<vmem>>
        %dma_start3A_538 = arith.constant 0 : i32
        %dma_start3A_539 = tpu.memref_slice %arg5[%add3A_352, %dma_start3A_538] : memref<200x128xi32, #tpu.memory_space<vmem>> -> memref<1x128xi32, #tpu.memory_space<vmem>>
        %dma_start3A_540 = tpu.memref_squeeze %dma_start3A_539 : memref<1x128xi32, #tpu.memory_space<vmem>> -> memref<128xi32, #tpu.memory_space<vmem>>
        %dma_start3A_541 = arith.constant 0 : i32
        %dma_start3A_542 = arith.constant 0 : i32
        %dma_start3A_543 = tpu.memref_slice %arg3[%dma_start3A_541, %dma_start3A_542] : memref<100000x128xf32, #tpu.memory_space<hbm>> -> memref<100000x128xf32, #tpu.memory_space<hbm>>
        tpu.enqueue_indirect_dma source(%dma_start3A_543 : memref<100000x128xf32, #tpu.memory_space<hbm>>) target(%dma_start3A_537 : memref<128x128xf32, #tpu.memory_space<vmem>>) offsets(%dma_start3A_540 : memref<128xi32, #tpu.memory_space<vmem>>) semaphore(%arg9 : memref<!tpu.dma_semaphore, #tpu.memory_space<semaphore_mem>>)
      } else {
      }
      %mul3A_358 = arith.constant 4 : i32
      %mul3A_359 = arith.muli %scan3A_66, %mul3A_358 : i32
      %add3A_360 = arith.constant 2 : i32
      %add3A_361 = arith.addi %mul3A_359, %add3A_360 : i32
      %mul3A_362 = arith.constant 128 : i32
      %mul3A_363 = arith.muli %add3A_361, %mul3A_362 : i32
      %add3A_364 = arith.addi %mul3A_4, %mul3A_363 : i32
      %dma_wait3A_365 = arith.constant 2 : i32
      %dma_wait3A_366 = arith.constant 0 : i32
      %dma_wait3A_367 = arith.constant 0 : i32
      %dma_wait3A_368 = tpu.memref_slice %arg6[%dma_wait3A_365, %dma_wait3A_366, %dma_wait3A_367] : memref<4x128x128xf32, #tpu.memory_space<vmem>> -> memref<1x128x128xf32, #tpu.memory_space<vmem>>
      %dma_wait3A_369 = tpu.memref_squeeze %dma_wait3A_368 : memref<1x128x128xf32, #tpu.memory_space<vmem>> -> memref<128x128xf32, #tpu.memory_space<vmem>>
      %dma_wait3A_370 = arith.constant 0 : i32
      %dma_wait3A_371 = tpu.memref_slice %arg4[%add3A_364, %dma_wait3A_370] : memref<819200x128xf32, #tpu.memory_space<hbm>> -> memref<128x128xf32, #tpu.memory_space<hbm>>
      %dma_wait3A_372 = arith.constant 0 : i32
      %dma_wait3A_373 = tpu.memref_slice %arg4[%add3A_364, %dma_wait3A_372] : memref<819200x128xf32, #tpu.memory_space<hbm>> -> memref<128x128xf32, #tpu.memory_space<hbm>>
      %dma_wait3A_374 = arith.constant 0 : i32
      %dma_wait3A_375 = arith.constant 0 : i32
      %dma_wait3A_376 = tpu.memref_slice %arg6[%dma_wait3A_365, %dma_wait3A_374, %dma_wait3A_375] : memref<4x128x128xf32, #tpu.memory_space<vmem>> -> memref<1x128x128xf32, #tpu.memory_space<vmem>>
      %dma_wait3A_377 = tpu.memref_squeeze %dma_wait3A_376 : memref<1x128x128xf32, #tpu.memory_space<vmem>> -> memref<128x128xf32, #tpu.memory_space<vmem>>
      tpu.wait_dma2 semaphore(%arg14 : memref<!tpu.dma_semaphore, #tpu.memory_space<semaphore_mem>>) src(%dma_wait3A_377 : memref<128x128xf32, #tpu.memory_space<vmem>>) dst(%dma_wait3A_373 : memref<128x128xf32, #tpu.memory_space<hbm>>)
      %broadcast_in_dim3A_378 = arith.constant 100000 : i32
      %broadcast_in_dim3A_379 = vector.broadcast %broadcast_in_dim3A_378 : i32 to vector<16xi32>
      %scan3A_380 = arith.constant 0 : i32
      %scan3A_381 = arith.constant 8 : i32
      %scan3A_382 = arith.addi %scan3A_380, %scan3A_381 : i32
      %scan3A_383 = arith.constant 1 : i32
      %scan3A_384 = scf.for %scan3A_533 = %scan3A_380 to %scan3A_382 step %scan3A_383 iter_args(%scan3A_534 = %broadcast_in_dim3A_379) -> (vector<16xi32>)  : i32 {
        %mul3A_535 = arith.constant 16 : i32
        %mul3A_536 = arith.muli %scan3A_533, %mul3A_535 : i32
        %get3A = arith.index_cast %add3A_361 : i32 to index
        %get3A_537 = arith.index_cast %mul3A_536 : i32 to index
        %get3A_538 = tpu.vector_load %arg5[%get3A, %get3A_537] {strides = array<i32>} : memref<200x128xi32, #tpu.memory_space<vmem>>, vector<1x16xi32>,
        %get3A_539 = vector.shape_cast %get3A_538 : vector<1x16xi32> to vector<16xi32>
        %min3A_540 = arith.minsi %scan3A_534, %get3A_539 : vector<16xi32>
        scf.yield %min3A_540 : vector<16xi32>
      }
      %scan3A_385 = arith.constant 8 : i32
      %slice3A_386 = vector.extract_strided_slice %scan3A_384 {offsets = [0], sizes = [1], strides = [1]} : vector<16xi32> to vector<1xi32>
      %squeeze3A_387 = vector.extract %slice3A_386[0] : i32 from vector<1xi32>
      %slice3A_388 = vector.extract_strided_slice %scan3A_384 {offsets = [1], sizes = [1], strides = [1]} : vector<16xi32> to vector<1xi32>
      %squeeze3A_389 = vector.extract %slice3A_388[0] : i32 from vector<1xi32>
      %min3A_390 = arith.minsi %squeeze3A_387, %squeeze3A_389 : i32
      %slice3A_391 = vector.extract_strided_slice %scan3A_384 {offsets = [2], sizes = [1], strides = [1]} : vector<16xi32> to vector<1xi32>
      %squeeze3A_392 = vector.extract %slice3A_391[0] : i32 from vector<1xi32>
      %min3A_393 = arith.minsi %min3A_390, %squeeze3A_392 : i32
      %slice3A_394 = vector.extract_strided_slice %scan3A_384 {offsets = [3], sizes = [1], strides = [1]} : vector<16xi32> to vector<1xi32>
      %squeeze3A_395 = vector.extract %slice3A_394[0] : i32 from vector<1xi32>
      %min3A_396 = arith.minsi %min3A_393, %squeeze3A_395 : i32
      %slice3A_397 = vector.extract_strided_slice %scan3A_384 {offsets = [4], sizes = [1], strides = [1]} : vector<16xi32> to vector<1xi32>
      %squeeze3A_398 = vector.extract %slice3A_397[0] : i32 from vector<1xi32>
      %min3A_399 = arith.minsi %min3A_396, %squeeze3A_398 : i32
      %slice3A_400 = vector.extract_strided_slice %scan3A_384 {offsets = [5], sizes = [1], strides = [1]} : vector<16xi32> to vector<1xi32>
      %squeeze3A_401 = vector.extract %slice3A_400[0] : i32 from vector<1xi32>
      %min3A_402 = arith.minsi %min3A_399, %squeeze3A_401 : i32
      %slice3A_403 = vector.extract_strided_slice %scan3A_384 {offsets = [6], sizes = [1], strides = [1]} : vector<16xi32> to vector<1xi32>
      %squeeze3A_404 = vector.extract %slice3A_403[0] : i32 from vector<1xi32>
      %min3A_405 = arith.minsi %min3A_402, %squeeze3A_404 : i32
      %slice3A_406 = vector.extract_strided_slice %scan3A_384 {offsets = [7], sizes = [1], strides = [1]} : vector<16xi32> to vector<1xi32>
      %squeeze3A_407 = vector.extract %slice3A_406[0] : i32 from vector<1xi32>
      %min3A_408 = arith.minsi %min3A_405, %squeeze3A_407 : i32
      %slice3A_409 = vector.extract_strided_slice %scan3A_384 {offsets = [8], sizes = [1], strides = [1]} : vector<16xi32> to vector<1xi32>
      %squeeze3A_410 = vector.extract %slice3A_409[0] : i32 from vector<1xi32>
      %min3A_411 = arith.minsi %min3A_408, %squeeze3A_410 : i32
      %slice3A_412 = vector.extract_strided_slice %scan3A_384 {offsets = [9], sizes = [1], strides = [1]} : vector<16xi32> to vector<1xi32>
      %squeeze3A_413 = vector.extract %slice3A_412[0] : i32 from vector<1xi32>
      %min3A_414 = arith.minsi %min3A_411, %squeeze3A_413 : i32
      %slice3A_415 = vector.extract_strided_slice %scan3A_384 {offsets = [10], sizes = [1], strides = [1]} : vector<16xi32> to vector<1xi32>
      %squeeze3A_416 = vector.extract %slice3A_415[0] : i32 from vector<1xi32>
      %min3A_417 = arith.minsi %min3A_414, %squeeze3A_416 : i32
      %slice3A_418 = vector.extract_strided_slice %scan3A_384 {offsets = [11], sizes = [1], strides = [1]} : vector<16xi32> to vector<1xi32>
      %squeeze3A_419 = vector.extract %slice3A_418[0] : i32 from vector<1xi32>
      %min3A_420 = arith.minsi %min3A_417, %squeeze3A_419 : i32
      %slice3A_421 = vector.extract_strided_slice %scan3A_384 {offsets = [12], sizes = [1], strides = [1]} : vector<16xi32> to vector<1xi32>
      %squeeze3A_422 = vector.extract %slice3A_421[0] : i32 from vector<1xi32>
      %min3A_423 = arith.minsi %min3A_420, %squeeze3A_422 : i32
      %slice3A_424 = vector.extract_strided_slice %scan3A_384 {offsets = [13], sizes = [1], strides = [1]} : vector<16xi32> to vector<1xi32>
      %squeeze3A_425 = vector.extract %slice3A_424[0] : i32 from vector<1xi32>
      %min3A_426 = arith.minsi %min3A_423, %squeeze3A_425 : i32
      %slice3A_427 = vector.extract_strided_slice %scan3A_384 {offsets = [14], sizes = [1], strides = [1]} : vector<16xi32> to vector<1xi32>
      %squeeze3A_428 = vector.extract %slice3A_427[0] : i32 from vector<1xi32>
      %min3A_429 = arith.minsi %min3A_426, %squeeze3A_428 : i32
      %slice3A_430 = vector.extract_strided_slice %scan3A_384 {offsets = [15], sizes = [1], strides = [1]} : vector<16xi32> to vector<1xi32>
      %squeeze3A_431 = vector.extract %slice3A_430[0] : i32 from vector<1xi32>
      %min3A_432 = arith.minsi %min3A_429, %squeeze3A_431 : i32
      %eq3A_433 = arith.constant 0 : i32
      %eq3A_434 = arith.cmpi eq, %min3A_432, %eq3A_433 : i32
      %convert_element_type3A_435 = arith.extui %eq3A_434 : i1 to i32
      %cond3A_436 = arith.constant 0 : i32
      %cond3A_437 = arith.cmpi ne, %convert_element_type3A_435, %cond3A_436 : i32
      scf.if %cond3A_437 {
        %scan3A_533 = arith.constant 0 : i32
        %scan3A_534 = arith.constant 0 : i32
        %scan3A_535 = arith.constant 8 : i32
        %scan3A_536 = arith.addi %scan3A_534, %scan3A_535 : i32
        %scan3A_537 = arith.constant 1 : i32
        %scan3A_538 = scf.for %scan3A_540 = %scan3A_534 to %scan3A_536 step %scan3A_537 iter_args(%scan3A_541 = %scan3A_533) -> (i32)  : i32 {
          %mul3A_542 = arith.constant 16 : i32
          %mul3A_543 = arith.muli %scan3A_540, %mul3A_542 : i32
          %get3A = arith.index_cast %add3A_361 : i32 to index
          %get3A_544 = arith.index_cast %mul3A_543 : i32 to index
          %get3A_545 = tpu.vector_load %arg5[%get3A, %get3A_544] {strides = array<i32>} : memref<200x128xi32, #tpu.memory_space<vmem>>, vector<1x16xi32>,
          %get3A_546 = vector.shape_cast %get3A_545 : vector<1x16xi32> to vector<16xi32>
          %eq3A_547 = arith.constant 0 : i32
          %eq3A_548 = vector.broadcast %eq3A_547 : i32 to vector<16xi32>
          %eq3A_549 = arith.cmpi eq, %get3A_546, %eq3A_548 : vector<16xi32>
          %slice3A_550 = vector.extract_strided_slice %get3A_546 {offsets = [0], sizes = [1], strides = [1]} : vector<16xi32> to vector<1xi32>
          %squeeze3A_551 = vector.extract %slice3A_550[0] : i32 from vector<1xi32>
          %slice3A_552 = vector.extract_strided_slice %get3A_546 {offsets = [15], sizes = [1], strides = [1]} : vector<16xi32> to vector<1xi32>
          %squeeze3A_553 = vector.extract %slice3A_552[0] : i32 from vector<1xi32>
          %eq3A_554 = arith.constant 0 : i32
          %eq3A_555 = arith.cmpi eq, %squeeze3A_553, %eq3A_554 : i32
          %jit3A = arith.constant 15 : i32
          %jit3A_556 = arith.constant 16 : i32
          %select_n3A = arith.select %eq3A_555, %jit3A, %jit3A_556 : i32
          %slice3A_557 = vector.extract_strided_slice %get3A_546 {offsets = [1], sizes = [1], strides = [1]} : vector<16xi32> to vector<1xi32>
          %squeeze3A_558 = vector.extract %slice3A_557[0] : i32 from vector<1xi32>
          %min3A_559 = arith.minsi %squeeze3A_551, %squeeze3A_558 : i32
          %slice3A_560 = vector.extract_strided_slice %get3A_546 {offsets = [2], sizes = [1], strides = [1]} : vector<16xi32> to vector<1xi32>
          %squeeze3A_561 = vector.extract %slice3A_560[0] : i32 from vector<1xi32>
          %min3A_562 = arith.minsi %min3A_559, %squeeze3A_561 : i32
          %slice3A_563 = vector.extract_strided_slice %get3A_546 {offsets = [3], sizes = [1], strides = [1]} : vector<16xi32> to vector<1xi32>
          %squeeze3A_564 = vector.extract %slice3A_563[0] : i32 from vector<1xi32>
          %min3A_565 = arith.minsi %min3A_562, %squeeze3A_564 : i32
          %slice3A_566 = vector.extract_strided_slice %get3A_546 {offsets = [4], sizes = [1], strides = [1]} : vector<16xi32> to vector<1xi32>
          %squeeze3A_567 = vector.extract %slice3A_566[0] : i32 from vector<1xi32>
          %min3A_568 = arith.minsi %min3A_565, %squeeze3A_567 : i32
          %slice3A_569 = vector.extract_strided_slice %get3A_546 {offsets = [5], sizes = [1], strides = [1]} : vector<16xi32> to vector<1xi32>
          %squeeze3A_570 = vector.extract %slice3A_569[0] : i32 from vector<1xi32>
          %min3A_571 = arith.minsi %min3A_568, %squeeze3A_570 : i32
          %slice3A_572 = vector.extract_strided_slice %get3A_546 {offsets = [6], sizes = [1], strides = [1]} : vector<16xi32> to vector<1xi32>
          %squeeze3A_573 = vector.extract %slice3A_572[0] : i32 from vector<1xi32>
          %min3A_574 = arith.minsi %min3A_571, %squeeze3A_573 : i32
          %slice3A_575 = vector.extract_strided_slice %get3A_546 {offsets = [7], sizes = [1], strides = [1]} : vector<16xi32> to vector<1xi32>
          %squeeze3A_576 = vector.extract %slice3A_575[0] : i32 from vector<1xi32>
          %min3A_577 = arith.minsi %min3A_574, %squeeze3A_576 : i32
          %slice3A_578 = vector.extract_strided_slice %get3A_546 {offsets = [8], sizes = [1], strides = [1]} : vector<16xi32> to vector<1xi32>
          %squeeze3A_579 = vector.extract %slice3A_578[0] : i32 from vector<1xi32>
          %min3A_580 = arith.minsi %min3A_577, %squeeze3A_579 : i32
          %slice3A_581 = vector.extract_strided_slice %get3A_546 {offsets = [9], sizes = [1], strides = [1]} : vector<16xi32> to vector<1xi32>
          %squeeze3A_582 = vector.extract %slice3A_581[0] : i32 from vector<1xi32>
          %min3A_583 = arith.minsi %min3A_580, %squeeze3A_582 : i32
          %slice3A_584 = vector.extract_strided_slice %get3A_546 {offsets = [10], sizes = [1], strides = [1]} : vector<16xi32> to vector<1xi32>
          %squeeze3A_585 = vector.extract %slice3A_584[0] : i32 from vector<1xi32>
          %min3A_586 = arith.minsi %min3A_583, %squeeze3A_585 : i32
          %slice3A_587 = vector.extract_strided_slice %get3A_546 {offsets = [11], sizes = [1], strides = [1]} : vector<16xi32> to vector<1xi32>
          %squeeze3A_588 = vector.extract %slice3A_587[0] : i32 from vector<1xi32>
          %min3A_589 = arith.minsi %min3A_586, %squeeze3A_588 : i32
          %slice3A_590 = vector.extract_strided_slice %get3A_546 {offsets = [12], sizes = [1], strides = [1]} : vector<16xi32> to vector<1xi32>
          %squeeze3A_591 = vector.extract %slice3A_590[0] : i32 from vector<1xi32>
          %min3A_592 = arith.minsi %min3A_589, %squeeze3A_591 : i32
          %slice3A_593 = vector.extract_strided_slice %get3A_546 {offsets = [13], sizes = [1], strides = [1]} : vector<16xi32> to vector<1xi32>
          %squeeze3A_594 = vector.extract %slice3A_593[0] : i32 from vector<1xi32>
          %min3A_595 = arith.minsi %min3A_592, %squeeze3A_594 : i32
          %slice3A_596 = vector.extract_strided_slice %get3A_546 {offsets = [14], sizes = [1], strides = [1]} : vector<16xi32> to vector<1xi32>
          %squeeze3A_597 = vector.extract %slice3A_596[0] : i32 from vector<1xi32>
          %min3A_598 = arith.minsi %min3A_595, %squeeze3A_597 : i32
          %slice3A_599 = vector.extract_strided_slice %get3A_546 {offsets = [15], sizes = [1], strides = [1]} : vector<16xi32> to vector<1xi32>
          %squeeze3A_600 = vector.extract %slice3A_599[0] : i32 from vector<1xi32>
          %min3A_601 = arith.minsi %min3A_598, %squeeze3A_600 : i32
          %slice3A_602 = vector.extract_strided_slice %get3A_546 {offsets = [14], sizes = [1], strides = [1]} : vector<16xi32> to vector<1xi32>
          %squeeze3A_603 = vector.extract %slice3A_602[0] : i32 from vector<1xi32>
          %eq3A_604 = arith.constant 0 : i32
          %eq3A_605 = arith.cmpi eq, %squeeze3A_603, %eq3A_604 : i32
          %jit3A_606 = arith.constant 14 : i32
          %select_n3A_607 = arith.select %eq3A_605, %jit3A_606, %select_n3A : i32
          %slice3A_608 = vector.extract_strided_slice %get3A_546 {offsets = [13], sizes = [1], strides = [1]} : vector<16xi32> to vector<1xi32>
          %squeeze3A_609 = vector.extract %slice3A_608[0] : i32 from vector<1xi32>
          %eq3A_610 = arith.constant 0 : i32
          %eq3A_611 = arith.cmpi eq, %squeeze3A_609, %eq3A_610 : i32
          %jit3A_612 = arith.constant 13 : i32
          %select_n3A_613 = arith.select %eq3A_611, %jit3A_612, %select_n3A_607 : i32
          %slice3A_614 = vector.extract_strided_slice %get3A_546 {offsets = [12], sizes = [1], strides = [1]} : vector<16xi32> to vector<1xi32>
          %squeeze3A_615 = vector.extract %slice3A_614[0] : i32 from vector<1xi32>
          %eq3A_616 = arith.constant 0 : i32
          %eq3A_617 = arith.cmpi eq, %squeeze3A_615, %eq3A_616 : i32
          %jit3A_618 = arith.constant 12 : i32
          %select_n3A_619 = arith.select %eq3A_617, %jit3A_618, %select_n3A_613 : i32
          %slice3A_620 = vector.extract_strided_slice %get3A_546 {offsets = [11], sizes = [1], strides = [1]} : vector<16xi32> to vector<1xi32>
          %squeeze3A_621 = vector.extract %slice3A_620[0] : i32 from vector<1xi32>
          %eq3A_622 = arith.constant 0 : i32
          %eq3A_623 = arith.cmpi eq, %squeeze3A_621, %eq3A_622 : i32
          %jit3A_624 = arith.constant 11 : i32
          %select_n3A_625 = arith.select %eq3A_623, %jit3A_624, %select_n3A_619 : i32
          %slice3A_626 = vector.extract_strided_slice %get3A_546 {offsets = [10], sizes = [1], strides = [1]} : vector<16xi32> to vector<1xi32>
          %squeeze3A_627 = vector.extract %slice3A_626[0] : i32 from vector<1xi32>
          %eq3A_628 = arith.constant 0 : i32
          %eq3A_629 = arith.cmpi eq, %squeeze3A_627, %eq3A_628 : i32
          %jit3A_630 = arith.constant 10 : i32
          %select_n3A_631 = arith.select %eq3A_629, %jit3A_630, %select_n3A_625 : i32
          %slice3A_632 = vector.extract_strided_slice %get3A_546 {offsets = [9], sizes = [1], strides = [1]} : vector<16xi32> to vector<1xi32>
          %squeeze3A_633 = vector.extract %slice3A_632[0] : i32 from vector<1xi32>
          %eq3A_634 = arith.constant 0 : i32
          %eq3A_635 = arith.cmpi eq, %squeeze3A_633, %eq3A_634 : i32
          %jit3A_636 = arith.constant 9 : i32
          %select_n3A_637 = arith.select %eq3A_635, %jit3A_636, %select_n3A_631 : i32
          %slice3A_638 = vector.extract_strided_slice %get3A_546 {offsets = [8], sizes = [1], strides = [1]} : vector<16xi32> to vector<1xi32>
          %squeeze3A_639 = vector.extract %slice3A_638[0] : i32 from vector<1xi32>
          %eq3A_640 = arith.constant 0 : i32
          %eq3A_641 = arith.cmpi eq, %squeeze3A_639, %eq3A_640 : i32
          %jit3A_642 = arith.constant 8 : i32
          %select_n3A_643 = arith.select %eq3A_641, %jit3A_642, %select_n3A_637 : i32
          %slice3A_644 = vector.extract_strided_slice %get3A_546 {offsets = [7], sizes = [1], strides = [1]} : vector<16xi32> to vector<1xi32>
          %squeeze3A_645 = vector.extract %slice3A_644[0] : i32 from vector<1xi32>
          %eq3A_646 = arith.constant 0 : i32
          %eq3A_647 = arith.cmpi eq, %squeeze3A_645, %eq3A_646 : i32
          %jit3A_648 = arith.constant 7 : i32
          %select_n3A_649 = arith.select %eq3A_647, %jit3A_648, %select_n3A_643 : i32
          %slice3A_650 = vector.extract_strided_slice %get3A_546 {offsets = [6], sizes = [1], strides = [1]} : vector<16xi32> to vector<1xi32>
          %squeeze3A_651 = vector.extract %slice3A_650[0] : i32 from vector<1xi32>
          %eq3A_652 = arith.constant 0 : i32
          %eq3A_653 = arith.cmpi eq, %squeeze3A_651, %eq3A_652 : i32
          %jit3A_654 = arith.constant 6 : i32
          %select_n3A_655 = arith.select %eq3A_653, %jit3A_654, %select_n3A_649 : i32
          %slice3A_656 = vector.extract_strided_slice %get3A_546 {offsets = [5], sizes = [1], strides = [1]} : vector<16xi32> to vector<1xi32>
          %squeeze3A_657 = vector.extract %slice3A_656[0] : i32 from vector<1xi32>
          %eq3A_658 = arith.constant 0 : i32
          %eq3A_659 = arith.cmpi eq, %squeeze3A_657, %eq3A_658 : i32
          %jit3A_660 = arith.constant 5 : i32
          %select_n3A_661 = arith.select %eq3A_659, %jit3A_660, %select_n3A_655 : i32
          %slice3A_662 = vector.extract_strided_slice %get3A_546 {offsets = [4], sizes = [1], strides = [1]} : vector<16xi32> to vector<1xi32>
          %squeeze3A_663 = vector.extract %slice3A_662[0] : i32 from vector<1xi32>
          %eq3A_664 = arith.constant 0 : i32
          %eq3A_665 = arith.cmpi eq, %squeeze3A_663, %eq3A_664 : i32
          %jit3A_666 = arith.constant 4 : i32
          %select_n3A_667 = arith.select %eq3A_665, %jit3A_666, %select_n3A_661 : i32
          %slice3A_668 = vector.extract_strided_slice %get3A_546 {offsets = [3], sizes = [1], strides = [1]} : vector<16xi32> to vector<1xi32>
          %squeeze3A_669 = vector.extract %slice3A_668[0] : i32 from vector<1xi32>
          %eq3A_670 = arith.constant 0 : i32
          %eq3A_671 = arith.cmpi eq, %squeeze3A_669, %eq3A_670 : i32
          %jit3A_672 = arith.constant 3 : i32
          %select_n3A_673 = arith.select %eq3A_671, %jit3A_672, %select_n3A_667 : i32
          %slice3A_674 = vector.extract_strided_slice %get3A_546 {offsets = [2], sizes = [1], strides = [1]} : vector<16xi32> to vector<1xi32>
          %squeeze3A_675 = vector.extract %slice3A_674[0] : i32 from vector<1xi32>
          %eq3A_676 = arith.constant 0 : i32
          %eq3A_677 = arith.cmpi eq, %squeeze3A_675, %eq3A_676 : i32
          %jit3A_678 = arith.constant 2 : i32
          %select_n3A_679 = arith.select %eq3A_677, %jit3A_678, %select_n3A_673 : i32
          %slice3A_680 = vector.extract_strided_slice %get3A_546 {offsets = [1], sizes = [1], strides = [1]} : vector<16xi32> to vector<1xi32>
          %squeeze3A_681 = vector.extract %slice3A_680[0] : i32 from vector<1xi32>
          %eq3A_682 = arith.constant 0 : i32
          %eq3A_683 = arith.cmpi eq, %squeeze3A_681, %eq3A_682 : i32
          %jit3A_684 = arith.constant 1 : i32
          %select_n3A_685 = arith.select %eq3A_683, %jit3A_684, %select_n3A_679 : i32
          %slice3A_686 = vector.extract_strided_slice %get3A_546 {offsets = [0], sizes = [1], strides = [1]} : vector<16xi32> to vector<1xi32>
          %squeeze3A_687 = vector.extract %slice3A_686[0] : i32 from vector<1xi32>
          %eq3A_688 = arith.constant 0 : i32
          %eq3A_689 = arith.cmpi eq, %squeeze3A_687, %eq3A_688 : i32
          %jit3A_690 = arith.constant 0 : i32
          %select_n3A_691 = arith.select %eq3A_689, %jit3A_690, %select_n3A_685 : i32
          %eq3A_692 = arith.constant 0 : i32
          %eq3A_693 = arith.cmpi eq, %min3A_601, %eq3A_692 : i32
          %convert_element_type3A_694 = arith.extui %eq3A_693 : i1 to i32
          %cond3A_695 = arith.constant 0 : i32
          %cond3A_696 = arith.cmpi ne, %convert_element_type3A_694, %cond3A_695 : i32
          scf.if %cond3A_696 {
            %mul3A_698 = arith.constant 128 : i32
            %mul3A_699 = arith.muli %add3A_361, %mul3A_698 : i32
            %add3A_700 = arith.addi %mul3A_4, %mul3A_699 : i32
            %mul3A_701 = arith.constant 16 : i32
            %mul3A_702 = arith.muli %scan3A_540, %mul3A_701 : i32
            %add3A_703 = arith.addi %add3A_700, %mul3A_702 : i32
            %iota3A = tpu.iota {dimensions = array<i32: 0>} : vector<16xi32>
            %add3A_704 = vector.broadcast %add3A_703 : i32 to vector<16xi32>
            %add3A_705 = arith.addi %add3A_704, %iota3A : vector<16xi32>
            %add3A_706 = arith.addi %add3A_703, %select_n3A_691 : i32
            %broadcast_in_dim3A_707 = vector.broadcast %add3A_706 : i32 to vector<16xi32>
            %select_n3A_708 = arith.select %eq3A_549, %add3A_705, %broadcast_in_dim3A_707 : vector<16xi1>, vector<16xi32>
            %dma_start3A_709 = arith.constant 0 : i32
            %dma_start3A_710 = arith.constant 0 : i32
            %dma_start3A_711 = tpu.memref_slice %arg4[%dma_start3A_709, %dma_start3A_710] : memref<819200x128xf32, #tpu.memory_space<hbm>> -> memref<819200x128xf32, #tpu.memory_space<hbm>>
            tpu.enqueue_indirect_dma source(%arg7 : memref<16x128xf32, #tpu.memory_space<vmem>>) target(%dma_start3A_711 : memref<819200x128xf32, #tpu.memory_space<hbm>>) offsets(%select_n3A_708 : vector<16xi32>) semaphore(%arg16 : memref<!tpu.dma_semaphore, #tpu.memory_space<semaphore_mem>>)
            %dma_wait3A_712 = arith.constant 0 : i32
            %dma_wait3A_713 = arith.constant 0 : i32
            %dma_wait3A_714 = tpu.memref_slice %arg4[%dma_wait3A_712, %dma_wait3A_713] : memref<819200x128xf32, #tpu.memory_space<hbm>> -> memref<819200x128xf32, #tpu.memory_space<hbm>>
            tpu.wait_indirect_dma semaphore(%arg16 : memref<!tpu.dma_semaphore, #tpu.memory_space<semaphore_mem>>) src(%arg7 : memref<16x128xf32, #tpu.memory_space<vmem>>) dst(%dma_wait3A_714 : memref<819200x128xf32, #tpu.memory_space<hbm>>)
          } else {
          }
          %scan3A_697 = arith.constant 0 : i32
          scf.yield %scan3A_697 : i32
        }
        %scan3A_539 = arith.constant 8 : i32
      } else {
      }
      %add3A_438 = arith.constant 4 : i32
      %add3A_439 = arith.addi %add3A_361, %add3A_438 : i32
      %lt3A_440 = arith.constant 200 : i32
      %lt3A_441 = arith.cmpi slt, %add3A_439, %lt3A_440 : i32
      %convert_element_type3A_442 = arith.extui %lt3A_441 : i1 to i32
      %cond3A_443 = arith.constant 0 : i32
      %cond3A_444 = arith.cmpi ne, %convert_element_type3A_442, %cond3A_443 : i32
      scf.if %cond3A_444 {
        %dma_start3A_533 = arith.constant 2 : i32
        %dma_start3A_534 = arith.constant 0 : i32
        %dma_start3A_535 = arith.constant 0 : i32
        %dma_start3A_536 = tpu.memref_slice %arg6[%dma_start3A_533, %dma_start3A_534, %dma_start3A_535] : memref<4x128x128xf32, #tpu.memory_space<vmem>> -> memref<1x128x128xf32, #tpu.memory_space<vmem>>
        %dma_start3A_537 = tpu.memref_squeeze %dma_start3A_536 : memref<1x128x128xf32, #tpu.memory_space<vmem>> -> memref<128x128xf32, #tpu.memory_space<vmem>>
        %dma_start3A_538 = arith.constant 0 : i32
        %dma_start3A_539 = tpu.memref_slice %arg5[%add3A_439, %dma_start3A_538] : memref<200x128xi32, #tpu.memory_space<vmem>> -> memref<1x128xi32, #tpu.memory_space<vmem>>
        %dma_start3A_540 = tpu.memref_squeeze %dma_start3A_539 : memref<1x128xi32, #tpu.memory_space<vmem>> -> memref<128xi32, #tpu.memory_space<vmem>>
        %dma_start3A_541 = arith.constant 0 : i32
        %dma_start3A_542 = arith.constant 0 : i32
        %dma_start3A_543 = tpu.memref_slice %arg3[%dma_start3A_541, %dma_start3A_542] : memref<100000x128xf32, #tpu.memory_space<hbm>> -> memref<100000x128xf32, #tpu.memory_space<hbm>>
        tpu.enqueue_indirect_dma source(%dma_start3A_543 : memref<100000x128xf32, #tpu.memory_space<hbm>>) target(%dma_start3A_537 : memref<128x128xf32, #tpu.memory_space<vmem>>) offsets(%dma_start3A_540 : memref<128xi32, #tpu.memory_space<vmem>>) semaphore(%arg10 : memref<!tpu.dma_semaphore, #tpu.memory_space<semaphore_mem>>)
      } else {
      }
      %mul3A_445 = arith.constant 4 : i32
      %mul3A_446 = arith.muli %scan3A_66, %mul3A_445 : i32
      %add3A_447 = arith.constant 3 : i32
      %add3A_448 = arith.addi %mul3A_446, %add3A_447 : i32
      %mul3A_449 = arith.constant 128 : i32
      %mul3A_450 = arith.muli %add3A_448, %mul3A_449 : i32
      %add3A_451 = arith.addi %mul3A_4, %mul3A_450 : i32
      %dma_wait3A_452 = arith.constant 3 : i32
      %dma_wait3A_453 = arith.constant 0 : i32
      %dma_wait3A_454 = arith.constant 0 : i32
      %dma_wait3A_455 = tpu.memref_slice %arg6[%dma_wait3A_452, %dma_wait3A_453, %dma_wait3A_454] : memref<4x128x128xf32, #tpu.memory_space<vmem>> -> memref<1x128x128xf32, #tpu.memory_space<vmem>>
      %dma_wait3A_456 = tpu.memref_squeeze %dma_wait3A_455 : memref<1x128x128xf32, #tpu.memory_space<vmem>> -> memref<128x128xf32, #tpu.memory_space<vmem>>
      %dma_wait3A_457 = arith.constant 0 : i32
      %dma_wait3A_458 = tpu.memref_slice %arg4[%add3A_451, %dma_wait3A_457] : memref<819200x128xf32, #tpu.memory_space<hbm>> -> memref<128x128xf32, #tpu.memory_space<hbm>>
      %dma_wait3A_459 = arith.constant 0 : i32
      %dma_wait3A_460 = tpu.memref_slice %arg4[%add3A_451, %dma_wait3A_459] : memref<819200x128xf32, #tpu.memory_space<hbm>> -> memref<128x128xf32, #tpu.memory_space<hbm>>
      %dma_wait3A_461 = arith.constant 0 : i32
      %dma_wait3A_462 = arith.constant 0 : i32
      %dma_wait3A_463 = tpu.memref_slice %arg6[%dma_wait3A_452, %dma_wait3A_461, %dma_wait3A_462] : memref<4x128x128xf32, #tpu.memory_space<vmem>> -> memref<1x128x128xf32, #tpu.memory_space<vmem>>
      %dma_wait3A_464 = tpu.memref_squeeze %dma_wait3A_463 : memref<1x128x128xf32, #tpu.memory_space<vmem>> -> memref<128x128xf32, #tpu.memory_space<vmem>>
      tpu.wait_dma2 semaphore(%arg15 : memref<!tpu.dma_semaphore, #tpu.memory_space<semaphore_mem>>) src(%dma_wait3A_464 : memref<128x128xf32, #tpu.memory_space<vmem>>) dst(%dma_wait3A_460 : memref<128x128xf32, #tpu.memory_space<hbm>>)
      %broadcast_in_dim3A_465 = arith.constant 100000 : i32
      %broadcast_in_dim3A_466 = vector.broadcast %broadcast_in_dim3A_465 : i32 to vector<16xi32>
      %scan3A_467 = arith.constant 0 : i32
      %scan3A_468 = arith.constant 8 : i32
      %scan3A_469 = arith.addi %scan3A_467, %scan3A_468 : i32
      %scan3A_470 = arith.constant 1 : i32
      %scan3A_471 = scf.for %scan3A_533 = %scan3A_467 to %scan3A_469 step %scan3A_470 iter_args(%scan3A_534 = %broadcast_in_dim3A_466) -> (vector<16xi32>)  : i32 {
        %mul3A_535 = arith.constant 16 : i32
        %mul3A_536 = arith.muli %scan3A_533, %mul3A_535 : i32
        %get3A = arith.index_cast %add3A_448 : i32 to index
        %get3A_537 = arith.index_cast %mul3A_536 : i32 to index
        %get3A_538 = tpu.vector_load %arg5[%get3A, %get3A_537] {strides = array<i32>} : memref<200x128xi32, #tpu.memory_space<vmem>>, vector<1x16xi32>,
        %get3A_539 = vector.shape_cast %get3A_538 : vector<1x16xi32> to vector<16xi32>
        %min3A_540 = arith.minsi %scan3A_534, %get3A_539 : vector<16xi32>
        scf.yield %min3A_540 : vector<16xi32>
      }
      %scan3A_472 = arith.constant 8 : i32
      %slice3A_473 = vector.extract_strided_slice %scan3A_471 {offsets = [0], sizes = [1], strides = [1]} : vector<16xi32> to vector<1xi32>
      %squeeze3A_474 = vector.extract %slice3A_473[0] : i32 from vector<1xi32>
      %slice3A_475 = vector.extract_strided_slice %scan3A_471 {offsets = [1], sizes = [1], strides = [1]} : vector<16xi32> to vector<1xi32>
      %squeeze3A_476 = vector.extract %slice3A_475[0] : i32 from vector<1xi32>
      %min3A_477 = arith.minsi %squeeze3A_474, %squeeze3A_476 : i32
      %slice3A_478 = vector.extract_strided_slice %scan3A_471 {offsets = [2], sizes = [1], strides = [1]} : vector<16xi32> to vector<1xi32>
      %squeeze3A_479 = vector.extract %slice3A_478[0] : i32 from vector<1xi32>
      %min3A_480 = arith.minsi %min3A_477, %squeeze3A_479 : i32
      %slice3A_481 = vector.extract_strided_slice %scan3A_471 {offsets = [3], sizes = [1], strides = [1]} : vector<16xi32> to vector<1xi32>
      %squeeze3A_482 = vector.extract %slice3A_481[0] : i32 from vector<1xi32>
      %min3A_483 = arith.minsi %min3A_480, %squeeze3A_482 : i32
      %slice3A_484 = vector.extract_strided_slice %scan3A_471 {offsets = [4], sizes = [1], strides = [1]} : vector<16xi32> to vector<1xi32>
      %squeeze3A_485 = vector.extract %slice3A_484[0] : i32 from vector<1xi32>
      %min3A_486 = arith.minsi %min3A_483, %squeeze3A_485 : i32
      %slice3A_487 = vector.extract_strided_slice %scan3A_471 {offsets = [5], sizes = [1], strides = [1]} : vector<16xi32> to vector<1xi32>
      %squeeze3A_488 = vector.extract %slice3A_487[0] : i32 from vector<1xi32>
      %min3A_489 = arith.minsi %min3A_486, %squeeze3A_488 : i32
      %slice3A_490 = vector.extract_strided_slice %scan3A_471 {offsets = [6], sizes = [1], strides = [1]} : vector<16xi32> to vector<1xi32>
      %squeeze3A_491 = vector.extract %slice3A_490[0] : i32 from vector<1xi32>
      %min3A_492 = arith.minsi %min3A_489, %squeeze3A_491 : i32
      %slice3A_493 = vector.extract_strided_slice %scan3A_471 {offsets = [7], sizes = [1], strides = [1]} : vector<16xi32> to vector<1xi32>
      %squeeze3A_494 = vector.extract %slice3A_493[0] : i32 from vector<1xi32>
      %min3A_495 = arith.minsi %min3A_492, %squeeze3A_494 : i32
      %slice3A_496 = vector.extract_strided_slice %scan3A_471 {offsets = [8], sizes = [1], strides = [1]} : vector<16xi32> to vector<1xi32>
      %squeeze3A_497 = vector.extract %slice3A_496[0] : i32 from vector<1xi32>
      %min3A_498 = arith.minsi %min3A_495, %squeeze3A_497 : i32
      %slice3A_499 = vector.extract_strided_slice %scan3A_471 {offsets = [9], sizes = [1], strides = [1]} : vector<16xi32> to vector<1xi32>
      %squeeze3A_500 = vector.extract %slice3A_499[0] : i32 from vector<1xi32>
      %min3A_501 = arith.minsi %min3A_498, %squeeze3A_500 : i32
      %slice3A_502 = vector.extract_strided_slice %scan3A_471 {offsets = [10], sizes = [1], strides = [1]} : vector<16xi32> to vector<1xi32>
      %squeeze3A_503 = vector.extract %slice3A_502[0] : i32 from vector<1xi32>
      %min3A_504 = arith.minsi %min3A_501, %squeeze3A_503 : i32
      %slice3A_505 = vector.extract_strided_slice %scan3A_471 {offsets = [11], sizes = [1], strides = [1]} : vector<16xi32> to vector<1xi32>
      %squeeze3A_506 = vector.extract %slice3A_505[0] : i32 from vector<1xi32>
      %min3A_507 = arith.minsi %min3A_504, %squeeze3A_506 : i32
      %slice3A_508 = vector.extract_strided_slice %scan3A_471 {offsets = [12], sizes = [1], strides = [1]} : vector<16xi32> to vector<1xi32>
      %squeeze3A_509 = vector.extract %slice3A_508[0] : i32 from vector<1xi32>
      %min3A_510 = arith.minsi %min3A_507, %squeeze3A_509 : i32
      %slice3A_511 = vector.extract_strided_slice %scan3A_471 {offsets = [13], sizes = [1], strides = [1]} : vector<16xi32> to vector<1xi32>
      %squeeze3A_512 = vector.extract %slice3A_511[0] : i32 from vector<1xi32>
      %min3A_513 = arith.minsi %min3A_510, %squeeze3A_512 : i32
      %slice3A_514 = vector.extract_strided_slice %scan3A_471 {offsets = [14], sizes = [1], strides = [1]} : vector<16xi32> to vector<1xi32>
      %squeeze3A_515 = vector.extract %slice3A_514[0] : i32 from vector<1xi32>
      %min3A_516 = arith.minsi %min3A_513, %squeeze3A_515 : i32
      %slice3A_517 = vector.extract_strided_slice %scan3A_471 {offsets = [15], sizes = [1], strides = [1]} : vector<16xi32> to vector<1xi32>
      %squeeze3A_518 = vector.extract %slice3A_517[0] : i32 from vector<1xi32>
      %min3A_519 = arith.minsi %min3A_516, %squeeze3A_518 : i32
      %eq3A_520 = arith.constant 0 : i32
      %eq3A_521 = arith.cmpi eq, %min3A_519, %eq3A_520 : i32
      %convert_element_type3A_522 = arith.extui %eq3A_521 : i1 to i32
      %cond3A_523 = arith.constant 0 : i32
      %cond3A_524 = arith.cmpi ne, %convert_element_type3A_522, %cond3A_523 : i32
      scf.if %cond3A_524 {
        %scan3A_533 = arith.constant 0 : i32
        %scan3A_534 = arith.constant 0 : i32
        %scan3A_535 = arith.constant 8 : i32
        %scan3A_536 = arith.addi %scan3A_534, %scan3A_535 : i32
        %scan3A_537 = arith.constant 1 : i32
        %scan3A_538 = scf.for %scan3A_540 = %scan3A_534 to %scan3A_536 step %scan3A_537 iter_args(%scan3A_541 = %scan3A_533) -> (i32)  : i32 {
          %mul3A_542 = arith.constant 16 : i32
          %mul3A_543 = arith.muli %scan3A_540, %mul3A_542 : i32
          %get3A = arith.index_cast %add3A_448 : i32 to index
          %get3A_544 = arith.index_cast %mul3A_543 : i32 to index
          %get3A_545 = tpu.vector_load %arg5[%get3A, %get3A_544] {strides = array<i32>} : memref<200x128xi32, #tpu.memory_space<vmem>>, vector<1x16xi32>,
          %get3A_546 = vector.shape_cast %get3A_545 : vector<1x16xi32> to vector<16xi32>
          %eq3A_547 = arith.constant 0 : i32
          %eq3A_548 = vector.broadcast %eq3A_547 : i32 to vector<16xi32>
          %eq3A_549 = arith.cmpi eq, %get3A_546, %eq3A_548 : vector<16xi32>
          %slice3A_550 = vector.extract_strided_slice %get3A_546 {offsets = [0], sizes = [1], strides = [1]} : vector<16xi32> to vector<1xi32>
          %squeeze3A_551 = vector.extract %slice3A_550[0] : i32 from vector<1xi32>
          %slice3A_552 = vector.extract_strided_slice %get3A_546 {offsets = [15], sizes = [1], strides = [1]} : vector<16xi32> to vector<1xi32>
          %squeeze3A_553 = vector.extract %slice3A_552[0] : i32 from vector<1xi32>
          %eq3A_554 = arith.constant 0 : i32
          %eq3A_555 = arith.cmpi eq, %squeeze3A_553, %eq3A_554 : i32
          %jit3A = arith.constant 15 : i32
          %jit3A_556 = arith.constant 16 : i32
          %select_n3A = arith.select %eq3A_555, %jit3A, %jit3A_556 : i32
          %slice3A_557 = vector.extract_strided_slice %get3A_546 {offsets = [1], sizes = [1], strides = [1]} : vector<16xi32> to vector<1xi32>
          %squeeze3A_558 = vector.extract %slice3A_557[0] : i32 from vector<1xi32>
          %min3A_559 = arith.minsi %squeeze3A_551, %squeeze3A_558 : i32
          %slice3A_560 = vector.extract_strided_slice %get3A_546 {offsets = [2], sizes = [1], strides = [1]} : vector<16xi32> to vector<1xi32>
          %squeeze3A_561 = vector.extract %slice3A_560[0] : i32 from vector<1xi32>
          %min3A_562 = arith.minsi %min3A_559, %squeeze3A_561 : i32
          %slice3A_563 = vector.extract_strided_slice %get3A_546 {offsets = [3], sizes = [1], strides = [1]} : vector<16xi32> to vector<1xi32>
          %squeeze3A_564 = vector.extract %slice3A_563[0] : i32 from vector<1xi32>
          %min3A_565 = arith.minsi %min3A_562, %squeeze3A_564 : i32
          %slice3A_566 = vector.extract_strided_slice %get3A_546 {offsets = [4], sizes = [1], strides = [1]} : vector<16xi32> to vector<1xi32>
          %squeeze3A_567 = vector.extract %slice3A_566[0] : i32 from vector<1xi32>
          %min3A_568 = arith.minsi %min3A_565, %squeeze3A_567 : i32
          %slice3A_569 = vector.extract_strided_slice %get3A_546 {offsets = [5], sizes = [1], strides = [1]} : vector<16xi32> to vector<1xi32>
          %squeeze3A_570 = vector.extract %slice3A_569[0] : i32 from vector<1xi32>
          %min3A_571 = arith.minsi %min3A_568, %squeeze3A_570 : i32
          %slice3A_572 = vector.extract_strided_slice %get3A_546 {offsets = [6], sizes = [1], strides = [1]} : vector<16xi32> to vector<1xi32>
          %squeeze3A_573 = vector.extract %slice3A_572[0] : i32 from vector<1xi32>
          %min3A_574 = arith.minsi %min3A_571, %squeeze3A_573 : i32
          %slice3A_575 = vector.extract_strided_slice %get3A_546 {offsets = [7], sizes = [1], strides = [1]} : vector<16xi32> to vector<1xi32>
          %squeeze3A_576 = vector.extract %slice3A_575[0] : i32 from vector<1xi32>
          %min3A_577 = arith.minsi %min3A_574, %squeeze3A_576 : i32
          %slice3A_578 = vector.extract_strided_slice %get3A_546 {offsets = [8], sizes = [1], strides = [1]} : vector<16xi32> to vector<1xi32>
          %squeeze3A_579 = vector.extract %slice3A_578[0] : i32 from vector<1xi32>
          %min3A_580 = arith.minsi %min3A_577, %squeeze3A_579 : i32
          %slice3A_581 = vector.extract_strided_slice %get3A_546 {offsets = [9], sizes = [1], strides = [1]} : vector<16xi32> to vector<1xi32>
          %squeeze3A_582 = vector.extract %slice3A_581[0] : i32 from vector<1xi32>
          %min3A_583 = arith.minsi %min3A_580, %squeeze3A_582 : i32
          %slice3A_584 = vector.extract_strided_slice %get3A_546 {offsets = [10], sizes = [1], strides = [1]} : vector<16xi32> to vector<1xi32>
          %squeeze3A_585 = vector.extract %slice3A_584[0] : i32 from vector<1xi32>
          %min3A_586 = arith.minsi %min3A_583, %squeeze3A_585 : i32
          %slice3A_587 = vector.extract_strided_slice %get3A_546 {offsets = [11], sizes = [1], strides = [1]} : vector<16xi32> to vector<1xi32>
          %squeeze3A_588 = vector.extract %slice3A_587[0] : i32 from vector<1xi32>
          %min3A_589 = arith.minsi %min3A_586, %squeeze3A_588 : i32
          %slice3A_590 = vector.extract_strided_slice %get3A_546 {offsets = [12], sizes = [1], strides = [1]} : vector<16xi32> to vector<1xi32>
          %squeeze3A_591 = vector.extract %slice3A_590[0] : i32 from vector<1xi32>
          %min3A_592 = arith.minsi %min3A_589, %squeeze3A_591 : i32
          %slice3A_593 = vector.extract_strided_slice %get3A_546 {offsets = [13], sizes = [1], strides = [1]} : vector<16xi32> to vector<1xi32>
          %squeeze3A_594 = vector.extract %slice3A_593[0] : i32 from vector<1xi32>
          %min3A_595 = arith.minsi %min3A_592, %squeeze3A_594 : i32
          %slice3A_596 = vector.extract_strided_slice %get3A_546 {offsets = [14], sizes = [1], strides = [1]} : vector<16xi32> to vector<1xi32>
          %squeeze3A_597 = vector.extract %slice3A_596[0] : i32 from vector<1xi32>
          %min3A_598 = arith.minsi %min3A_595, %squeeze3A_597 : i32
          %slice3A_599 = vector.extract_strided_slice %get3A_546 {offsets = [15], sizes = [1], strides = [1]} : vector<16xi32> to vector<1xi32>
          %squeeze3A_600 = vector.extract %slice3A_599[0] : i32 from vector<1xi32>
          %min3A_601 = arith.minsi %min3A_598, %squeeze3A_600 : i32
          %slice3A_602 = vector.extract_strided_slice %get3A_546 {offsets = [14], sizes = [1], strides = [1]} : vector<16xi32> to vector<1xi32>
          %squeeze3A_603 = vector.extract %slice3A_602[0] : i32 from vector<1xi32>
          %eq3A_604 = arith.constant 0 : i32
          %eq3A_605 = arith.cmpi eq, %squeeze3A_603, %eq3A_604 : i32
          %jit3A_606 = arith.constant 14 : i32
          %select_n3A_607 = arith.select %eq3A_605, %jit3A_606, %select_n3A : i32
          %slice3A_608 = vector.extract_strided_slice %get3A_546 {offsets = [13], sizes = [1], strides = [1]} : vector<16xi32> to vector<1xi32>
          %squeeze3A_609 = vector.extract %slice3A_608[0] : i32 from vector<1xi32>
          %eq3A_610 = arith.constant 0 : i32
          %eq3A_611 = arith.cmpi eq, %squeeze3A_609, %eq3A_610 : i32
          %jit3A_612 = arith.constant 13 : i32
          %select_n3A_613 = arith.select %eq3A_611, %jit3A_612, %select_n3A_607 : i32
          %slice3A_614 = vector.extract_strided_slice %get3A_546 {offsets = [12], sizes = [1], strides = [1]} : vector<16xi32> to vector<1xi32>
          %squeeze3A_615 = vector.extract %slice3A_614[0] : i32 from vector<1xi32>
          %eq3A_616 = arith.constant 0 : i32
          %eq3A_617 = arith.cmpi eq, %squeeze3A_615, %eq3A_616 : i32
          %jit3A_618 = arith.constant 12 : i32
          %select_n3A_619 = arith.select %eq3A_617, %jit3A_618, %select_n3A_613 : i32
          %slice3A_620 = vector.extract_strided_slice %get3A_546 {offsets = [11], sizes = [1], strides = [1]} : vector<16xi32> to vector<1xi32>
          %squeeze3A_621 = vector.extract %slice3A_620[0] : i32 from vector<1xi32>
          %eq3A_622 = arith.constant 0 : i32
          %eq3A_623 = arith.cmpi eq, %squeeze3A_621, %eq3A_622 : i32
          %jit3A_624 = arith.constant 11 : i32
          %select_n3A_625 = arith.select %eq3A_623, %jit3A_624, %select_n3A_619 : i32
          %slice3A_626 = vector.extract_strided_slice %get3A_546 {offsets = [10], sizes = [1], strides = [1]} : vector<16xi32> to vector<1xi32>
          %squeeze3A_627 = vector.extract %slice3A_626[0] : i32 from vector<1xi32>
          %eq3A_628 = arith.constant 0 : i32
          %eq3A_629 = arith.cmpi eq, %squeeze3A_627, %eq3A_628 : i32
          %jit3A_630 = arith.constant 10 : i32
          %select_n3A_631 = arith.select %eq3A_629, %jit3A_630, %select_n3A_625 : i32
          %slice3A_632 = vector.extract_strided_slice %get3A_546 {offsets = [9], sizes = [1], strides = [1]} : vector<16xi32> to vector<1xi32>
          %squeeze3A_633 = vector.extract %slice3A_632[0] : i32 from vector<1xi32>
          %eq3A_634 = arith.constant 0 : i32
          %eq3A_635 = arith.cmpi eq, %squeeze3A_633, %eq3A_634 : i32
          %jit3A_636 = arith.constant 9 : i32
          %select_n3A_637 = arith.select %eq3A_635, %jit3A_636, %select_n3A_631 : i32
          %slice3A_638 = vector.extract_strided_slice %get3A_546 {offsets = [8], sizes = [1], strides = [1]} : vector<16xi32> to vector<1xi32>
          %squeeze3A_639 = vector.extract %slice3A_638[0] : i32 from vector<1xi32>
          %eq3A_640 = arith.constant 0 : i32
          %eq3A_641 = arith.cmpi eq, %squeeze3A_639, %eq3A_640 : i32
          %jit3A_642 = arith.constant 8 : i32
          %select_n3A_643 = arith.select %eq3A_641, %jit3A_642, %select_n3A_637 : i32
          %slice3A_644 = vector.extract_strided_slice %get3A_546 {offsets = [7], sizes = [1], strides = [1]} : vector<16xi32> to vector<1xi32>
          %squeeze3A_645 = vector.extract %slice3A_644[0] : i32 from vector<1xi32>
          %eq3A_646 = arith.constant 0 : i32
          %eq3A_647 = arith.cmpi eq, %squeeze3A_645, %eq3A_646 : i32
          %jit3A_648 = arith.constant 7 : i32
          %select_n3A_649 = arith.select %eq3A_647, %jit3A_648, %select_n3A_643 : i32
          %slice3A_650 = vector.extract_strided_slice %get3A_546 {offsets = [6], sizes = [1], strides = [1]} : vector<16xi32> to vector<1xi32>
          %squeeze3A_651 = vector.extract %slice3A_650[0] : i32 from vector<1xi32>
          %eq3A_652 = arith.constant 0 : i32
          %eq3A_653 = arith.cmpi eq, %squeeze3A_651, %eq3A_652 : i32
          %jit3A_654 = arith.constant 6 : i32
          %select_n3A_655 = arith.select %eq3A_653, %jit3A_654, %select_n3A_649 : i32
          %slice3A_656 = vector.extract_strided_slice %get3A_546 {offsets = [5], sizes = [1], strides = [1]} : vector<16xi32> to vector<1xi32>
          %squeeze3A_657 = vector.extract %slice3A_656[0] : i32 from vector<1xi32>
          %eq3A_658 = arith.constant 0 : i32
          %eq3A_659 = arith.cmpi eq, %squeeze3A_657, %eq3A_658 : i32
          %jit3A_660 = arith.constant 5 : i32
          %select_n3A_661 = arith.select %eq3A_659, %jit3A_660, %select_n3A_655 : i32
          %slice3A_662 = vector.extract_strided_slice %get3A_546 {offsets = [4], sizes = [1], strides = [1]} : vector<16xi32> to vector<1xi32>
          %squeeze3A_663 = vector.extract %slice3A_662[0] : i32 from vector<1xi32>
          %eq3A_664 = arith.constant 0 : i32
          %eq3A_665 = arith.cmpi eq, %squeeze3A_663, %eq3A_664 : i32
          %jit3A_666 = arith.constant 4 : i32
          %select_n3A_667 = arith.select %eq3A_665, %jit3A_666, %select_n3A_661 : i32
          %slice3A_668 = vector.extract_strided_slice %get3A_546 {offsets = [3], sizes = [1], strides = [1]} : vector<16xi32> to vector<1xi32>
          %squeeze3A_669 = vector.extract %slice3A_668[0] : i32 from vector<1xi32>
          %eq3A_670 = arith.constant 0 : i32
          %eq3A_671 = arith.cmpi eq, %squeeze3A_669, %eq3A_670 : i32
          %jit3A_672 = arith.constant 3 : i32
          %select_n3A_673 = arith.select %eq3A_671, %jit3A_672, %select_n3A_667 : i32
          %slice3A_674 = vector.extract_strided_slice %get3A_546 {offsets = [2], sizes = [1], strides = [1]} : vector<16xi32> to vector<1xi32>
          %squeeze3A_675 = vector.extract %slice3A_674[0] : i32 from vector<1xi32>
          %eq3A_676 = arith.constant 0 : i32
          %eq3A_677 = arith.cmpi eq, %squeeze3A_675, %eq3A_676 : i32
          %jit3A_678 = arith.constant 2 : i32
          %select_n3A_679 = arith.select %eq3A_677, %jit3A_678, %select_n3A_673 : i32
          %slice3A_680 = vector.extract_strided_slice %get3A_546 {offsets = [1], sizes = [1], strides = [1]} : vector<16xi32> to vector<1xi32>
          %squeeze3A_681 = vector.extract %slice3A_680[0] : i32 from vector<1xi32>
          %eq3A_682 = arith.constant 0 : i32
          %eq3A_683 = arith.cmpi eq, %squeeze3A_681, %eq3A_682 : i32
          %jit3A_684 = arith.constant 1 : i32
          %select_n3A_685 = arith.select %eq3A_683, %jit3A_684, %select_n3A_679 : i32
          %slice3A_686 = vector.extract_strided_slice %get3A_546 {offsets = [0], sizes = [1], strides = [1]} : vector<16xi32> to vector<1xi32>
          %squeeze3A_687 = vector.extract %slice3A_686[0] : i32 from vector<1xi32>
          %eq3A_688 = arith.constant 0 : i32
          %eq3A_689 = arith.cmpi eq, %squeeze3A_687, %eq3A_688 : i32
          %jit3A_690 = arith.constant 0 : i32
          %select_n3A_691 = arith.select %eq3A_689, %jit3A_690, %select_n3A_685 : i32
          %eq3A_692 = arith.constant 0 : i32
          %eq3A_693 = arith.cmpi eq, %min3A_601, %eq3A_692 : i32
          %convert_element_type3A_694 = arith.extui %eq3A_693 : i1 to i32
          %cond3A_695 = arith.constant 0 : i32
          %cond3A_696 = arith.cmpi ne, %convert_element_type3A_694, %cond3A_695 : i32
          scf.if %cond3A_696 {
            %mul3A_698 = arith.constant 128 : i32
            %mul3A_699 = arith.muli %add3A_448, %mul3A_698 : i32
            %add3A_700 = arith.addi %mul3A_4, %mul3A_699 : i32
            %mul3A_701 = arith.constant 16 : i32
            %mul3A_702 = arith.muli %scan3A_540, %mul3A_701 : i32
            %add3A_703 = arith.addi %add3A_700, %mul3A_702 : i32
            %iota3A = tpu.iota {dimensions = array<i32: 0>} : vector<16xi32>
            %add3A_704 = vector.broadcast %add3A_703 : i32 to vector<16xi32>
            %add3A_705 = arith.addi %add3A_704, %iota3A : vector<16xi32>
            %add3A_706 = arith.addi %add3A_703, %select_n3A_691 : i32
            %broadcast_in_dim3A_707 = vector.broadcast %add3A_706 : i32 to vector<16xi32>
            %select_n3A_708 = arith.select %eq3A_549, %add3A_705, %broadcast_in_dim3A_707 : vector<16xi1>, vector<16xi32>
            %dma_start3A_709 = arith.constant 0 : i32
            %dma_start3A_710 = arith.constant 0 : i32
            %dma_start3A_711 = tpu.memref_slice %arg4[%dma_start3A_709, %dma_start3A_710] : memref<819200x128xf32, #tpu.memory_space<hbm>> -> memref<819200x128xf32, #tpu.memory_space<hbm>>
            tpu.enqueue_indirect_dma source(%arg7 : memref<16x128xf32, #tpu.memory_space<vmem>>) target(%dma_start3A_711 : memref<819200x128xf32, #tpu.memory_space<hbm>>) offsets(%select_n3A_708 : vector<16xi32>) semaphore(%arg16 : memref<!tpu.dma_semaphore, #tpu.memory_space<semaphore_mem>>)
            %dma_wait3A_712 = arith.constant 0 : i32
            %dma_wait3A_713 = arith.constant 0 : i32
            %dma_wait3A_714 = tpu.memref_slice %arg4[%dma_wait3A_712, %dma_wait3A_713] : memref<819200x128xf32, #tpu.memory_space<hbm>> -> memref<819200x128xf32, #tpu.memory_space<hbm>>
            tpu.wait_indirect_dma semaphore(%arg16 : memref<!tpu.dma_semaphore, #tpu.memory_space<semaphore_mem>>) src(%arg7 : memref<16x128xf32, #tpu.memory_space<vmem>>) dst(%dma_wait3A_714 : memref<819200x128xf32, #tpu.memory_space<hbm>>)
          } else {
          }
          %scan3A_697 = arith.constant 0 : i32
          scf.yield %scan3A_697 : i32
        }
        %scan3A_539 = arith.constant 8 : i32
      } else {
      }
      %add3A_525 = arith.constant 4 : i32
      %add3A_526 = arith.addi %add3A_448, %add3A_525 : i32
      %lt3A_527 = arith.constant 200 : i32
      %lt3A_528 = arith.cmpi slt, %add3A_526, %lt3A_527 : i32
      %convert_element_type3A_529 = arith.extui %lt3A_528 : i1 to i32
      %cond3A_530 = arith.constant 0 : i32
      %cond3A_531 = arith.cmpi ne, %convert_element_type3A_529, %cond3A_530 : i32
      scf.if %cond3A_531 {
        %dma_start3A_533 = arith.constant 3 : i32
        %dma_start3A_534 = arith.constant 0 : i32
        %dma_start3A_535 = arith.constant 0 : i32
        %dma_start3A_536 = tpu.memref_slice %arg6[%dma_start3A_533, %dma_start3A_534, %dma_start3A_535] : memref<4x128x128xf32, #tpu.memory_space<vmem>> -> memref<1x128x128xf32, #tpu.memory_space<vmem>>
        %dma_start3A_537 = tpu.memref_squeeze %dma_start3A_536 : memref<1x128x128xf32, #tpu.memory_space<vmem>> -> memref<128x128xf32, #tpu.memory_space<vmem>>
        %dma_start3A_538 = arith.constant 0 : i32
        %dma_start3A_539 = tpu.memref_slice %arg5[%add3A_526, %dma_start3A_538] : memref<200x128xi32, #tpu.memory_space<vmem>> -> memref<1x128xi32, #tpu.memory_space<vmem>>
        %dma_start3A_540 = tpu.memref_squeeze %dma_start3A_539 : memref<1x128xi32, #tpu.memory_space<vmem>> -> memref<128xi32, #tpu.memory_space<vmem>>
        %dma_start3A_541 = arith.constant 0 : i32
        %dma_start3A_542 = arith.constant 0 : i32
        %dma_start3A_543 = tpu.memref_slice %arg3[%dma_start3A_541, %dma_start3A_542] : memref<100000x128xf32, #tpu.memory_space<hbm>> -> memref<100000x128xf32, #tpu.memory_space<hbm>>
        tpu.enqueue_indirect_dma source(%dma_start3A_543 : memref<100000x128xf32, #tpu.memory_space<hbm>>) target(%dma_start3A_537 : memref<128x128xf32, #tpu.memory_space<vmem>>) offsets(%dma_start3A_540 : memref<128xi32, #tpu.memory_space<vmem>>) semaphore(%arg11 : memref<!tpu.dma_semaphore, #tpu.memory_space<semaphore_mem>>)
      } else {
      }
      %scan3A_532 = arith.constant 0 : i32
      scf.yield %scan3A_532 : i32
    }
    %scan3A_65 = arith.constant 50 : i32
    return
  }
}

</mosaic_0001>

<sc_bundles>
// kernel: kernel.3.cloned.1.call-start
scs
__scs_entry_jumppad:
0x0: {  	(pc) =	sbr.rel $0x88, $3  }
0x1: {  	(tag) =	ssettag $0x0;
	lr =	simm.s32 $0x1  }
0x2: {  	[smem:$0x3F9F] =	sst lr;
	_ =	strace $0xD0000000  }
0x3: {  	_ = 	snop  }
0x4: {  	_ = 	snop  }
0x5: {  	_ = 	snop  }
0x6: {  	_ = 	snop  }
0x7: {  	_ = 	snop  }
__scs_overlays_trampoline_lowered:
0x8: {  	[smem:$0x3FAE] =	sst s0  }
0x9: {  	[smem:$0x3FAF] =	sst s1  }
0xa: {  	[smem:$0x3FB0] =	sst s2  }
0xb: {  	[smem:$0x3FB1] =	sst s3  }
0xc: {  	[smem:$0x3FB2] =	sst s4  }
0xd: {  	[smem:$0x3FB3] =	sst s5  }
0xe: {  	[smem:$0x3FB4] =	sst s6  }
0xf: {  	[smem:$0x3FB5] =	sst s7  }
0x10: {  	[smem:$0x3FB6] =	sst s8  }
0x11: {  	[smem:$0x3FB7] =	sst s9;
	s0 =	simm.s32 @!p0 $0x0  }
0x12: {  	s1 =	sld [smem:$0x3F9D];
	s0 =	simm.s32 @p0 $0x1  }
0x13: {  	[smem:$0x3FB8] =	sst s0;
	s0 =	simm.s32 @!p1 $0x0  }
0x14: {  	s2 =	sld [smem:$0x3F9C];
	s0 =	simm.s32 @p1 $0x1  }
0x15: {  	[smem:$0x3FB9] =	sst s0;
	s0 =	simm.s32 @!p2 $0x0  }
0x16: {  	s3 =	sld [smem:$0x3FDB];
	s0 =	simm.s32 @p2 $0x1  }
0x17: {  	s4 =	simm.s32 $0x1BF5;
	[smem:$0x3FBB] =	sst s0  }
0x18: {  	s0 =	sld [smem:$0x3F9E];
	_ =	swait.ge [sflag:s4], $0x0  }
0x19: {  	s7 =	sld [smem:$0x3F9F]  }
0x1a: {  	s8 =	sadd.s32 $0xFFFFE003, lr  }
0x1b: {  	s9 =	sadd.s32 $0xFFFFFEF7, lr;
	s5 =	simm.s32 $0xFFFFFFFF;
	p2 =	slt.u32 s8, $0xFFFFF086  }
0x1c: {  	p1 =	slt.u32 s9, $0xF7A;
	s5 =	simm.s32 @!p2 $0x0  }
0x1d: {  	s5 =	simm.s32 @p1 $0x1;
	p0 =	seq.s32 s7, s2  }
0x1e: {  	s7 =	smul.u32 @!p0 $0xF7A, s2;
	p2 =	seq.s32 @!p0 s5, $0x0  }
0x1f: {  	s9 =	smul.u32 $0xF7A, s1;
	s8 =	simm.s32 @!p0 $0x1BF5;
	p2 =	por !p2, p0  }
0x20: {  	[sflag:s8] =	ssyncset.s32 @!p0 $0xFFFFF086;
	s6 =	sadd.s32 @!p0 s3, s7;
	s7 =	simm.s32 @!p0 $0x108  }
0x21: {  	s3 =	sadd.s32 s3, s9;
	s6 =	sadd.s32 @!p0 $0x88, s6;
	s7 =	simm.s32 @p2 $0x1082  }
0x22: {  	[simem:s7], [sflag:s8] =	dma.local @!p0 [hbm:s6], $0xF7A  }
0x23: {  	s9 =	sor.u32 $0xD0000000, s2;
	s6 =	simm.s32 $0x108;
	_ =	swait.ge @!p0 [sflag:s8], $0x0  }
0x24: {  	s3 =	sadd.s32 $0x88, s3;
	s6 =	simm.s32 @!p1 $0x1082;
	[sflag:s4] =	ssyncset.s32 $0xFFFFF086  }
0x25: {  	[simem:s6], [sflag:s4] =	dma.local [hbm:s3], $0xF7A  }
0x26: {  	[smem:$0x3F9F] =	sst s1;
	(tag) =	ssettag s2;
	_ =	strace s9  }
0x27: {  	s1 =	sld [smem:$0x3FAF]  }
0x28: {  	s2 =	sld [smem:$0x3FB0]  }
0x29: {  	s4 =	sld [smem:$0x3FB2]  }
0x2a: {  	p0 =	seq.s32 s5, $0x0;
	s5 =	sld [smem:$0x3FB3]  }
0x2b: {  	s6 =	sld [smem:$0x3FB4]  }
0x2c: {  	s7 =	sld [smem:$0x3FB5]  }
0x2d: {  	s3 =	simm.s32 $0x108;
	s8 =	sld [smem:$0x3FB6]  }
0x2e: {  	s3 =	simm.s32 @!p0 $0x1082;
	s9 =	sld [smem:$0x3FB7]  }
0x2f: {  	lr =	sadd.s32 s0, s3;
	s0 =	sld [smem:$0x3FAE]  }
0x30: {  	s3 =	sld [smem:$0x3FB1]  }
0x31: {  	[smem:$0x3FBA] =	sst s10  }
0x32: {  	s10 =	sld [smem:$0x3FB8];
	_ =	sdelay $0x3  }
0x33: {  	p0 =	seq.s32 s10, $0x1;
	s10 =	sld [smem:$0x3FBA];
	_ =	sdelay $0x3  }
0x34: {  	[smem:$0x3FBA] =	sst s10  }
0x35: {  	s10 =	sld [smem:$0x3FB9];
	_ =	sdelay $0x3  }
0x36: {  	p1 =	seq.s32 s10, $0x1;
	s10 =	sld [smem:$0x3FBA];
	_ =	sdelay $0x3  }
0x37: {  	[smem:$0x3FBA] =	sst s10  }
0x38: {  	s10 =	sld [smem:$0x3FBB]  }
0x39: {  	_ = 	snop;
	(pc) =	sbr.ind lr, $3  }
0x3a: {  	_ = 	snop  }
0x3b: {  	_ = 	snop  }
0x3c: {  	p2 =	seq.s32 s10, $0x1;
	s10 =	sld [smem:$0x3FBA]  }
0x3d: {  	_ =	shalt  }
0x3e: {  	_ =	shalt  }
0x3f: {  	_ =	shalt  }
0x40: {  	_ =	shalt  }
0x41: {  	_ =	shalt  }
0x42: {  	_ =	shalt  }
0x43: {  	_ =	shalt  }
0x44: {  	_ =	shalt  }
0x45: {  	_ =	shalt  }
0x46: {  	_ =	shalt  }
0x47: {  	_ =	shalt  }
0x48: {  	_ =	shalt  }
0x49: {  	_ =	shalt  }
0x4a: {  	_ =	shalt  }
0x4b: {  	_ =	shalt  }
0x4c: {  	_ =	shalt  }
0x4d: {  	_ =	shalt  }
0x4e: {  	_ =	shalt  }
0x4f: {  	_ =	shalt  }
0x50: {  	_ =	shalt  }
0x51: {  	_ =	shalt  }
0x52: {  	_ =	shalt  }
0x53: {  	_ =	shalt  }
0x54: {  	_ =	shalt  }
0x55: {  	_ =	shalt  }
0x56: {  	_ =	shalt  }
0x57: {  	_ =	shalt  }
0x58: {  	_ =	shalt  }
0x59: {  	_ =	shalt  }
0x5a: {  	_ =	shalt  }
0x5b: {  	_ =	shalt  }
0x5c: {  	_ =	shalt  }
0x5d: {  	_ =	shalt  }
0x5e: {  	_ =	shalt  }
0x5f: {  	_ =	shalt  }
0x60: {  	_ =	shalt  }
0x61: {  	_ =	shalt  }
0x62: {  	_ =	shalt  }
0x63: {  	_ =	shalt  }
0x64: {  	_ =	shalt  }
0x65: {  	_ =	shalt  }
0x66: {  	_ =	shalt  }
0x67: {  	_ =	shalt  }
0x68: {  	_ =	shalt  }
0x69: {  	_ =	shalt  }
0x6a: {  	_ =	shalt  }
0x6b: {  	_ =	shalt  }
0x6c: {  	_ =	shalt  }
0x6d: {  	_ =	shalt  }
0x6e: {  	_ =	shalt  }
0x6f: {  	_ =	shalt  }
0x70: {  	_ =	shalt  }
0x71: {  	_ =	shalt  }
0x72: {  	_ =	shalt  }
0x73: {  	_ =	shalt  }
0x74: {  	_ =	shalt  }
0x75: {  	_ =	shalt  }
0x76: {  	_ =	shalt  }
0x77: {  	_ =	shalt  }
0x78: {  	_ =	shalt  }
0x79: {  	_ =	shalt  }
0x7a: {  	_ =	shalt  }
0x7b: {  	_ =	shalt  }
0x7c: {  	_ =	shalt  }
0x7d: {  	_ =	shalt  }
0x7e: {  	_ =	shalt  }
0x7f: {  	_ =	shalt  }
0x80: {  	_ =	shalt  }
0x81: {  	_ =	shalt  }
0x82: {  	_ =	shalt  }
0x83: {  	_ =	shalt  }
0x84: {  	_ =	shalt  }
0x85: {  	_ =	shalt  }
0x86: {  	_ =	shalt  }
0x87: {  	_ =	shalt  }
.Lfunc_end0:
.L_simem_size_0:
called_computation_lowered:
.L_overlay_start_0:
0x88: {  	s2 =	sld [smem:$0x3FD9]  }
0x89: {  	s3 =	sld [smem:$0x3FFE];
	_ =	sdelay $0x1  }
0x8a: {  	s1 =	srdreg.scid  }
0x8b: {  	s0 =	sand.u32 $0x1, s1  }
0x8c: {  	s17 =	sshll.u32 s0, $0xA;
	s2 =	sadd.s32 s3, s2  }
0x8d: {  	s2 =	sadd.s32 s2, s17  }
0x8e: {  	[smem:$0x3FC6] =	sst s2  }
0x8f: {  	_ = 	snop  }
0x90: {  	s2 =	sld [smem:$0x3FC8]  }
0x91: {  	s18 =	sld [smem:$0x3FD0];
	(tm) =	ssettm $0x1  }
0x92: {  	s4 =	sld [smem:$0x3FFB];
	_ =	sdelay $0x3  }
0x93: {  	_ =	strace s4  }
0x94: {  	s4 =	sld [smem:$0x3FFC];
	_ =	sdelay $0x3  }
0x95: {  	_ =	strace s4  }
0x96: {  	s4 =	sld [smem:$0x3FFD];
	_ =	sdelay $0x3  }
0x97: {  	_ =	strace s4  }
0x98: {  	_ =	strace $0x8FFFFFFF  }
0x99: {  	s19 =	sld [smem:$0x3FDB];
	_ =	sdelay $0x1  }
0x9a: {  	s5 =	simm.s32 $_scs_section_size  }
0x9b: {  	s6 =	simm.s32 $_size__tile_overlayer_lowered;
	s7 =	simm.s32 $_tile_overlayer_lowered  }
0x9c: {  	s22 =	simm.s32 $0x1BFF;
	s21 =	sshll.u32 s7, $0x1;
	s4 =	sadd.s32 s5, s19  }
0x9d: {  	s8 =	simm.s32 $0x0;
	s20 =	sshll.u32 s6, $0x1;
	s6 =	sadd.s32 s21, s4  }
0x9e: {  	[timem:s8], [sflag:s22] =	dma.local [hbm:s6], s20  }
0x9f: {  	_ =	swait.ge [sflag:s22], s20  }
0xa0: {  	s5 =	ssub.s32 $0x0, s20;
	[sflag:s22] =	ssyncset.done $0x0  }
0xa1: {  	[sflag:s22] =	ssyncadd.s32 s5;
	_ =	sdelay $0x1  }
0xa2: {  	s23 =	simm.s32 $0x1B8B  }
0xa3: {  	_ =	swait.ge [sflag:s23], $0x1  }
0xa4: {  	[sflag:s23] =	ssyncset.done $0x0  }
0xa5: {  	s25 =	simm.s32 $0x1B8E;
	s24 =	sld [smem:$0x3FFE];
	[sflag:s23] =	ssyncadd.s32 $0xFFFFFFFF  }
0xa6: {  	s26 =	simm.s32 $execute0_lowered;
	[smem:$0x3FD2] =	sst s25  }
0xa7: {  	s6 =	sshll.u32 s26, $0x1;
	_ =	strace $0x80000046;
	[dreg:$0x1] =	wrdreg $0xFFFFFFFF  }
0xa8: {  	s28 =	simm.s32 $_size_execute0_lowered;
	s4 =	sadd.s32 s4, s6;
	[dreg:$0x0] =	wrdreg $0x0  }
0xa9: {  	s6 =	sshll.u32 s28, $0x1;
	[dreg:$0x2] =	wrdreg s4  }
0xaa: {  	[dreg:$0x3] =	wrdreg s6  }
0xab: {  	[dreg:$0x4] =	wrdreg $0xC0  }
0xac: {  	_ =	task [dreg:s8], $0x5FFFF  }
0xad: {  	[dreg:$0x1] =	wrdreg $0xFFFFFFFF  }
0xae: {  	[dreg:$0x0] =	wrdreg $0x60  }
0xaf: {  	[dreg:$0x2] =	wrdreg s24  }
0xb0: {  	[dreg:$0x3] =	wrdreg s2  }
0xb1: {  	[dreg:$0x4] =	wrdreg s18  }
0xb2: {  	[dreg:$0x5] =	wrdreg $0x9  }
0xb3: {  	_ =	task.clear_ibuf [dreg:s8], $0x6FFFF;
	_ =	strace $0x90000046  }
0xb4: {  	s29 =	simm.s32 $0x9;
	_ =	strace $0x80000048  }
0xb5: {  	_ =	swait.ge [sflag:s29], $0x1  }
0xb6: {  	[sflag:s29] =	ssyncadd.s32 $0xFFFFFFFF  }
0xb7: {  	_ =	strace $0x90000048  }
0xb8: {  	_ =	sfence  }
0xb9: {  	s30 =	sld [smem:$0x0];
	_ =	sdelay $0x2  }
0xba: {  	s31 =	sshll.u32 s1, $0xD;
	s1 =	sshrl.u32 s1, $0x2  }
0xbb: {  	s3 =	sand.u32 $0x4000, s31;
	s1 =	sadd.s32 s1, s30  }
0xbc: {  	s0 =	sor.u32 s3, s0;
	s1 =	sshll.u32 s1, $0x11  }
0xbd: {  	s0 =	sor.u32 s1, s0  }
0xbe: {  	s0 =	sadd.s32 $0x8F2B, s0  }
0xbf: {  	[sflag:s0] =	ssyncadd.remote.s32 $0x1  }
0xc0: {  	_ =	sfence.sel $0xFFFF  }
0xc1: {  	[dreg:$0x0] =	wrdreg $0xFFFFFFFF;
	(pc) =	sbr.abs _section_cstart, $3  }
0xc2: {  	[dreg:$0x1] =	wrdreg $0xFFFFFFFF  }
0xc3: {  	_ =	task.clear_ibuf [dreg:s8], $0x2FFFF;
	_ =	strace $0x9FFFFFFF  }
0xc4: {  	(tm) =	ssettm $0x7FFFFFFF  }
0xc5: {  	_ =	shalt  }
tec
execute0_lowered:
.L_overlay_start_1:
0x0: {  	(tag) =	ssettag $0x1  }
0x1: {  	s0 =	rddreg [dreg:$0x0];
	s1 =	srdreg.scid  }
0x2: {  	s2 =	stileid.u32;
	s31 =	rddreg [dreg:$0x1];
	s6 =	simm.s32 $0x0  }
0x3: {  	s1 =	sand.u32 $0x1, s1;
	s4 =	sshll.u32 s2, $0x1;
	s7 =	smul.u32 $0xC800, s2  }
0x4: {  	s4 =	sor.u32 s1, s4;
	s24 =	ssub.s32 $0x2, s1;
	s1 =	smul.u32 $0x6400, s1  }
0x5: {  	[smem:$0x7FF] =	sst s6;
	s25 =	smul.u32 $0x6400, s4  }
0x6: {  	s3 =	rddreg [dreg:$0x2];
	_ =	strace $0x80000047;
	s8 =	sshrl.u32 s24, $0x1  }
0x7: {  	s6 =	ssub.s32 s24, s8;
	s28 =	sadd.s32 s1, s7;
	[dreg:$0xd] =	wrdreg s25  }
0x8: {  	s5 =	smul.u32 $0xC80, s4;
	s26 =	smax.u32 s6, $0x1;
	[dreg:$0x6] =	wrdreg s28  }
.Ltmp0:
0x9: {  	s1 =	sor.u32 $0x80, s28;
	[dreg:$0x5] =	wrdreg s26;
	(pc) =	sbr.rel .LBB2_1-.Ltmp0, $4  }
0xa: {  	s0 =	sadd.s32 s5, s0;
	s30 =	sor.u32 $0x100, s28;
	[dreg:$0x7] =	wrdreg s1  }
0xb: {  	s0 =	sadd.s32 $0x400, s0;
	[dreg:$0x8] =	wrdreg s30  }
0xc: {  	[dreg:$0x4] =	wrdreg s0;
	s0 =	sor.u32 $0x180, s28  }
0xd: {  	s29 =	simm.s32 $0x12400;
	v0 =	vimm.f32 $0.0e+00;
	s1 =	simm.s32 $0x0;
	[dreg:$0x9] =	wrdreg s0  }
.LBB2_22:
0xe: {  	s1 =	rddreg [dreg:$0xa]  }
0xf: {  	s0 =	rddreg [dreg:$0x5];
	s1 =	sadd.s32 $0x1, s1  }
0x10: {  	p0 =	sne.s32 s1, s0  }
.Ltmp1:
0x11: {  	_ = 	snop;
	(pc) =	sbr.rel @!p0 .LBB2_23-.Ltmp1, $1  }
0x12: {  	_ =	sdelay $0x3  }
.LBB2_1:
0x13: {  	[dreg:$0xa] =	wrdreg s1  }
0x14: {  	s0 =	simm.s32 $0x0;
	s28 =	rddreg [dreg:$0x4];
	s30 =	simm.s32 $0xA  }
0x15: {  	[tilespmem:s0], [sflag:$0xA] =	stream.linear.gather [hbm4b:s28+s0], $0x6400, $0x38;
	[tilespmem:$0x16C00] =	vst v63  }
0x16: {  	_ =	swait.ge [sflag:s30], $0x6400  }
0x17: {  	[sflag:s30] =	ssyncset.done $0x0  }
0x18: {  	s1 =	simm.s32 $0x200;
	s0 =	simm.s32 $0x0;
	[sflag:s30] =	ssyncadd.s32 $0xFFFF9C00  }
.LBB2_2:
0x19: {  	p0 =	sne.s32 s1, $0x1E00;
	[tilespmem:s0+$0x16470] =	vst v0  }
0x1a: {  	[tilespmem:s0+$0x16400] =	vst v0  }
0x1b: {  	[tilespmem:s0+$0x16410] =	vst v0  }
.Ltmp2:
0x1c: {  	[tilespmem:s0+$0x16420] =	vst v0;
	(pc) =	sbr.rel @p0 .LBB2_2-.Ltmp2, $4  }
0x1d: {  	[tilespmem:s0+$0x16430] =	vst v0  }
0x1e: {  	[tilespmem:s0+$0x16440] =	vst v0  }
0x1f: {  	[tilespmem:s0+$0x16450] =	vst v0  }
0x20: {  	[tilespmem:s0+$0x16460] =	vst v0;
	s0 =	sshra.s32 s1, $0x2;
	s1 =	sadd.s32 $0x200, s1  }
0x21: {  	[tilespmem:s0+$0x16470] =	vst v0  }
0x22: {  	[tilespmem:s0+$0x16400] =	vst v0  }
0x23: {  	[tilespmem:s0+$0x16410] =	vst v0  }
0x24: {  	[tilespmem:s0+$0x16420] =	vst v0  }
0x25: {  	[tilespmem:s0+$0x16430] =	vst v0;
	s23 =	rddreg [dreg:$0x9]  }
0x26: {  	[tilespmem:s0+$0x16440] =	vst v0;
	s24 =	rddreg [dreg:$0x8]  }
0x27: {  	[tilespmem:s0+$0x16450] =	vst v0;
	s30 =	simm.s32 $0x80;
	s25 =	rddreg [dreg:$0x7]  }
0x28: {  	[tilespmem:s0+$0x16460] =	vst v0;
	s9 =	simm.s32 $0x0;
	s20 =	simm.s32 $0x6400;
	s26 =	rddreg [dreg:$0x6]  }
0x29: {  	[tilespmem:s20], [sflag:$0x1] =	stream.indirect.gather [hbm4b:s31+s30], $0x80, s9, s30, $0xb8;
	[tilespmem:$0x16C00] =	vst v63  }
0x2a: {  	[dreg:$0xe] =	wrdreg s23  }
0x2b: {  	s21 =	simm.s32 $0xA400;
	s28 =	simm.s32 $0x100;
	[dreg:$0xf] =	wrdreg s24  }
0x2c: {  	[tilespmem:s21], [sflag:$0x2] =	stream.indirect.gather [hbm4b:s31+s30], $0x80, s30, s30, $0xb8;
	[tilespmem:$0x16C00] =	vst v63  }
0x2d: {  	s22 =	simm.s32 $0xE400;
	s8 =	simm.s32 $0x180;
	[dreg:$0x10] =	wrdreg s25  }
0x2e: {  	[tilespmem:s22], [sflag:$0x3] =	stream.indirect.gather [hbm4b:s31+s30], $0x80, s28, s30, $0xb8;
	[tilespmem:$0x16C00] =	vst v63  }
0x2f: {  	s6 =	simm.s32 $0x0;
	s4 =	simm.s32 $0x0;
	[dreg:$0x11] =	wrdreg s26  }
0x30: {  	[tilespmem:s29], [sflag:$0x4] =	stream.indirect.gather [hbm4b:s31+s30], $0x80, s8, s30, $0xb8;
	[tilespmem:$0x16C00] =	vst v63  }
.LBB2_4:
0x31: {  	s2 =	simm.s32 $0x1  }
0x32: {  	_ =	swait.ge [sflag:s2], $0x4000  }
0x33: {  	s0 =	sshll.u32 s4, $0x9;
	s5 =	rddreg [dreg:$0xd]  }
0x34: {  	s18 =	simm.s32 $0x6400;
	s1 =	sadd.s32 s5, s0  }
0x35: {  	s19 =	simm.s32 $0x2;
	[sflag:s2] =	ssyncset.done $0x0;
	s1 =	sshll.u32 s1, $0x4  }
0x36: {  	s12 =	sor.u32 $0x80, s0;
	[sflag:s2] =	ssyncadd.s32 $0xFFFFC000;
	s1 =	sadd.s32 s3, s1  }
0x37: {  	[hbm4b:s1+s9] =	stream.linear.scatter [tilespmem:s18], [sflag:$0x5], $0x4000, $0x38;
	[tilespmem:$0x16C00] =	vst v63  }
0x38: {  	s21 =	simm.s32 $0xA400;
	s20 =	sadd.s32 s5, s12;
	_ =	swait.ge [sflag:s19], $0x4000  }
0x39: {  	s22 =	simm.s32 $0x3;
	s1 =	sshll.u32 s20, $0x4;
	[sflag:s19] =	ssyncset.done $0x0  }
0x3a: {  	s7 =	sor.u32 $0x100, s0;
	s1 =	sadd.s32 s3, s1;
	[sflag:s19] =	ssyncadd.s32 $0xFFFFC000  }
0x3b: {  	[hbm4b:s1+s9] =	stream.linear.scatter [tilespmem:s21], [sflag:$0x6], $0x4000, $0x38;
	[tilespmem:$0x16C00] =	vst v63  }
0x3c: {  	s23 =	sadd.s32 s5, s7;
	_ =	swait.ge [sflag:s22], $0x4000  }
0x3d: {  	s1 =	sshll.u32 s23, $0x4;
	[sflag:s22] =	ssyncset.done $0x0  }
0x3e: {  	s24 =	simm.s32 $0xE400;
	s1 =	sadd.s32 s3, s1;
	[sflag:s22] =	ssyncadd.s32 $0xFFFFC000  }
0x3f: {  	[hbm4b:s1+s9] =	stream.linear.scatter [tilespmem:s24], [sflag:$0x7], $0x4000, $0x38;
	[tilespmem:$0x16C00] =	vst v63  }
0x40: {  	s25 =	simm.s32 $0x4;
	s1 =	sor.u32 $0x180, s0  }
0x41: {  	_ =	swait.ge [sflag:s25], $0x4000;
	s13 =	sadd.s32 s5, s1  }
0x42: {  	[sflag:s25] =	ssyncset.done $0x0;
	s13 =	sshll.u32 s13, $0x4  }
0x43: {  	s26 =	simm.s32 $0x5;
	[sflag:s25] =	ssyncadd.s32 $0xFFFFC000;
	s13 =	sadd.s32 s3, s13  }
0x44: {  	[hbm4b:s13+s9] =	stream.linear.scatter [tilespmem:s29], [sflag:$0x8], $0x4000, $0x38;
	[tilespmem:$0x16C00] =	vst v63  }
0x45: {  	_ =	swait.ge [sflag:s26], $0x4000  }
0x46: {  	[sflag:s26] =	ssyncset.done $0x0  }
0x47: {  	s0 =	sand.u32 $0x3FFFFE00, s0;
	[sflag:s26] =	ssyncadd.s32 $0xFFFFC000  }
0x48: {  	v1 =	vld [tilespmem:s0+$0x0]  }
0x49: {  	v2 =	vld [tilespmem:s0+$0x10];
	_ =	sdelay $0x1  }
0x4a: {  	v3 =	vld [tilespmem:s0+$0x20];
	_ =	sdelay $0x1  }
0x4b: {  	v4 =	vld [tilespmem:s0+$0x30]  }
0x4c: {  	vm0 =	vlt.s32 v1, v2  }
0x4d: {  	v1 =	vsel vm0, v1, v2;
	v2 =	vld [tilespmem:s0+$0x40]  }
0x4e: {  	vm0 =	vlt.s32 v1, v3  }
0x4f: {  	v1 =	vsel vm0, v1, v3;
	v3 =	vld [tilespmem:s0+$0x50]  }
0x50: {  	vm0 =	vlt.s32 v1, v4  }
0x51: {  	v63 =	vld [tilespmem:s0+$0x60];
	v1 =	vsel vm0, v1, v4  }
0x52: {  	vm0 =	vlt.s32 v1, v2  }
0x53: {  	v1 =	vsel vm0, v1, v2;
	v2 =	vld [tilespmem:s0+$0x70]  }
0x54: {  	vm0 =	vlt.s32 v1, v3  }
0x55: {  	v1 =	vsel vm0, v1, v3  }
0x56: {  	vm0 =	vlt.s32 v1, v63  }
0x57: {  	v1 =	vsel vm0, v1, v63  }
0x58: {  	vm0 =	vlt.s32 v1, v2  }
0x59: {  	v1 =	vsel vm0, v1, v2  }
0x5a: {  	vm0 =	vlt.s32 v1, $0x186A0  }
0x5b: {  	v1 =	vnsel vm0, $0x186A0, v1  }
0x5c: {  	(v2sf) =	vpush v1, $0x0  }
0x5d: {  	(v2sf) =	vpush v1, $0x1;
	_ =	sdelay $0x1  }
0x5e: {  	(v2sf) =	vpush v1, $0x2;
	_ =	sdelay $0x1  }
0x5f: {  	(v2sf) =	vpush v1, $0x3;
	_ =	sdelay $0x1  }
0x60: {  	(v2sf) =	vpush v1, $0x4;
	_ =	sdelay $0x1  }
0x61: {  	(v2sf) =	vpush v1, $0x5;
	_ =	sdelay $0x1  }
0x62: {  	(v2sf) =	vpush v1, $0x6;
	_ =	sdelay $0x1  }
0x63: {  	(v2sf) =	vpush v1, $0x7;
	_ =	sdelay $0x1  }
0x64: {  	s13 =	spop (v2sf);
	(v2sf) =	vpush v1, $0x8  }
0x65: {  	s14 =	spop (v2sf)  }
0x66: {  	(v2sf) =	vpush v1, $0x9;
	p0 =	slt.s32 s13, s14  }
0x67: {  	s14 =	smov.u32 @p0 s13;
	s13 =	spop (v2sf)  }
0x68: {  	(v2sf) =	vpush v1, $0xA;
	p0 =	slt.s32 s14, s13  }
0x69: {  	s13 =	smov.u32 @p0 s14;
	s14 =	spop (v2sf)  }
0x6a: {  	(v2sf) =	vpush v1, $0xB;
	p0 =	slt.s32 s13, s14  }
0x6b: {  	s14 =	smov.u32 @p0 s13;
	s13 =	spop (v2sf)  }
0x6c: {  	(v2sf) =	vpush v1, $0xC;
	p0 =	slt.s32 s14, s13  }
0x6d: {  	s13 =	smov.u32 @p0 s14;
	s14 =	spop (v2sf)  }
0x6e: {  	(v2sf) =	vpush v1, $0xD;
	p0 =	slt.s32 s13, s14  }
0x6f: {  	s14 =	smov.u32 @p0 s13;
	s13 =	spop (v2sf)  }
0x70: {  	(v2sf) =	vpush v1, $0xE;
	p0 =	slt.s32 s14, s13  }
0x71: {  	s13 =	smov.u32 @p0 s14;
	s14 =	spop (v2sf)  }
0x72: {  	(v2sf) =	vpush v1, $0xF;
	p0 =	slt.s32 s13, s14  }
0x73: {  	s14 =	smov.u32 @p0 s13;
	s13 =	spop (v2sf)  }
0x74: {  	p0 =	slt.s32 s14, s13  }
0x75: {  	s13 =	smov.u32 @p0 s14;
	s14 =	spop (v2sf)  }
0x76: {  	p0 =	slt.s32 s13, s14  }
0x77: {  	s14 =	smov.u32 @p0 s13;
	s13 =	spop (v2sf)  }
0x78: {  	p0 =	slt.s32 s14, s13  }
0x79: {  	s13 =	smov.u32 @p0 s14;
	s14 =	spop (v2sf)  }
0x7a: {  	p0 =	slt.s32 s13, s14  }
0x7b: {  	s14 =	smov.u32 @p0 s13;
	s13 =	spop (v2sf)  }
0x7c: {  	p0 =	slt.s32 s14, s13  }
0x7d: {  	s13 =	smov.u32 @p0 s14;
	s14 =	spop (v2sf)  }
0x7e: {  	p0 =	slt.s32 s13, s14  }
0x7f: {  	s14 =	smov.u32 @p0 s13;
	s13 =	spop (v2sf)  }
0x80: {  	p0 =	slt.s32 s14, s13  }
0x81: {  	s13 =	smov.u32 @p0 s14;
	s14 =	spop (v2sf)  }
0x82: {  	p0 =	slt.s32 s13, s14  }
0x83: {  	s14 =	smov.u32 @p0 s13  }
0x84: {  	p0 =	sne.s32 s14, $0x0  }
.Ltmp3:
0x85: {  	_ = 	snop;
	(pc) =	sbr.rel @p0 .LBB2_8-.Ltmp3, $1  }
0x86: {  	_ =	sdelay $0x3  }
0x87: {  	s13 =	sadd.s32 $0x0, s6  }
0x88: {  	v1 =	vld [tilespmem:s13+$0x0];
	_ =	sdelay $0x4  }
0x89: {  	(v2sf) =	vpush v1, $0x0  }
0x8a: {  	(v2sf) =	vpush v1, $0x1;
	_ =	sdelay $0x1  }
0x8b: {  	(v2sf) =	vpush v1, $0x2;
	_ =	sdelay $0x1  }
0x8c: {  	(v2sf) =	vpush v1, $0x3;
	_ =	sdelay $0x1  }
0x8d: {  	(v2sf) =	vpush v1, $0x4;
	_ =	sdelay $0x1  }
0x8e: {  	(v2sf) =	vpush v1, $0x5;
	_ =	sdelay $0x1  }
0x8f: {  	(v2sf) =	vpush v1, $0x6;
	_ =	sdelay $0x1  }
0x90: {  	(v2sf) =	vpush v1, $0x7;
	_ =	sdelay $0x1  }
0x91: {  	(v2sf) =	vpush v1, $0x8;
	s13 =	spop (v2sf)  }
0x92: {  	s14 =	spop (v2sf)  }
0x93: {  	(v2sf) =	vpush v1, $0x9;
	p0 =	slt.s32 s13, s14;
	s17 =	smov.u32 s14  }
0x94: {  	s15 =	spop (v2sf);
	s17 =	smov.u32 @p0 s13  }
0x95: {  	(v2sf) =	vpush v1, $0xA;
	s18 =	smov.u32 s15;
	p0 =	slt.s32 s17, s15  }
0x96: {  	s16 =	spop (v2sf);
	s18 =	smov.u32 @p0 s17  }
0x97: {  	(v2sf) =	vpush v1, $0xB;
	s19 =	smov.u32 s16;
	p0 =	slt.s32 s18, s16  }
0x98: {  	s17 =	spop (v2sf);
	s19 =	smov.u32 @p0 s18  }
0x99: {  	(v2sf) =	vpush v1, $0xC;
	s20 =	smov.u32 s17;
	p0 =	slt.s32 s19, s17  }
0x9a: {  	s18 =	spop (v2sf);
	s20 =	smov.u32 @p0 s19  }
0x9b: {  	(v2sf) =	vpush v1, $0xD;
	s21 =	smov.u32 s18;
	p0 =	slt.s32 s20, s18  }
0x9c: {  	s19 =	spop (v2sf);
	s21 =	smov.u32 @p0 s20  }
0x9d: {  	(v2sf) =	vpush v1, $0xE;
	s20 =	smov.u32 s19;
	p0 =	slt.s32 s21, s19  }
0x9e: {  	s22 =	spop (v2sf);
	s20 =	smov.u32 @p0 s21  }
0x9f: {  	(v2sf) =	vpush v1, $0xF;
	s21 =	smov.u32 s22;
	p0 =	slt.s32 s20, s22  }
0xa0: {  	s23 =	spop (v2sf);
	s21 =	smov.u32 @p0 s20  }
0xa1: {  	s20 =	smov.u32 s23;
	p0 =	slt.s32 s21, s23  }
0xa2: {  	s24 =	spop (v2sf);
	s20 =	smov.u32 @p0 s21  }
0xa3: {  	s21 =	smov.u32 s24;
	p0 =	slt.s32 s20, s24  }
0xa4: {  	s25 =	spop (v2sf);
	s21 =	smov.u32 @p0 s20  }
0xa5: {  	s20 =	smov.u32 s25;
	p0 =	slt.s32 s21, s25  }
0xa6: {  	s26 =	spop (v2sf);
	s20 =	smov.u32 @p0 s21  }
0xa7: {  	s21 =	smov.u32 s26;
	p0 =	slt.s32 s20, s26  }
0xa8: {  	s2 =	spop (v2sf);
	s21 =	smov.u32 @p0 s20  }
0xa9: {  	s20 =	smov.u32 s2;
	p0 =	slt.s32 s21, s2  }
0xaa: {  	s29 =	spop (v2sf);
	s20 =	smov.u32 @p0 s21  }
0xab: {  	s21 =	smov.u32 s29;
	p0 =	slt.s32 s20, s29  }
0xac: {  	[dreg:$0xb] =	wrdreg s30;
	s30 =	spop (v2sf);
	s21 =	smov.u32 @p0 s20  }
0xad: {  	s20 =	smov.u32 s30;
	p0 =	slt.s32 s21, s30  }
0xae: {  	s31 =	spop (v2sf);
	s20 =	smov.u32 @p0 s21  }
0xaf: {  	s21 =	smov.u32 s31;
	p0 =	slt.s32 s20, s31  }
0xb0: {  	s21 =	smov.u32 @p0 s20  }
0xb1: {  	p1 =	sne.s32 s21, $0x0  }
0xb2: {  	p0 =	seq.s32 @!p1 s31, $0x0  }
0xb3: {  	p2 =	seq.s32 @!p1 s30, $0x0;
	s20 =	simm.s32 @!p1 $0xF;
	p0 =	por !p0, p1  }
0xb4: {  	p3 =	seq.s32 @!p1 s29, $0x0;
	p2 =	por !p2, p1;
	s20 =	simm.s32 @p0 $0x10  }
0xb5: {  	p3 =	por !p3, p1;
	p0 =	seq.s32 @!p1 s2, $0x0;
	s20 =	simm.s32 @!p2 $0xE  }
0xb6: {  	p2 =	seq.s32 @!p1 s26, $0x0;
	p0 =	por !p0, p1;
	s20 =	simm.s32 @!p3 $0xD  }
0xb7: {  	p3 =	seq.s32 @!p1 s25, $0x0;
	p2 =	por !p2, p1;
	s20 =	simm.s32 @!p0 $0xC  }
0xb8: {  	p0 =	seq.s32 @!p1 s24, $0x0;
	p3 =	por !p3, p1;
	s20 =	simm.s32 @!p2 $0xB  }
0xb9: {  	p2 =	seq.s32 @!p1 s23, $0x0;
	p0 =	por !p0, p1;
	s20 =	simm.s32 @!p3 $0xA  }
0xba: {  	p3 =	seq.s32 @!p1 s22, $0x0;
	p2 =	por !p2, p1;
	s20 =	simm.s32 @!p0 $0x9  }
0xbb: {  	p0 =	seq.s32 @!p1 s19, $0x0;
	p3 =	por !p3, p1;
	s20 =	simm.s32 @!p2 $0x8  }
0xbc: {  	p2 =	seq.s32 @!p1 s18, $0x0;
	p0 =	por !p0, p1;
	s20 =	simm.s32 @!p3 $0x7  }
0xbd: {  	p3 =	seq.s32 @!p1 s17, $0x0;
	p2 =	por !p2, p1;
	s20 =	simm.s32 @!p0 $0x6  }
0xbe: {  	p0 =	seq.s32 @!p1 s16, $0x0;
	p3 =	por !p3, p1;
	s20 =	simm.s32 @!p2 $0x5  }
0xbf: {  	p2 =	seq.s32 @!p1 s15, $0x0;
	p0 =	por !p0, p1;
	s20 =	simm.s32 @!p3 $0x4  }
0xc0: {  	p3 =	seq.s32 @!p1 s14, $0x0;
	p2 =	por !p2, p1;
	s20 =	simm.s32 @!p0 $0x3  }
0xc1: {  	p0 =	seq.s32 @!p1 s13, $0x0;
	p3 =	por !p3, p1;
	s20 =	simm.s32 @!p2 $0x2  }
0xc2: {  	p0 =	por !p0, p1;
	s20 =	simm.s32 @!p3 $0x1  }
0xc3: {  	s5 =	rddreg [dreg:$0x11];
	v2 =	vlaneseq.u32 @!p1;
	s20 =	simm.s32 @!p0 $0x0  }
0xc4: {  	vm0 =	veq.s32 @!p1 v1, $0x0;
	v1 =	vor.u32 @!p1 s5, v2;
	s2 =	sadd.s32 @!p1 s5, s20  }
0xc5: {  	v1 =	vnsel @!p1 vm0, s2, v1;
	_ =	sdelay $0x2  }
0xc6: {  	[dreg:$0xc] =	wrdreg s28;
	s26 =	sadd.s32 $0x10, s5  }
0xc7: {  	s14 =	simm.s32 @!p1 $0x9;
	s13 =	simm.s32 @!p1 $0x16400;
	vm0 =	vmmov @!p1 $0xffff;
	s2 =	simm.s32 @!p1 $0x0  }
0xc8: {  	[hbm4b:s3+s2] =	stream.indirect_vreg.scatter @!p1 [tilespmem:s13], [sflag:$0x9], $0x80, v1, vm0, $0xb8;
	[tilespmem:$0x16C00] =	vst v63  }
0xc9: {  	s25 =	simm.s32 $0x40;
	s13 =	simm.s32 $0x80;
	_ =	swait.ge @!p1 [sflag:s14], $0x800  }
.LBB2_6:
0xca: {  	s2 =	sshra.s32 s25, $0x2  }
0xcb: {  	[sflag:s14] =	ssyncset.done @!p1 $0x0;
	s25 =	smov.u32 s13;
	s13 =	sadd.s32 $0x40, s13  }
0xcc: {  	p0 =	sne.s32 s13, $0x200;
	s2 =	sadd.s32 s2, s6;
	[sflag:s14] =	ssyncadd.s32 @!p1 $0xFFFFF800  }
0xcd: {  	v1 =	vld [tilespmem:s2+$0x0];
	_ =	sdelay $0x4  }
0xce: {  	(v2sf) =	vpush v1, $0x0  }
0xcf: {  	(v2sf) =	vpush v1, $0x1  }
0xd0: {  	(v2sf) =	vpush v1, $0x2;
	_ =	sdelay $0x1  }
0xd1: {  	(v2sf) =	vpush v1, $0x3;
	_ =	sdelay $0x1  }
0xd2: {  	(v2sf) =	vpush v1, $0x4;
	_ =	sdelay $0x1  }
0xd3: {  	(v2sf) =	vpush v1, $0x5;
	_ =	sdelay $0x1  }
0xd4: {  	(v2sf) =	vpush v1, $0x6;
	_ =	sdelay $0x1  }
0xd5: {  	(v2sf) =	vpush v1, $0x7;
	_ =	sdelay $0x1  }
0xd6: {  	(v2sf) =	vpush v1, $0x8  }
0xd7: {  	s14 =	spop (v2sf)  }
0xd8: {  	s15 =	spop (v2sf);
	(v2sf) =	vpush v1, $0x9  }
0xd9: {  	p1 =	slt.s32 s14, s15;
	s16 =	spop (v2sf);
	s2 =	smov.u32 s15  }
0xda: {  	s2 =	smov.u32 @p1 s14;
	(v2sf) =	vpush v1, $0xA  }
0xdb: {  	s19 =	smov.u32 s16;
	p1 =	slt.s32 s2, s16;
	s17 =	spop (v2sf)  }
0xdc: {  	s19 =	smov.u32 @p1 s2;
	(v2sf) =	vpush v1, $0xB  }
0xdd: {  	s2 =	smov.u32 s17;
	p1 =	slt.s32 s19, s17;
	s18 =	spop (v2sf)  }
0xde: {  	s2 =	smov.u32 @p1 s19;
	(v2sf) =	vpush v1, $0xC  }
0xdf: {  	s21 =	smov.u32 s18;
	p1 =	slt.s32 s2, s18;
	s19 =	spop (v2sf)  }
0xe0: {  	s21 =	smov.u32 @p1 s2;
	(v2sf) =	vpush v1, $0xD  }
0xe1: {  	s2 =	smov.u32 s19;
	p1 =	slt.s32 s21, s19;
	s20 =	spop (v2sf)  }
0xe2: {  	s2 =	smov.u32 @p1 s21;
	(v2sf) =	vpush v1, $0xE  }
0xe3: {  	s23 =	smov.u32 s20;
	p1 =	slt.s32 s2, s20;
	s21 =	spop (v2sf)  }
0xe4: {  	s23 =	smov.u32 @p1 s2;
	(v2sf) =	vpush v1, $0xF  }
0xe5: {  	s2 =	smov.u32 s21;
	p1 =	slt.s32 s23, s21;
	s22 =	spop (v2sf)  }
0xe6: {  	s2 =	smov.u32 @p1 s23  }
0xe7: {  	s24 =	smov.u32 s22;
	p1 =	slt.s32 s2, s22;
	s23 =	spop (v2sf)  }
0xe8: {  	s24 =	smov.u32 @p1 s2  }
0xe9: {  	s29 =	smov.u32 s23;
	p1 =	slt.s32 s24, s23;
	s2 =	spop (v2sf)  }
0xea: {  	s29 =	smov.u32 @p1 s24  }
0xeb: {  	s24 =	smov.u32 s2;
	p1 =	slt.s32 s29, s2;
	s30 =	spop (v2sf)  }
0xec: {  	s24 =	smov.u32 @p1 s29  }
0xed: {  	s31 =	smov.u32 s30;
	p1 =	slt.s32 s24, s30;
	s29 =	spop (v2sf)  }
0xee: {  	s31 =	smov.u32 @p1 s24  }
0xef: {  	s24 =	smov.u32 s29;
	p1 =	slt.s32 s31, s29;
	s11 =	spop (v2sf)  }
0xf0: {  	s24 =	smov.u32 @p1 s31  }
0xf1: {  	s28 =	smov.u32 s11;
	p1 =	slt.s32 s24, s11;
	s10 =	spop (v2sf)  }
0xf2: {  	s28 =	smov.u32 @p1 s24  }
0xf3: {  	s31 =	smov.u32 s10;
	p1 =	slt.s32 s28, s10;
	s24 =	spop (v2sf)  }
0xf4: {  	s31 =	smov.u32 @p1 s28  }
0xf5: {  	s28 =	smov.u32 s24;
	p1 =	slt.s32 s31, s24  }
0xf6: {  	s28 =	smov.u32 @p1 s31  }
0xf7: {  	p1 =	sne.s32 s28, $0x0  }
0xf8: {  	p2 =	seq.s32 @!p1 s10, $0x0;
	p3 =	seq.s32 @!p1 s24, $0x0;
	s24 =	simm.s32 @!p1 $0xF;
	vm0 =	veq.s32 @!p1 v1, $0x0;
	v1 =	vlaneseq.u32 @!p1  }
0xf9: {  	p4 =	seq.s32 @!p1 s11, $0x0;
	p3 =	por !p3, p1;
	p2 =	por !p2, p1;
	v1 =	vor.u32 @!p1 s26, v1  }
0xfa: {  	p5 =	seq.s32 @!p1 s29, $0x0;
	s24 =	simm.s32 @p3 $0x10;
	p3 =	por !p4, p1  }
0xfb: {  	p4 =	seq.s32 @!p1 s30, $0x0;
	s24 =	simm.s32 @!p2 $0xE;
	p2 =	por !p5, p1  }
0xfc: {  	p5 =	seq.s32 @!p1 s2, $0x0;
	s24 =	simm.s32 @!p3 $0xD;
	p3 =	por !p4, p1  }
0xfd: {  	p4 =	seq.s32 @!p1 s23, $0x0;
	s24 =	simm.s32 @!p2 $0xC;
	p2 =	por !p5, p1  }
0xfe: {  	p5 =	seq.s32 @!p1 s22, $0x0;
	s24 =	simm.s32 @!p3 $0xB;
	p3 =	por !p4, p1  }
0xff: {  	p4 =	seq.s32 @!p1 s21, $0x0;
	s24 =	simm.s32 @!p2 $0xA;
	p2 =	por !p5, p1  }
0x100: {  	p5 =	seq.s32 @!p1 s20, $0x0;
	s24 =	simm.s32 @!p3 $0x9;
	p3 =	por !p4, p1  }
0x101: {  	p4 =	seq.s32 @!p1 s19, $0x0;
	s24 =	simm.s32 @!p2 $0x8;
	p2 =	por !p5, p1  }
0x102: {  	p5 =	seq.s32 @!p1 s18, $0x0;
	s24 =	simm.s32 @!p3 $0x7;
	p3 =	por !p4, p1  }
0x103: {  	p4 =	seq.s32 @!p1 s17, $0x0;
	s24 =	simm.s32 @!p2 $0x6;
	p2 =	por !p5, p1  }
0x104: {  	p5 =	seq.s32 @!p1 s16, $0x0;
	s24 =	simm.s32 @!p3 $0x5;
	p3 =	por !p4, p1  }
0x105: {  	p4 =	seq.s32 @!p1 s15, $0x0;
	s24 =	simm.s32 @!p2 $0x4;
	p2 =	por !p5, p1  }
0x106: {  	p5 =	seq.s32 @!p1 s14, $0x0;
	s24 =	simm.s32 @!p3 $0x3;
	p3 =	por !p4, p1  }
0x107: {  	s24 =	simm.s32 @!p2 $0x2;
	p2 =	por !p5, p1  }
0x108: {  	s24 =	simm.s32 @!p3 $0x1  }
0x109: {  	s24 =	simm.s32 @!p2 $0x0  }
0x10a: {  	s2 =	sadd.s32 @!p1 s26, s24  }
0x10b: {  	v1 =	vnsel @!p1 vm0, s2, v1;
	_ =	sdelay $0x1  }
.Ltmp4:
0x10c: {  	(pc) =	sbr.rel @p0 .LBB2_6-.Ltmp4, $4  }
0x10d: {  	s10 =	simm.s32 @!p1 $0x16400;
	vm0 =	vmmov @!p1 $0xffff;
	s2 =	simm.s32 @!p1 $0x0  }
0x10e: {  	s14 =	simm.s32 @!p1 $0x9  }
0x10f: {  	[hbm4b:s3+s2] =	stream.indirect_vreg.scatter @!p1 [tilespmem:s10], [sflag:$0x9], $0x80, v1, vm0, $0xb8;
	[tilespmem:$0x16C00] =	vst v63  }
0x110: {  	s26 =	sadd.s32 $0x10, s26;
	_ =	swait.ge @!p1 [sflag:s14], $0x800  }
0x111: {  	s2 =	sshra.s32 s25, $0x2;
	[sflag:s14] =	ssyncset.done @!p1 $0x0  }
0x112: {  	s2 =	sadd.s32 s2, s6;
	[sflag:s14] =	ssyncadd.s32 @!p1 $0xFFFFF800  }
0x113: {  	v1 =	vld [tilespmem:s2+$0x0];
	_ =	sdelay $0x4  }
0x114: {  	(v2sf) =	vpush v1, $0x0  }
0x115: {  	(v2sf) =	vpush v1, $0x1;
	_ =	sdelay $0x1  }
0x116: {  	(v2sf) =	vpush v1, $0x2;
	_ =	sdelay $0x1  }
0x117: {  	(v2sf) =	vpush v1, $0x3;
	_ =	sdelay $0x1  }
0x118: {  	(v2sf) =	vpush v1, $0x4;
	_ =	sdelay $0x1  }
0x119: {  	(v2sf) =	vpush v1, $0x5;
	_ =	sdelay $0x1  }
0x11a: {  	(v2sf) =	vpush v1, $0x6;
	_ =	sdelay $0x1  }
0x11b: {  	(v2sf) =	vpush v1, $0x7;
	_ =	sdelay $0x1  }
0x11c: {  	(v2sf) =	vpush v1, $0x8;
	s13 =	spop (v2sf)  }
0x11d: {  	s14 =	spop (v2sf)  }
0x11e: {  	(v2sf) =	vpush v1, $0x9;
	p0 =	slt.s32 s13, s14;
	s2 =	smov.u32 s14  }
0x11f: {  	s15 =	spop (v2sf);
	s2 =	smov.u32 @p0 s13  }
0x120: {  	(v2sf) =	vpush v1, $0xA;
	s10 =	smov.u32 s15;
	p0 =	slt.s32 s2, s15  }
0x121: {  	s16 =	spop (v2sf);
	s10 =	smov.u32 @p0 s2  }
0x122: {  	(v2sf) =	vpush v1, $0xB;
	s2 =	smov.u32 s16;
	p0 =	slt.s32 s10, s16  }
0x123: {  	s17 =	spop (v2sf);
	s2 =	smov.u32 @p0 s10  }
0x124: {  	(v2sf) =	vpush v1, $0xC;
	s10 =	smov.u32 s17;
	p0 =	slt.s32 s2, s17  }
0x125: {  	s18 =	spop (v2sf);
	s10 =	smov.u32 @p0 s2  }
0x126: {  	(v2sf) =	vpush v1, $0xD;
	s2 =	smov.u32 s18;
	p0 =	slt.s32 s10, s18  }
0x127: {  	s19 =	spop (v2sf);
	s2 =	smov.u32 @p0 s10  }
0x128: {  	(v2sf) =	vpush v1, $0xE;
	s10 =	smov.u32 s19;
	p0 =	slt.s32 s2, s19  }
0x129: {  	s11 =	spop (v2sf);
	s10 =	smov.u32 @p0 s2  }
0x12a: {  	(v2sf) =	vpush v1, $0xF;
	s2 =	smov.u32 s11;
	p0 =	slt.s32 s10, s11  }
0x12b: {  	s20 =	spop (v2sf);
	s2 =	smov.u32 @p0 s10  }
0x12c: {  	s10 =	smov.u32 s20;
	p0 =	slt.s32 s2, s20  }
0x12d: {  	s21 =	spop (v2sf);
	s10 =	smov.u32 @p0 s2  }
0x12e: {  	s2 =	smov.u32 s21;
	p0 =	slt.s32 s10, s21  }
0x12f: {  	s22 =	spop (v2sf);
	s2 =	smov.u32 @p0 s10  }
0x130: {  	s10 =	smov.u32 s22;
	p0 =	slt.s32 s2, s22  }
0x131: {  	s23 =	spop (v2sf);
	s10 =	smov.u32 @p0 s2  }
0x132: {  	s2 =	smov.u32 s23;
	p0 =	slt.s32 s10, s23  }
0x133: {  	s24 =	spop (v2sf);
	s2 =	smov.u32 @p0 s10  }
0x134: {  	s10 =	smov.u32 s24;
	p0 =	slt.s32 s2, s24  }
0x135: {  	s25 =	spop (v2sf);
	s10 =	smov.u32 @p0 s2  }
0x136: {  	s2 =	smov.u32 s25;
	p0 =	slt.s32 s10, s25  }
0x137: {  	s28 =	spop (v2sf);
	s2 =	smov.u32 @p0 s10  }
0x138: {  	s10 =	smov.u32 s28;
	p0 =	slt.s32 s2, s28  }
0x139: {  	s29 =	spop (v2sf);
	s10 =	smov.u32 @p0 s2  }
0x13a: {  	s2 =	smov.u32 s29;
	p0 =	slt.s32 s10, s29  }
0x13b: {  	s2 =	smov.u32 @p0 s10  }
0x13c: {  	p0 =	sne.s32 s2, $0x0  }
0x13d: {  	p1 =	seq.s32 @!p0 s29, $0x0  }
0x13e: {  	p2 =	seq.s32 @!p0 s28, $0x0;
	s2 =	simm.s32 @!p0 $0xF;
	p1 =	por !p1, p0  }
0x13f: {  	p3 =	seq.s32 @!p0 s25, $0x0;
	p2 =	por !p2, p0;
	s2 =	simm.s32 @p1 $0x10  }
0x140: {  	p3 =	por !p3, p0;
	p1 =	seq.s32 @!p0 s24, $0x0;
	s2 =	simm.s32 @!p2 $0xE  }
0x141: {  	p2 =	seq.s32 @!p0 s23, $0x0;
	p1 =	por !p1, p0;
	s2 =	simm.s32 @!p3 $0xD  }
0x142: {  	p3 =	seq.s32 @!p0 s22, $0x0;
	p2 =	por !p2, p0;
	s2 =	simm.s32 @!p1 $0xC  }
0x143: {  	p1 =	seq.s32 @!p0 s21, $0x0;
	p3 =	por !p3, p0;
	s2 =	simm.s32 @!p2 $0xB  }
0x144: {  	p2 =	seq.s32 @!p0 s20, $0x0;
	p1 =	por !p1, p0;
	s2 =	simm.s32 @!p3 $0xA  }
0x145: {  	p3 =	seq.s32 @!p0 s11, $0x0;
	p2 =	por !p2, p0;
	s2 =	simm.s32 @!p1 $0x9  }
0x146: {  	p1 =	seq.s32 @!p0 s19, $0x0;
	p3 =	por !p3, p0;
	s2 =	simm.s32 @!p2 $0x8  }
0x147: {  	p2 =	seq.s32 @!p0 s18, $0x0;
	p1 =	por !p1, p0;
	s2 =	simm.s32 @!p3 $0x7  }
0x148: {  	p3 =	seq.s32 @!p0 s17, $0x0;
	p2 =	por !p2, p0;
	s2 =	simm.s32 @!p1 $0x6  }
0x149: {  	p1 =	seq.s32 @!p0 s16, $0x0;
	p3 =	por !p3, p0;
	s2 =	simm.s32 @!p2 $0x5  }
0x14a: {  	p2 =	seq.s32 @!p0 s15, $0x0;
	p1 =	por !p1, p0;
	s2 =	simm.s32 @!p3 $0x4  }
0x14b: {  	p3 =	seq.s32 @!p0 s14, $0x0;
	p2 =	por !p2, p0;
	s2 =	simm.s32 @!p1 $0x3  }
0x14c: {  	p1 =	seq.s32 @!p0 s13, $0x0;
	p3 =	por !p3, p0;
	s2 =	simm.s32 @!p2 $0x2  }
0x14d: {  	p1 =	por !p1, p0;
	s2 =	simm.s32 @!p3 $0x1  }
0x14e: {  	v2 =	vlaneseq.u32 @!p0;
	s2 =	simm.s32 @!p1 $0x0  }
0x14f: {  	vm0 =	veq.s32 @!p0 v1, $0x0;
	v1 =	vor.u32 @!p0 s26, v2;
	s2 =	sadd.s32 @!p0 s26, s2  }
0x150: {  	v1 =	vnsel @!p0 vm0, s2, v1;
	_ =	sdelay $0x3  }
0x151: {  	s10 =	simm.s32 @!p0 $0x16400;
	s11 =	simm.s32 @!p0 $0x9;
	vm0 =	vmmov @!p0 $0xffff;
	s2 =	simm.s32 @!p0 $0x0  }
0x152: {  	[hbm4b:s3+s2] =	stream.indirect_vreg.scatter @!p0 [tilespmem:s10], [sflag:$0x9], $0x80, v1, vm0, $0xb8;
	[tilespmem:$0x16C00] =	vst v63  }
0x153: {  	_ =	swait.ge @!p0 [sflag:s11], $0x800  }
0x154: {  	[sflag:s11] =	ssyncset.done @!p0 $0x0;
	s30 =	rddreg [dreg:$0xb]  }
0x155: {  	s28 =	rddreg [dreg:$0xc];
	[sflag:s11] =	ssyncadd.s32 @!p0 $0xFFFFF800  }
0x156: {  	s29 =	simm.s32 $0x12400;
	s31 =	rddreg [dreg:$0x1]  }
.LBB2_8:
0x157: {  	p0 =	seq.s32 s4, $0x31;
	s25 =	simm.s32 $0x6  }
0x158: {  	s2 =	sadd.s32 @!p0 $0x200, s0;
	s26 =	simm.s32 @!p0 $0x80;
	s10 =	simm.s32 @!p0 $0x6400  }
0x159: {  	[tilespmem:s10], [sflag:$0x1] =	stream.indirect.gather @!p0 [hbm4b:s31+s26], $0x80, s2, s26, $0xb8;
	[tilespmem:$0x16C00] =	vst v63  }
0x15a: {  	_ =	swait.ge [sflag:s25], $0x4000  }
0x15b: {  	[sflag:s25] =	ssyncset.done $0x0  }
0x15c: {  	[sflag:s25] =	ssyncadd.s32 $0xFFFFC000  }
0x15d: {  	v1 =	vld [tilespmem:s12+$0x0]  }
0x15e: {  	v2 =	vld [tilespmem:s12+$0x10];
	_ =	sdelay $0x1  }
0x15f: {  	v3 =	vld [tilespmem:s12+$0x20];
	_ =	sdelay $0x1  }
0x160: {  	v4 =	vld [tilespmem:s12+$0x30]  }
0x161: {  	vm0 =	vlt.s32 v1, v2  }
0x162: {  	v1 =	vsel vm0, v1, v2;
	v2 =	vld [tilespmem:s12+$0x40]  }
0x163: {  	vm0 =	vlt.s32 v1, v3  }
0x164: {  	v1 =	vsel vm0, v1, v3;
	v3 =	vld [tilespmem:s12+$0x50]  }
0x165: {  	vm0 =	vlt.s32 v1, v4  }
0x166: {  	v63 =	vld [tilespmem:s12+$0x60];
	v1 =	vsel vm0, v1, v4  }
0x167: {  	vm0 =	vlt.s32 v1, v2  }
0x168: {  	v1 =	vsel vm0, v1, v2;
	v2 =	vld [tilespmem:s12+$0x70]  }
0x169: {  	vm0 =	vlt.s32 v1, v3  }
0x16a: {  	v1 =	vsel vm0, v1, v3  }
0x16b: {  	vm0 =	vlt.s32 v1, v63  }
0x16c: {  	v1 =	vsel vm0, v1, v63  }
0x16d: {  	vm0 =	vlt.s32 v1, v2  }
0x16e: {  	v1 =	vsel vm0, v1, v2  }
0x16f: {  	vm0 =	vlt.s32 v1, $0x186A0  }
0x170: {  	v1 =	vnsel vm0, $0x186A0, v1  }
0x171: {  	(v2sf) =	vpush v1, $0x0  }
0x172: {  	(v2sf) =	vpush v1, $0x1;
	_ =	sdelay $0x1  }
0x173: {  	(v2sf) =	vpush v1, $0x2;
	_ =	sdelay $0x1  }
0x174: {  	(v2sf) =	vpush v1, $0x3;
	_ =	sdelay $0x1  }
0x175: {  	(v2sf) =	vpush v1, $0x4;
	_ =	sdelay $0x1  }
0x176: {  	(v2sf) =	vpush v1, $0x5;
	_ =	sdelay $0x1  }
0x177: {  	(v2sf) =	vpush v1, $0x6;
	_ =	sdelay $0x1  }
0x178: {  	(v2sf) =	vpush v1, $0x7;
	_ =	sdelay $0x1  }
0x179: {  	s2 =	spop (v2sf);
	(v2sf) =	vpush v1, $0x8  }
0x17a: {  	s10 =	spop (v2sf)  }
0x17b: {  	(v2sf) =	vpush v1, $0x9;
	p1 =	slt.s32 s2, s10  }
0x17c: {  	s10 =	smov.u32 @p1 s2;
	s2 =	spop (v2sf)  }
0x17d: {  	(v2sf) =	vpush v1, $0xA;
	p1 =	slt.s32 s10, s2  }
0x17e: {  	s2 =	smov.u32 @p1 s10;
	s10 =	spop (v2sf)  }
0x17f: {  	(v2sf) =	vpush v1, $0xB;
	p1 =	slt.s32 s2, s10  }
0x180: {  	s10 =	smov.u32 @p1 s2;
	s2 =	spop (v2sf)  }
0x181: {  	(v2sf) =	vpush v1, $0xC;
	p1 =	slt.s32 s10, s2  }
0x182: {  	s2 =	smov.u32 @p1 s10;
	s10 =	spop (v2sf)  }
0x183: {  	(v2sf) =	vpush v1, $0xD;
	p1 =	slt.s32 s2, s10  }
0x184: {  	s10 =	smov.u32 @p1 s2;
	s2 =	spop (v2sf)  }
0x185: {  	(v2sf) =	vpush v1, $0xE;
	p1 =	slt.s32 s10, s2  }
0x186: {  	s2 =	smov.u32 @p1 s10;
	s10 =	spop (v2sf)  }
0x187: {  	(v2sf) =	vpush v1, $0xF;
	p1 =	slt.s32 s2, s10  }
0x188: {  	s11 =	spop (v2sf);
	s10 =	smov.u32 @p1 s2  }
0x189: {  	p1 =	slt.s32 s10, s11  }
0x18a: {  	s2 =	spop (v2sf);
	s11 =	smov.u32 @p1 s10  }
0x18b: {  	p1 =	slt.s32 s11, s2  }
0x18c: {  	s10 =	spop (v2sf);
	s2 =	smov.u32 @p1 s11  }
0x18d: {  	p1 =	slt.s32 s2, s10  }
0x18e: {  	s11 =	spop (v2sf);
	s10 =	smov.u32 @p1 s2  }
0x18f: {  	p1 =	slt.s32 s10, s11  }
0x190: {  	s2 =	spop (v2sf);
	s11 =	smov.u32 @p1 s10  }
0x191: {  	p1 =	slt.s32 s11, s2  }
0x192: {  	s10 =	spop (v2sf);
	s2 =	smov.u32 @p1 s11  }
0x193: {  	p1 =	slt.s32 s2, s10  }
0x194: {  	s11 =	spop (v2sf);
	s10 =	smov.u32 @p1 s2  }
0x195: {  	p1 =	slt.s32 s10, s11  }
0x196: {  	s2 =	spop (v2sf);
	s11 =	smov.u32 @p1 s10  }
0x197: {  	p1 =	slt.s32 s11, s2  }
0x198: {  	s2 =	smov.u32 @p1 s11  }
0x199: {  	p1 =	sne.s32 s2, $0x0  }
.Ltmp5:
0x19a: {  	_ = 	snop;
	(pc) =	sbr.rel @p1 .LBB2_12-.Ltmp5, $1  }
0x19b: {  	_ =	sdelay $0x3  }
0x19c: {  	v1 =	vmov s30;
	_ =	sdelay $0x3  }
0x19d: {  	s2 =	simm.s32 $0x0  }
0x19e: {  	v2 =	vld.idx.msk [tilespmem:v1+s2+$0x0 ss:$0x1], $0xffff;
	_ =	sdelay $0x4  }
0x19f: {  	(v2sf) =	vpush v2, $0x0  }
0x1a0: {  	(v2sf) =	vpush v2, $0x1;
	_ =	sdelay $0x1  }
0x1a1: {  	(v2sf) =	vpush v2, $0x2;
	_ =	sdelay $0x1  }
0x1a2: {  	(v2sf) =	vpush v2, $0x3;
	_ =	sdelay $0x1  }
0x1a3: {  	(v2sf) =	vpush v2, $0x4;
	_ =	sdelay $0x1  }
0x1a4: {  	(v2sf) =	vpush v2, $0x5;
	_ =	sdelay $0x1  }
0x1a5: {  	(v2sf) =	vpush v2, $0x6;
	_ =	sdelay $0x1  }
0x1a6: {  	(v2sf) =	vpush v2, $0x7;
	_ =	sdelay $0x1  }
0x1a7: {  	(v2sf) =	vpush v2, $0x8;
	s12 =	spop (v2sf)  }
0x1a8: {  	s13 =	spop (v2sf)  }
0x1a9: {  	(v2sf) =	vpush v2, $0x9;
	p1 =	slt.s32 s12, s13;
	s2 =	smov.u32 s13  }
0x1aa: {  	s14 =	spop (v2sf);
	s2 =	smov.u32 @p1 s12  }
0x1ab: {  	(v2sf) =	vpush v2, $0xA;
	s10 =	smov.u32 s14;
	p1 =	slt.s32 s2, s14  }
0x1ac: {  	s15 =	spop (v2sf);
	s10 =	smov.u32 @p1 s2  }
0x1ad: {  	(v2sf) =	vpush v2, $0xB;
	s2 =	smov.u32 s15;
	p1 =	slt.s32 s10, s15  }
0x1ae: {  	s16 =	spop (v2sf);
	s2 =	smov.u32 @p1 s10  }
0x1af: {  	(v2sf) =	vpush v2, $0xC;
	s10 =	smov.u32 s16;
	p1 =	slt.s32 s2, s16  }
0x1b0: {  	s17 =	spop (v2sf);
	s10 =	smov.u32 @p1 s2  }
0x1b1: {  	(v2sf) =	vpush v2, $0xD;
	s2 =	smov.u32 s17;
	p1 =	slt.s32 s10, s17  }
0x1b2: {  	s18 =	spop (v2sf);
	s2 =	smov.u32 @p1 s10  }
0x1b3: {  	(v2sf) =	vpush v2, $0xE;
	s10 =	smov.u32 s18;
	p1 =	slt.s32 s2, s18  }
0x1b4: {  	s11 =	spop (v2sf);
	s10 =	smov.u32 @p1 s2  }
0x1b5: {  	(v2sf) =	vpush v2, $0xF;
	s2 =	smov.u32 s11;
	p1 =	slt.s32 s10, s11  }
0x1b6: {  	s19 =	spop (v2sf);
	s2 =	smov.u32 @p1 s10  }
0x1b7: {  	s10 =	smov.u32 s19;
	p1 =	slt.s32 s2, s19  }
0x1b8: {  	s20 =	spop (v2sf);
	s10 =	smov.u32 @p1 s2  }
0x1b9: {  	s2 =	smov.u32 s20;
	p1 =	slt.s32 s10, s20  }
0x1ba: {  	s21 =	spop (v2sf);
	s2 =	smov.u32 @p1 s10  }
0x1bb: {  	s10 =	smov.u32 s21;
	p1 =	slt.s32 s2, s21  }
0x1bc: {  	s22 =	spop (v2sf);
	s10 =	smov.u32 @p1 s2  }
0x1bd: {  	s2 =	smov.u32 s22;
	p1 =	slt.s32 s10, s22  }
0x1be: {  	s23 =	spop (v2sf);
	s2 =	smov.u32 @p1 s10  }
0x1bf: {  	s10 =	smov.u32 s23;
	p1 =	slt.s32 s2, s23  }
0x1c0: {  	s24 =	spop (v2sf);
	s10 =	smov.u32 @p1 s2  }
0x1c1: {  	s2 =	smov.u32 s24;
	p1 =	slt.s32 s10, s24  }
0x1c2: {  	s25 =	spop (v2sf);
	s2 =	smov.u32 @p1 s10  }
0x1c3: {  	s5 =	smov.u32 s8;
	s10 =	smov.u32 s25;
	p1 =	slt.s32 s2, s25  }
0x1c4: {  	s8 =	smov.u32 s28;
	s28 =	spop (v2sf);
	s10 =	smov.u32 @p1 s2  }
0x1c5: {  	s2 =	smov.u32 s28;
	p1 =	slt.s32 s10, s28  }
0x1c6: {  	s2 =	smov.u32 @p1 s10  }
0x1c7: {  	p2 =	sne.s32 s2, $0x0  }
0x1c8: {  	p1 =	seq.s32 @!p2 s28, $0x0  }
0x1c9: {  	p3 =	seq.s32 @!p2 s25, $0x0;
	s2 =	simm.s32 @!p2 $0xF;
	p1 =	por !p1, p2  }
0x1ca: {  	p4 =	seq.s32 @!p2 s24, $0x0;
	p3 =	por !p3, p2;
	s2 =	simm.s32 @p1 $0x10  }
0x1cb: {  	p4 =	por !p4, p2;
	p1 =	seq.s32 @!p2 s23, $0x0;
	s2 =	simm.s32 @!p3 $0xE  }
0x1cc: {  	p3 =	seq.s32 @!p2 s22, $0x0;
	p1 =	por !p1, p2;
	s2 =	simm.s32 @!p4 $0xD  }
0x1cd: {  	p4 =	seq.s32 @!p2 s21, $0x0;
	p3 =	por !p3, p2;
	s2 =	simm.s32 @!p1 $0xC  }
0x1ce: {  	p1 =	seq.s32 @!p2 s20, $0x0;
	p4 =	por !p4, p2;
	s2 =	simm.s32 @!p3 $0xB  }
0x1cf: {  	p3 =	seq.s32 @!p2 s19, $0x0;
	p1 =	por !p1, p2;
	s2 =	simm.s32 @!p4 $0xA  }
0x1d0: {  	p4 =	seq.s32 @!p2 s11, $0x0;
	p3 =	por !p3, p2;
	s2 =	simm.s32 @!p1 $0x9  }
0x1d1: {  	p1 =	seq.s32 @!p2 s18, $0x0;
	p4 =	por !p4, p2;
	s2 =	simm.s32 @!p3 $0x8  }
0x1d2: {  	p3 =	seq.s32 @!p2 s17, $0x0;
	p1 =	por !p1, p2;
	s2 =	simm.s32 @!p4 $0x7  }
0x1d3: {  	p4 =	seq.s32 @!p2 s16, $0x0;
	p3 =	por !p3, p2;
	s2 =	simm.s32 @!p1 $0x6  }
0x1d4: {  	p1 =	seq.s32 @!p2 s15, $0x0;
	p4 =	por !p4, p2;
	s2 =	simm.s32 @!p3 $0x5  }
0x1d5: {  	p3 =	seq.s32 @!p2 s14, $0x0;
	p1 =	por !p1, p2;
	s2 =	simm.s32 @!p4 $0x4  }
0x1d6: {  	p4 =	seq.s32 @!p2 s13, $0x0;
	p3 =	por !p3, p2;
	s2 =	simm.s32 @!p1 $0x3  }
0x1d7: {  	p1 =	seq.s32 @!p2 s12, $0x0;
	p4 =	por !p4, p2;
	s2 =	simm.s32 @!p3 $0x2  }
0x1d8: {  	p1 =	por !p1, p2;
	s2 =	simm.s32 @!p4 $0x1  }
0x1d9: {  	v3 =	vlaneseq.u32 @!p2;
	s13 =	rddreg [dreg:$0x10];
	s2 =	simm.s32 @!p1 $0x0  }
0x1da: {  	vm0 =	veq.s32 @!p2 v2, $0x0;
	v2 =	vor.u32 @!p2 s13, v3;
	s2 =	sadd.s32 @!p2 s13, s2  }
0x1db: {  	v2 =	vnsel @!p2 vm0, s2, v2;
	_ =	sdelay $0x3  }
0x1dc: {  	s10 =	simm.s32 @!p2 $0x16400;
	s14 =	simm.s32 @!p2 $0x9;
	vm0 =	vmmov @!p2 $0xffff;
	s2 =	simm.s32 @!p2 $0x0  }
0x1dd: {  	[hbm4b:s3+s2] =	stream.indirect_vreg.scatter @!p2 [tilespmem:s10], [sflag:$0x9], $0x80, v2, vm0, $0xb8;
	[tilespmem:$0x16C00] =	vst v63  }
0x1de: {  	s9 =	smov.u32 s30;
	s12 =	simm.s32 $0x40;
	_ =	swait.ge @!p2 [sflag:s14], $0x800  }
.LBB2_10:
0x1df: {  	[sflag:s14] =	ssyncset.done @!p2 $0x0  }
0x1e0: {  	s13 =	sadd.s32 $0x10, s13;
	s2 =	smov.u32 s12;
	s12 =	sadd.s32 $0x40, s12  }
0x1e1: {  	s2 =	sshra.s32 s2, $0x2;
	p1 =	sne.s32 s12, $0x200;
	[sflag:s14] =	ssyncadd.s32 @!p2 $0xFFFFF800  }
0x1e2: {  	v2 =	vld.idx.msk [tilespmem:v1+s2+$0x0 ss:$0x1], $0xffff;
	_ =	sdelay $0x5  }
0x1e3: {  	(v2sf) =	vpush v2, $0x0  }
0x1e4: {  	(v2sf) =	vpush v2, $0x1  }
0x1e5: {  	(v2sf) =	vpush v2, $0x2;
	_ =	sdelay $0x1  }
0x1e6: {  	(v2sf) =	vpush v2, $0x3;
	_ =	sdelay $0x1  }
0x1e7: {  	(v2sf) =	vpush v2, $0x4;
	_ =	sdelay $0x1  }
0x1e8: {  	(v2sf) =	vpush v2, $0x5;
	_ =	sdelay $0x1  }
0x1e9: {  	(v2sf) =	vpush v2, $0x6;
	_ =	sdelay $0x1  }
0x1ea: {  	(v2sf) =	vpush v2, $0x7;
	_ =	sdelay $0x1  }
0x1eb: {  	(v2sf) =	vpush v2, $0x8  }
0x1ec: {  	s14 =	spop (v2sf)  }
0x1ed: {  	s15 =	spop (v2sf);
	(v2sf) =	vpush v2, $0x9  }
0x1ee: {  	p2 =	slt.s32 s14, s15;
	s16 =	spop (v2sf);
	s2 =	smov.u32 s15  }
0x1ef: {  	s2 =	smov.u32 @p2 s14;
	(v2sf) =	vpush v2, $0xA  }
0x1f0: {  	s10 =	smov.u32 s16;
	p2 =	slt.s32 s2, s16;
	s17 =	spop (v2sf)  }
0x1f1: {  	s10 =	smov.u32 @p2 s2;
	(v2sf) =	vpush v2, $0xB  }
0x1f2: {  	s2 =	smov.u32 s17;
	p2 =	slt.s32 s10, s17;
	s18 =	spop (v2sf)  }
0x1f3: {  	s2 =	smov.u32 @p2 s10;
	(v2sf) =	vpush v2, $0xC  }
0x1f4: {  	s10 =	smov.u32 s18;
	p2 =	slt.s32 s2, s18;
	s19 =	spop (v2sf)  }
0x1f5: {  	s10 =	smov.u32 @p2 s2;
	(v2sf) =	vpush v2, $0xD  }
0x1f6: {  	s2 =	smov.u32 s19;
	p2 =	slt.s32 s10, s19;
	s20 =	spop (v2sf)  }
0x1f7: {  	s2 =	smov.u32 @p2 s10;
	(v2sf) =	vpush v2, $0xE  }
0x1f8: {  	s10 =	smov.u32 s20;
	p2 =	slt.s32 s2, s20;
	s21 =	spop (v2sf)  }
0x1f9: {  	s10 =	smov.u32 @p2 s2;
	(v2sf) =	vpush v2, $0xF  }
0x1fa: {  	s2 =	smov.u32 s21;
	p2 =	slt.s32 s10, s21;
	s22 =	spop (v2sf)  }
0x1fb: {  	s2 =	smov.u32 @p2 s10  }
0x1fc: {  	s10 =	smov.u32 s22;
	p2 =	slt.s32 s2, s22;
	s23 =	spop (v2sf)  }
0x1fd: {  	s10 =	smov.u32 @p2 s2  }
0x1fe: {  	s11 =	smov.u32 s23;
	p2 =	slt.s32 s10, s23;
	s2 =	spop (v2sf)  }
0x1ff: {  	s11 =	smov.u32 @p2 s10  }
0x200: {  	s24 =	smov.u32 s2;
	p2 =	slt.s32 s11, s2;
	s10 =	spop (v2sf)  }
0x201: {  	s24 =	smov.u32 @p2 s11  }
0x202: {  	s25 =	smov.u32 s10;
	p2 =	slt.s32 s24, s10;
	s11 =	spop (v2sf)  }
0x203: {  	s25 =	smov.u32 @p2 s24  }
0x204: {  	s24 =	smov.u32 s11;
	p2 =	slt.s32 s25, s11;
	s28 =	spop (v2sf)  }
0x205: {  	s24 =	smov.u32 @p2 s25  }
0x206: {  	s29 =	smov.u32 s28;
	p2 =	slt.s32 s24, s28;
	s25 =	spop (v2sf)  }
0x207: {  	s29 =	smov.u32 @p2 s24  }
0x208: {  	s30 =	smov.u32 s25;
	p2 =	slt.s32 s29, s25;
	s24 =	spop (v2sf)  }
0x209: {  	s30 =	smov.u32 @p2 s29  }
0x20a: {  	s29 =	smov.u32 s24;
	p2 =	slt.s32 s30, s24  }
0x20b: {  	s29 =	smov.u32 @p2 s30  }
0x20c: {  	p2 =	sne.s32 s29, $0x0  }
0x20d: {  	p3 =	seq.s32 @!p2 s25, $0x0;
	p4 =	seq.s32 @!p2 s24, $0x0;
	s24 =	simm.s32 @!p2 $0xF;
	vm0 =	veq.s32 @!p2 v2, $0x0;
	v2 =	vlaneseq.u32 @!p2  }
0x20e: {  	p5 =	seq.s32 @!p2 s28, $0x0;
	p4 =	por !p4, p2;
	p3 =	por !p3, p2;
	v2 =	vor.u32 @!p2 s13, v2  }
0x20f: {  	p6 =	seq.s32 @!p2 s11, $0x0;
	s24 =	simm.s32 @p4 $0x10;
	p4 =	por !p5, p2  }
0x210: {  	p5 =	seq.s32 @!p2 s10, $0x0;
	s24 =	simm.s32 @!p3 $0xE;
	p3 =	por !p6, p2  }
0x211: {  	p6 =	seq.s32 @!p2 s2, $0x0;
	s24 =	simm.s32 @!p4 $0xD;
	p4 =	por !p5, p2  }
0x212: {  	p5 =	seq.s32 @!p2 s23, $0x0;
	s24 =	simm.s32 @!p3 $0xC;
	p3 =	por !p6, p2  }
0x213: {  	p6 =	seq.s32 @!p2 s22, $0x0;
	s24 =	simm.s32 @!p4 $0xB;
	p4 =	por !p5, p2  }
0x214: {  	p5 =	seq.s32 @!p2 s21, $0x0;
	s24 =	simm.s32 @!p3 $0xA;
	p3 =	por !p6, p2  }
0x215: {  	p6 =	seq.s32 @!p2 s20, $0x0;
	s24 =	simm.s32 @!p4 $0x9;
	p4 =	por !p5, p2  }
0x216: {  	p5 =	seq.s32 @!p2 s19, $0x0;
	s24 =	simm.s32 @!p3 $0x8;
	p3 =	por !p6, p2  }
0x217: {  	p6 =	seq.s32 @!p2 s18, $0x0;
	s24 =	simm.s32 @!p4 $0x7;
	p4 =	por !p5, p2  }
0x218: {  	p5 =	seq.s32 @!p2 s17, $0x0;
	s24 =	simm.s32 @!p3 $0x6;
	p3 =	por !p6, p2  }
0x219: {  	p6 =	seq.s32 @!p2 s16, $0x0;
	s24 =	simm.s32 @!p4 $0x5;
	p4 =	por !p5, p2  }
0x21a: {  	p5 =	seq.s32 @!p2 s15, $0x0;
	s24 =	simm.s32 @!p3 $0x4;
	p3 =	por !p6, p2  }
0x21b: {  	p6 =	seq.s32 @!p2 s14, $0x0;
	s24 =	simm.s32 @!p4 $0x3;
	p4 =	por !p5, p2  }
0x21c: {  	s24 =	simm.s32 @!p3 $0x2;
	p3 =	por !p6, p2  }
0x21d: {  	s24 =	simm.s32 @!p4 $0x1  }
0x21e: {  	s24 =	simm.s32 @!p3 $0x0  }
0x21f: {  	s2 =	sadd.s32 @!p2 s13, s24  }
0x220: {  	v2 =	vnsel @!p2 vm0, s2, v2;
	_ =	sdelay $0x1  }
.Ltmp6:
0x221: {  	(pc) =	sbr.rel @p1 .LBB2_10-.Ltmp6, $4  }
0x222: {  	s10 =	simm.s32 @!p2 $0x16400;
	vm0 =	vmmov @!p2 $0xffff;
	s2 =	simm.s32 @!p2 $0x0  }
0x223: {  	s14 =	simm.s32 @!p2 $0x9  }
0x224: {  	[hbm4b:s3+s2] =	stream.indirect_vreg.scatter @!p2 [tilespmem:s10], [sflag:$0x9], $0x80, v2, vm0, $0xb8;
	[tilespmem:$0x16C00] =	vst v63  }
0x225: {  	_ =	swait.ge @!p2 [sflag:s14], $0x800  }
0x226: {  	[sflag:s14] =	ssyncset.done @!p2 $0x0  }
0x227: {  	s29 =	simm.s32 $0x12400;
	s30 =	smov.u32 s9;
	s9 =	simm.s32 $0x0  }
0x228: {  	s28 =	smov.u32 s8;
	s8 =	smov.u32 s5;
	[sflag:s14] =	ssyncadd.s32 @!p2 $0xFFFFF800  }
.LBB2_12:
0x229: {  	s2 =	sadd.s32 @!p0 $0x280, s0;
	s10 =	simm.s32 @!p0 $0xA400  }
0x22a: {  	[tilespmem:s10], [sflag:$0x2] =	stream.indirect.gather @!p0 [hbm4b:s31+s26], $0x80, s2, s26, $0xb8;
	[tilespmem:$0x16C00] =	vst v63  }
0x22b: {  	s26 =	simm.s32 $0x7  }
0x22c: {  	_ =	swait.ge [sflag:s26], $0x4000  }
0x22d: {  	[sflag:s26] =	ssyncset.done $0x0  }
0x22e: {  	[sflag:s26] =	ssyncadd.s32 $0xFFFFC000  }
0x22f: {  	v1 =	vld [tilespmem:s7+$0x0]  }
0x230: {  	v2 =	vld [tilespmem:s7+$0x10];
	_ =	sdelay $0x1  }
0x231: {  	v3 =	vld [tilespmem:s7+$0x20];
	_ =	sdelay $0x1  }
0x232: {  	v4 =	vld [tilespmem:s7+$0x30]  }
0x233: {  	vm0 =	vlt.s32 v1, v2  }
0x234: {  	v1 =	vsel vm0, v1, v2;
	v2 =	vld [tilespmem:s7+$0x40]  }
0x235: {  	vm0 =	vlt.s32 v1, v3  }
0x236: {  	v1 =	vsel vm0, v1, v3;
	v3 =	vld [tilespmem:s7+$0x50]  }
0x237: {  	vm0 =	vlt.s32 v1, v4  }
0x238: {  	v63 =	vld [tilespmem:s7+$0x60];
	v1 =	vsel vm0, v1, v4  }
0x239: {  	vm0 =	vlt.s32 v1, v2  }
0x23a: {  	v1 =	vsel vm0, v1, v2;
	v2 =	vld [tilespmem:s7+$0x70]  }
0x23b: {  	vm0 =	vlt.s32 v1, v3  }
0x23c: {  	v1 =	vsel vm0, v1, v3  }
0x23d: {  	vm0 =	vlt.s32 v1, v63  }
0x23e: {  	v1 =	vsel vm0, v1, v63  }
0x23f: {  	vm0 =	vlt.s32 v1, v2  }
0x240: {  	v1 =	vsel vm0, v1, v2  }
0x241: {  	vm0 =	vlt.s32 v1, $0x186A0  }
0x242: {  	v1 =	vnsel vm0, $0x186A0, v1  }
0x243: {  	(v2sf) =	vpush v1, $0x0  }
0x244: {  	(v2sf) =	vpush v1, $0x1;
	_ =	sdelay $0x1  }
0x245: {  	(v2sf) =	vpush v1, $0x2;
	_ =	sdelay $0x1  }
0x246: {  	(v2sf) =	vpush v1, $0x3;
	_ =	sdelay $0x1  }
0x247: {  	(v2sf) =	vpush v1, $0x4;
	_ =	sdelay $0x1  }
0x248: {  	(v2sf) =	vpush v1, $0x5;
	_ =	sdelay $0x1  }
0x249: {  	(v2sf) =	vpush v1, $0x6;
	_ =	sdelay $0x1  }
0x24a: {  	(v2sf) =	vpush v1, $0x7;
	_ =	sdelay $0x1  }
0x24b: {  	s2 =	spop (v2sf);
	(v2sf) =	vpush v1, $0x8  }
0x24c: {  	s7 =	spop (v2sf)  }
0x24d: {  	(v2sf) =	vpush v1, $0x9;
	p1 =	slt.s32 s2, s7  }
0x24e: {  	s7 =	smov.u32 @p1 s2;
	s2 =	spop (v2sf)  }
0x24f: {  	(v2sf) =	vpush v1, $0xA;
	p1 =	slt.s32 s7, s2  }
0x250: {  	s2 =	smov.u32 @p1 s7;
	s7 =	spop (v2sf)  }
0x251: {  	(v2sf) =	vpush v1, $0xB;
	p1 =	slt.s32 s2, s7  }
0x252: {  	s7 =	smov.u32 @p1 s2;
	s2 =	spop (v2sf)  }
0x253: {  	(v2sf) =	vpush v1, $0xC;
	p1 =	slt.s32 s7, s2  }
0x254: {  	s2 =	smov.u32 @p1 s7;
	s7 =	spop (v2sf)  }
0x255: {  	(v2sf) =	vpush v1, $0xD;
	p1 =	slt.s32 s2, s7  }
0x256: {  	s7 =	smov.u32 @p1 s2;
	s2 =	spop (v2sf)  }
0x257: {  	(v2sf) =	vpush v1, $0xE;
	p1 =	slt.s32 s7, s2  }
0x258: {  	s2 =	smov.u32 @p1 s7;
	s7 =	spop (v2sf)  }
0x259: {  	(v2sf) =	vpush v1, $0xF;
	p1 =	slt.s32 s2, s7  }
0x25a: {  	s10 =	spop (v2sf);
	s7 =	smov.u32 @p1 s2  }
0x25b: {  	p1 =	slt.s32 s7, s10  }
0x25c: {  	s2 =	spop (v2sf);
	s10 =	smov.u32 @p1 s7  }
0x25d: {  	p1 =	slt.s32 s10, s2  }
0x25e: {  	s7 =	spop (v2sf);
	s2 =	smov.u32 @p1 s10  }
0x25f: {  	p1 =	slt.s32 s2, s7  }
0x260: {  	s10 =	spop (v2sf);
	s7 =	smov.u32 @p1 s2  }
0x261: {  	p1 =	slt.s32 s7, s10  }
0x262: {  	s2 =	spop (v2sf);
	s10 =	smov.u32 @p1 s7  }
0x263: {  	p1 =	slt.s32 s10, s2  }
0x264: {  	s7 =	spop (v2sf);
	s2 =	smov.u32 @p1 s10  }
0x265: {  	p1 =	slt.s32 s2, s7  }
0x266: {  	s10 =	spop (v2sf);
	s7 =	smov.u32 @p1 s2  }
0x267: {  	p1 =	slt.s32 s7, s10  }
0x268: {  	s2 =	spop (v2sf);
	s10 =	smov.u32 @p1 s7  }
0x269: {  	p1 =	slt.s32 s10, s2  }
0x26a: {  	s2 =	smov.u32 @p1 s10  }
0x26b: {  	p1 =	sne.s32 s2, $0x0  }
.Ltmp7:
0x26c: {  	_ = 	snop;
	(pc) =	sbr.rel @p1 .LBB2_16-.Ltmp7, $1  }
0x26d: {  	_ =	sdelay $0x3  }
0x26e: {  	v1 =	vmov s28;
	_ =	sdelay $0x3  }
0x26f: {  	s2 =	simm.s32 $0x0  }
0x270: {  	v2 =	vld.idx.msk [tilespmem:v1+s2+$0x0 ss:$0x1], $0xffff;
	_ =	sdelay $0x4  }
0x271: {  	(v2sf) =	vpush v2, $0x0  }
0x272: {  	(v2sf) =	vpush v2, $0x1;
	_ =	sdelay $0x1  }
0x273: {  	(v2sf) =	vpush v2, $0x2;
	_ =	sdelay $0x1  }
0x274: {  	(v2sf) =	vpush v2, $0x3;
	_ =	sdelay $0x1  }
0x275: {  	(v2sf) =	vpush v2, $0x4;
	_ =	sdelay $0x1  }
0x276: {  	(v2sf) =	vpush v2, $0x5;
	_ =	sdelay $0x1  }
0x277: {  	(v2sf) =	vpush v2, $0x6;
	_ =	sdelay $0x1  }
0x278: {  	(v2sf) =	vpush v2, $0x7;
	_ =	sdelay $0x1  }
0x279: {  	(v2sf) =	vpush v2, $0x8;
	s7 =	spop (v2sf)  }
0x27a: {  	s12 =	spop (v2sf)  }
0x27b: {  	(v2sf) =	vpush v2, $0x9;
	p1 =	slt.s32 s7, s12;
	s2 =	smov.u32 s12  }
0x27c: {  	s13 =	spop (v2sf);
	s2 =	smov.u32 @p1 s7  }
0x27d: {  	(v2sf) =	vpush v2, $0xA;
	s10 =	smov.u32 s13;
	p1 =	slt.s32 s2, s13  }
0x27e: {  	s14 =	spop (v2sf);
	s10 =	smov.u32 @p1 s2  }
0x27f: {  	(v2sf) =	vpush v2, $0xB;
	s2 =	smov.u32 s14;
	p1 =	slt.s32 s10, s14  }
0x280: {  	s15 =	spop (v2sf);
	s2 =	smov.u32 @p1 s10  }
0x281: {  	(v2sf) =	vpush v2, $0xC;
	s10 =	smov.u32 s15;
	p1 =	slt.s32 s2, s15  }
0x282: {  	s16 =	spop (v2sf);
	s10 =	smov.u32 @p1 s2  }
0x283: {  	(v2sf) =	vpush v2, $0xD;
	s2 =	smov.u32 s16;
	p1 =	slt.s32 s10, s16  }
0x284: {  	s17 =	spop (v2sf);
	s2 =	smov.u32 @p1 s10  }
0x285: {  	(v2sf) =	vpush v2, $0xE;
	s10 =	smov.u32 s17;
	p1 =	slt.s32 s2, s17  }
0x286: {  	s11 =	spop (v2sf);
	s10 =	smov.u32 @p1 s2  }
0x287: {  	(v2sf) =	vpush v2, $0xF;
	s2 =	smov.u32 s11;
	p1 =	slt.s32 s10, s11  }
0x288: {  	s18 =	spop (v2sf);
	s2 =	smov.u32 @p1 s10  }
0x289: {  	s10 =	smov.u32 s18;
	p1 =	slt.s32 s2, s18  }
0x28a: {  	s19 =	spop (v2sf);
	s10 =	smov.u32 @p1 s2  }
0x28b: {  	s2 =	smov.u32 s19;
	p1 =	slt.s32 s10, s19  }
0x28c: {  	s20 =	spop (v2sf);
	s2 =	smov.u32 @p1 s10  }
0x28d: {  	s10 =	smov.u32 s20;
	p1 =	slt.s32 s2, s20  }
0x28e: {  	s21 =	spop (v2sf);
	s10 =	smov.u32 @p1 s2  }
0x28f: {  	s2 =	smov.u32 s21;
	p1 =	slt.s32 s10, s21  }
0x290: {  	s22 =	spop (v2sf);
	s2 =	smov.u32 @p1 s10  }
0x291: {  	s10 =	smov.u32 s22;
	p1 =	slt.s32 s2, s22  }
0x292: {  	s23 =	spop (v2sf);
	s10 =	smov.u32 @p1 s2  }
0x293: {  	s2 =	smov.u32 s23;
	p1 =	slt.s32 s10, s23  }
0x294: {  	s24 =	spop (v2sf);
	s2 =	smov.u32 @p1 s10  }
0x295: {  	s10 =	smov.u32 s24;
	p1 =	slt.s32 s2, s24  }
0x296: {  	s25 =	spop (v2sf);
	s10 =	smov.u32 @p1 s2  }
0x297: {  	s2 =	smov.u32 s25;
	p1 =	slt.s32 s10, s25  }
0x298: {  	s2 =	smov.u32 @p1 s10  }
0x299: {  	p2 =	sne.s32 s2, $0x0  }
0x29a: {  	p1 =	seq.s32 @!p2 s25, $0x0  }
0x29b: {  	p3 =	seq.s32 @!p2 s24, $0x0;
	s2 =	simm.s32 @!p2 $0xF;
	p1 =	por !p1, p2  }
0x29c: {  	p4 =	seq.s32 @!p2 s23, $0x0;
	p3 =	por !p3, p2;
	s2 =	simm.s32 @p1 $0x10  }
0x29d: {  	p4 =	por !p4, p2;
	p1 =	seq.s32 @!p2 s22, $0x0;
	s2 =	simm.s32 @!p3 $0xE  }
0x29e: {  	p3 =	seq.s32 @!p2 s21, $0x0;
	p1 =	por !p1, p2;
	s2 =	simm.s32 @!p4 $0xD  }
0x29f: {  	p4 =	seq.s32 @!p2 s20, $0x0;
	p3 =	por !p3, p2;
	s2 =	simm.s32 @!p1 $0xC  }
0x2a0: {  	p1 =	seq.s32 @!p2 s19, $0x0;
	p4 =	por !p4, p2;
	s2 =	simm.s32 @!p3 $0xB  }
0x2a1: {  	p3 =	seq.s32 @!p2 s18, $0x0;
	p1 =	por !p1, p2;
	s2 =	simm.s32 @!p4 $0xA  }
0x2a2: {  	p4 =	seq.s32 @!p2 s11, $0x0;
	p3 =	por !p3, p2;
	s2 =	simm.s32 @!p1 $0x9  }
0x2a3: {  	p1 =	seq.s32 @!p2 s17, $0x0;
	p4 =	por !p4, p2;
	s2 =	simm.s32 @!p3 $0x8  }
0x2a4: {  	p3 =	seq.s32 @!p2 s16, $0x0;
	p1 =	por !p1, p2;
	s2 =	simm.s32 @!p4 $0x7  }
0x2a5: {  	p4 =	seq.s32 @!p2 s15, $0x0;
	p3 =	por !p3, p2;
	s2 =	simm.s32 @!p1 $0x6  }
0x2a6: {  	p1 =	seq.s32 @!p2 s14, $0x0;
	p4 =	por !p4, p2;
	s2 =	simm.s32 @!p3 $0x5  }
0x2a7: {  	p3 =	seq.s32 @!p2 s13, $0x0;
	p1 =	por !p1, p2;
	s2 =	simm.s32 @!p4 $0x4  }
0x2a8: {  	p4 =	seq.s32 @!p2 s12, $0x0;
	p3 =	por !p3, p2;
	s2 =	simm.s32 @!p1 $0x3  }
0x2a9: {  	p1 =	seq.s32 @!p2 s7, $0x0;
	p4 =	por !p4, p2;
	s2 =	simm.s32 @!p3 $0x2  }
0x2aa: {  	p1 =	por !p1, p2;
	s2 =	simm.s32 @!p4 $0x1  }
0x2ab: {  	v3 =	vlaneseq.u32 @!p2;
	s12 =	rddreg [dreg:$0xf];
	s2 =	simm.s32 @!p1 $0x0  }
0x2ac: {  	vm0 =	veq.s32 @!p2 v2, $0x0;
	v2 =	vor.u32 @!p2 s12, v3;
	s2 =	sadd.s32 @!p2 s12, s2  }
0x2ad: {  	v2 =	vnsel @!p2 vm0, s2, v2;
	_ =	sdelay $0x2  }
0x2ae: {  	s5 =	smov.u32 s8  }
0x2af: {  	s13 =	simm.s32 @!p2 $0x9;
	s7 =	simm.s32 @!p2 $0x16400;
	vm0 =	vmmov @!p2 $0xffff;
	s2 =	simm.s32 @!p2 $0x0  }
0x2b0: {  	[hbm4b:s3+s2] =	stream.indirect_vreg.scatter @!p2 [tilespmem:s7], [sflag:$0x9], $0x80, v2, vm0, $0xb8;
	[tilespmem:$0x16C00] =	vst v63  }
0x2b1: {  	s8 =	smov.u32 s28;
	s7 =	simm.s32 $0x40;
	_ =	swait.ge @!p2 [sflag:s13], $0x800  }
.LBB2_14:
0x2b2: {  	[sflag:s13] =	ssyncset.done @!p2 $0x0  }
0x2b3: {  	s12 =	sadd.s32 $0x10, s12;
	s2 =	smov.u32 s7;
	s7 =	sadd.s32 $0x40, s7  }
0x2b4: {  	s2 =	sshra.s32 s2, $0x2;
	p1 =	sne.s32 s7, $0x200;
	[sflag:s13] =	ssyncadd.s32 @!p2 $0xFFFFF800  }
0x2b5: {  	v2 =	vld.idx.msk [tilespmem:v1+s2+$0x0 ss:$0x1], $0xffff;
	_ =	sdelay $0x5  }
0x2b6: {  	(v2sf) =	vpush v2, $0x0  }
0x2b7: {  	(v2sf) =	vpush v2, $0x1  }
0x2b8: {  	(v2sf) =	vpush v2, $0x2;
	_ =	sdelay $0x1  }
0x2b9: {  	(v2sf) =	vpush v2, $0x3;
	_ =	sdelay $0x1  }
0x2ba: {  	(v2sf) =	vpush v2, $0x4;
	_ =	sdelay $0x1  }
0x2bb: {  	(v2sf) =	vpush v2, $0x5;
	_ =	sdelay $0x1  }
0x2bc: {  	(v2sf) =	vpush v2, $0x6;
	_ =	sdelay $0x1  }
0x2bd: {  	(v2sf) =	vpush v2, $0x7;
	_ =	sdelay $0x1  }
0x2be: {  	(v2sf) =	vpush v2, $0x8  }
0x2bf: {  	s13 =	spop (v2sf)  }
0x2c0: {  	s14 =	spop (v2sf);
	(v2sf) =	vpush v2, $0x9  }
0x2c1: {  	p2 =	slt.s32 s13, s14;
	s15 =	spop (v2sf);
	s2 =	smov.u32 s14  }
0x2c2: {  	s2 =	smov.u32 @p2 s13;
	(v2sf) =	vpush v2, $0xA  }
0x2c3: {  	s10 =	smov.u32 s15;
	p2 =	slt.s32 s2, s15;
	s16 =	spop (v2sf)  }
0x2c4: {  	s10 =	smov.u32 @p2 s2;
	(v2sf) =	vpush v2, $0xB  }
0x2c5: {  	s2 =	smov.u32 s16;
	p2 =	slt.s32 s10, s16;
	s17 =	spop (v2sf)  }
0x2c6: {  	s2 =	smov.u32 @p2 s10;
	(v2sf) =	vpush v2, $0xC  }
0x2c7: {  	s10 =	smov.u32 s17;
	p2 =	slt.s32 s2, s17;
	s18 =	spop (v2sf)  }
0x2c8: {  	s10 =	smov.u32 @p2 s2;
	(v2sf) =	vpush v2, $0xD  }
0x2c9: {  	s2 =	smov.u32 s18;
	p2 =	slt.s32 s10, s18;
	s19 =	spop (v2sf)  }
0x2ca: {  	s2 =	smov.u32 @p2 s10;
	(v2sf) =	vpush v2, $0xE  }
0x2cb: {  	s10 =	smov.u32 s19;
	p2 =	slt.s32 s2, s19;
	s20 =	spop (v2sf)  }
0x2cc: {  	s10 =	smov.u32 @p2 s2;
	(v2sf) =	vpush v2, $0xF  }
0x2cd: {  	s2 =	smov.u32 s20;
	p2 =	slt.s32 s10, s20;
	s21 =	spop (v2sf)  }
0x2ce: {  	s2 =	smov.u32 @p2 s10  }
0x2cf: {  	s10 =	smov.u32 s21;
	p2 =	slt.s32 s2, s21;
	s22 =	spop (v2sf)  }
0x2d0: {  	s10 =	smov.u32 @p2 s2  }
0x2d1: {  	s11 =	smov.u32 s22;
	p2 =	slt.s32 s10, s22;
	s2 =	spop (v2sf)  }
0x2d2: {  	s11 =	smov.u32 @p2 s10  }
0x2d3: {  	s23 =	smov.u32 s2;
	p2 =	slt.s32 s11, s2;
	s10 =	spop (v2sf)  }
0x2d4: {  	s23 =	smov.u32 @p2 s11  }
0x2d5: {  	s24 =	smov.u32 s10;
	p2 =	slt.s32 s23, s10;
	s11 =	spop (v2sf)  }
0x2d6: {  	s24 =	smov.u32 @p2 s23  }
0x2d7: {  	s23 =	smov.u32 s11;
	p2 =	slt.s32 s24, s11;
	s25 =	spop (v2sf)  }
0x2d8: {  	s23 =	smov.u32 @p2 s24  }
0x2d9: {  	s26 =	smov.u32 s25;
	p2 =	slt.s32 s23, s25;
	s24 =	spop (v2sf)  }
0x2da: {  	s26 =	smov.u32 @p2 s23  }
0x2db: {  	s28 =	smov.u32 s24;
	p2 =	slt.s32 s26, s24;
	s23 =	spop (v2sf)  }
0x2dc: {  	s28 =	smov.u32 @p2 s26  }
0x2dd: {  	s26 =	smov.u32 s23;
	p2 =	slt.s32 s28, s23  }
0x2de: {  	s26 =	smov.u32 @p2 s28  }
0x2df: {  	p2 =	sne.s32 s26, $0x0  }
0x2e0: {  	p3 =	seq.s32 @!p2 s24, $0x0;
	p4 =	seq.s32 @!p2 s23, $0x0;
	s23 =	simm.s32 @!p2 $0xF;
	vm0 =	veq.s32 @!p2 v2, $0x0;
	v2 =	vlaneseq.u32 @!p2  }
0x2e1: {  	p5 =	seq.s32 @!p2 s25, $0x0;
	p4 =	por !p4, p2;
	p3 =	por !p3, p2;
	v2 =	vor.u32 @!p2 s12, v2  }
0x2e2: {  	p6 =	seq.s32 @!p2 s11, $0x0;
	s23 =	simm.s32 @p4 $0x10;
	p4 =	por !p5, p2  }
0x2e3: {  	p5 =	seq.s32 @!p2 s10, $0x0;
	s23 =	simm.s32 @!p3 $0xE;
	p3 =	por !p6, p2  }
0x2e4: {  	p6 =	seq.s32 @!p2 s2, $0x0;
	s23 =	simm.s32 @!p4 $0xD;
	p4 =	por !p5, p2  }
0x2e5: {  	p5 =	seq.s32 @!p2 s22, $0x0;
	s23 =	simm.s32 @!p3 $0xC;
	p3 =	por !p6, p2  }
0x2e6: {  	p6 =	seq.s32 @!p2 s21, $0x0;
	s23 =	simm.s32 @!p4 $0xB;
	p4 =	por !p5, p2  }
0x2e7: {  	p5 =	seq.s32 @!p2 s20, $0x0;
	s23 =	simm.s32 @!p3 $0xA;
	p3 =	por !p6, p2  }
0x2e8: {  	p6 =	seq.s32 @!p2 s19, $0x0;
	s23 =	simm.s32 @!p4 $0x9;
	p4 =	por !p5, p2  }
0x2e9: {  	p5 =	seq.s32 @!p2 s18, $0x0;
	s23 =	simm.s32 @!p3 $0x8;
	p3 =	por !p6, p2  }
0x2ea: {  	p6 =	seq.s32 @!p2 s17, $0x0;
	s23 =	simm.s32 @!p4 $0x7;
	p4 =	por !p5, p2  }
0x2eb: {  	p5 =	seq.s32 @!p2 s16, $0x0;
	s23 =	simm.s32 @!p3 $0x6;
	p3 =	por !p6, p2  }
0x2ec: {  	p6 =	seq.s32 @!p2 s15, $0x0;
	s23 =	simm.s32 @!p4 $0x5;
	p4 =	por !p5, p2  }
0x2ed: {  	p5 =	seq.s32 @!p2 s14, $0x0;
	s23 =	simm.s32 @!p3 $0x4;
	p3 =	por !p6, p2  }
0x2ee: {  	p6 =	seq.s32 @!p2 s13, $0x0;
	s23 =	simm.s32 @!p4 $0x3;
	p4 =	por !p5, p2  }
0x2ef: {  	s23 =	simm.s32 @!p3 $0x2;
	p3 =	por !p6, p2  }
0x2f0: {  	s23 =	simm.s32 @!p4 $0x1  }
0x2f1: {  	s23 =	simm.s32 @!p3 $0x0  }
0x2f2: {  	s2 =	sadd.s32 @!p2 s12, s23  }
0x2f3: {  	v2 =	vnsel @!p2 vm0, s2, v2;
	_ =	sdelay $0x1  }
.Ltmp8:
0x2f4: {  	(pc) =	sbr.rel @p1 .LBB2_14-.Ltmp8, $4  }
0x2f5: {  	s10 =	simm.s32 @!p2 $0x16400;
	vm0 =	vmmov @!p2 $0xffff;
	s2 =	simm.s32 @!p2 $0x0  }
0x2f6: {  	s13 =	simm.s32 @!p2 $0x9  }
0x2f7: {  	[hbm4b:s3+s2] =	stream.indirect_vreg.scatter @!p2 [tilespmem:s10], [sflag:$0x9], $0x80, v2, vm0, $0xb8;
	[tilespmem:$0x16C00] =	vst v63  }
0x2f8: {  	_ =	swait.ge @!p2 [sflag:s13], $0x800  }
0x2f9: {  	[sflag:s13] =	ssyncset.done @!p2 $0x0  }
0x2fa: {  	s28 =	smov.u32 s8;
	s8 =	smov.u32 s5;
	[sflag:s13] =	ssyncadd.s32 @!p2 $0xFFFFF800  }
.LBB2_16:
0x2fb: {  	s2 =	sadd.s32 @!p0 $0x300, s0  }
0x2fc: {  	s7 =	simm.s32 @!p0 $0x80;
	s10 =	simm.s32 @!p0 $0xE400;
	s26 =	simm.s32 $0x8  }
0x2fd: {  	[tilespmem:s10], [sflag:$0x3] =	stream.indirect.gather @!p0 [hbm4b:s31+s7], $0x80, s2, s7, $0xb8;
	[tilespmem:$0x16C00] =	vst v63  }
0x2fe: {  	_ =	swait.ge [sflag:s26], $0x4000  }
0x2ff: {  	[sflag:s26] =	ssyncset.done $0x0  }
0x300: {  	[sflag:s26] =	ssyncadd.s32 $0xFFFFC000  }
0x301: {  	v1 =	vld [tilespmem:s1+$0x0]  }
0x302: {  	v2 =	vld [tilespmem:s1+$0x10];
	_ =	sdelay $0x1  }
0x303: {  	v3 =	vld [tilespmem:s1+$0x20];
	_ =	sdelay $0x1  }
0x304: {  	v4 =	vld [tilespmem:s1+$0x30]  }
0x305: {  	vm0 =	vlt.s32 v1, v2  }
0x306: {  	v1 =	vsel vm0, v1, v2;
	v2 =	vld [tilespmem:s1+$0x40]  }
0x307: {  	vm0 =	vlt.s32 v1, v3  }
0x308: {  	v1 =	vsel vm0, v1, v3;
	v3 =	vld [tilespmem:s1+$0x50]  }
0x309: {  	vm0 =	vlt.s32 v1, v4  }
0x30a: {  	v63 =	vld [tilespmem:s1+$0x60];
	v1 =	vsel vm0, v1, v4  }
0x30b: {  	vm0 =	vlt.s32 v1, v2  }
0x30c: {  	v1 =	vsel vm0, v1, v2;
	v2 =	vld [tilespmem:s1+$0x70]  }
0x30d: {  	vm0 =	vlt.s32 v1, v3  }
0x30e: {  	v1 =	vsel vm0, v1, v3  }
0x30f: {  	vm0 =	vlt.s32 v1, v63  }
0x310: {  	v1 =	vsel vm0, v1, v63  }
0x311: {  	vm0 =	vlt.s32 v1, v2  }
0x312: {  	v1 =	vsel vm0, v1, v2  }
0x313: {  	vm0 =	vlt.s32 v1, $0x186A0  }
0x314: {  	v1 =	vnsel vm0, $0x186A0, v1  }
0x315: {  	(v2sf) =	vpush v1, $0x0  }
0x316: {  	(v2sf) =	vpush v1, $0x1;
	_ =	sdelay $0x1  }
0x317: {  	(v2sf) =	vpush v1, $0x2;
	_ =	sdelay $0x1  }
0x318: {  	(v2sf) =	vpush v1, $0x3;
	_ =	sdelay $0x1  }
0x319: {  	(v2sf) =	vpush v1, $0x4;
	_ =	sdelay $0x1  }
0x31a: {  	(v2sf) =	vpush v1, $0x5;
	_ =	sdelay $0x1  }
0x31b: {  	(v2sf) =	vpush v1, $0x6;
	_ =	sdelay $0x1  }
0x31c: {  	(v2sf) =	vpush v1, $0x7;
	_ =	sdelay $0x1  }
0x31d: {  	s1 =	spop (v2sf);
	(v2sf) =	vpush v1, $0x8  }
0x31e: {  	s2 =	spop (v2sf)  }
0x31f: {  	(v2sf) =	vpush v1, $0x9;
	p1 =	slt.s32 s1, s2  }
0x320: {  	s2 =	smov.u32 @p1 s1;
	s1 =	spop (v2sf)  }
0x321: {  	(v2sf) =	vpush v1, $0xA;
	p1 =	slt.s32 s2, s1  }
0x322: {  	s1 =	smov.u32 @p1 s2;
	s2 =	spop (v2sf)  }
0x323: {  	(v2sf) =	vpush v1, $0xB;
	p1 =	slt.s32 s1, s2  }
0x324: {  	s2 =	smov.u32 @p1 s1;
	s1 =	spop (v2sf)  }
0x325: {  	(v2sf) =	vpush v1, $0xC;
	p1 =	slt.s32 s2, s1  }
0x326: {  	s1 =	smov.u32 @p1 s2;
	s2 =	spop (v2sf)  }
0x327: {  	(v2sf) =	vpush v1, $0xD;
	p1 =	slt.s32 s1, s2  }
0x328: {  	s2 =	smov.u32 @p1 s1;
	s1 =	spop (v2sf)  }
0x329: {  	(v2sf) =	vpush v1, $0xE;
	p1 =	slt.s32 s2, s1  }
0x32a: {  	s1 =	smov.u32 @p1 s2;
	s2 =	spop (v2sf)  }
0x32b: {  	(v2sf) =	vpush v1, $0xF;
	p1 =	slt.s32 s1, s2  }
0x32c: {  	s7 =	spop (v2sf);
	s2 =	smov.u32 @p1 s1  }
0x32d: {  	p1 =	slt.s32 s2, s7  }
0x32e: {  	s1 =	spop (v2sf);
	s7 =	smov.u32 @p1 s2  }
0x32f: {  	p1 =	slt.s32 s7, s1  }
0x330: {  	s2 =	spop (v2sf);
	s1 =	smov.u32 @p1 s7  }
0x331: {  	p1 =	slt.s32 s1, s2  }
0x332: {  	s7 =	spop (v2sf);
	s2 =	smov.u32 @p1 s1  }
0x333: {  	p1 =	slt.s32 s2, s7  }
0x334: {  	s1 =	spop (v2sf);
	s7 =	smov.u32 @p1 s2  }
0x335: {  	p1 =	slt.s32 s7, s1  }
0x336: {  	s2 =	spop (v2sf);
	s1 =	smov.u32 @p1 s7  }
0x337: {  	p1 =	slt.s32 s1, s2  }
0x338: {  	s7 =	spop (v2sf);
	s2 =	smov.u32 @p1 s1  }
0x339: {  	p1 =	slt.s32 s2, s7  }
0x33a: {  	s1 =	spop (v2sf);
	s7 =	smov.u32 @p1 s2  }
0x33b: {  	p1 =	slt.s32 s7, s1  }
0x33c: {  	s1 =	smov.u32 @p1 s7  }
0x33d: {  	p1 =	sne.s32 s1, $0x0  }
.Ltmp9:
0x33e: {  	_ = 	snop;
	(pc) =	sbr.rel @p1 .LBB2_20-.Ltmp9, $1  }
0x33f: {  	_ =	sdelay $0x3  }
0x340: {  	v1 =	vmov s8;
	_ =	sdelay $0x3  }
0x341: {  	s1 =	simm.s32 $0x0  }
0x342: {  	v2 =	vld.idx.msk [tilespmem:v1+s1+$0x0 ss:$0x1], $0xffff;
	_ =	sdelay $0x4  }
0x343: {  	(v2sf) =	vpush v2, $0x0  }
0x344: {  	(v2sf) =	vpush v2, $0x1;
	_ =	sdelay $0x1  }
0x345: {  	(v2sf) =	vpush v2, $0x2;
	_ =	sdelay $0x1  }
0x346: {  	(v2sf) =	vpush v2, $0x3;
	_ =	sdelay $0x1  }
0x347: {  	(v2sf) =	vpush v2, $0x4;
	_ =	sdelay $0x1  }
0x348: {  	(v2sf) =	vpush v2, $0x5;
	_ =	sdelay $0x1  }
0x349: {  	(v2sf) =	vpush v2, $0x6;
	_ =	sdelay $0x1  }
0x34a: {  	(v2sf) =	vpush v2, $0x7;
	_ =	sdelay $0x1  }
0x34b: {  	(v2sf) =	vpush v2, $0x8;
	s1 =	spop (v2sf)  }
0x34c: {  	s7 =	spop (v2sf)  }
0x34d: {  	(v2sf) =	vpush v2, $0x9;
	p1 =	slt.s32 s1, s7;
	s2 =	smov.u32 s7  }
0x34e: {  	s12 =	spop (v2sf);
	s2 =	smov.u32 @p1 s1  }
0x34f: {  	(v2sf) =	vpush v2, $0xA;
	s10 =	smov.u32 s12;
	p1 =	slt.s32 s2, s12  }
0x350: {  	s13 =	spop (v2sf);
	s10 =	smov.u32 @p1 s2  }
0x351: {  	(v2sf) =	vpush v2, $0xB;
	s2 =	smov.u32 s13;
	p1 =	slt.s32 s10, s13  }
0x352: {  	s14 =	spop (v2sf);
	s2 =	smov.u32 @p1 s10  }
0x353: {  	(v2sf) =	vpush v2, $0xC;
	s10 =	smov.u32 s14;
	p1 =	slt.s32 s2, s14  }
0x354: {  	s15 =	spop (v2sf);
	s10 =	smov.u32 @p1 s2  }
0x355: {  	(v2sf) =	vpush v2, $0xD;
	s2 =	smov.u32 s15;
	p1 =	slt.s32 s10, s15  }
0x356: {  	s16 =	spop (v2sf);
	s2 =	smov.u32 @p1 s10  }
0x357: {  	(v2sf) =	vpush v2, $0xE;
	s10 =	smov.u32 s16;
	p1 =	slt.s32 s2, s16  }
0x358: {  	s11 =	spop (v2sf);
	s10 =	smov.u32 @p1 s2  }
0x359: {  	(v2sf) =	vpush v2, $0xF;
	s2 =	smov.u32 s11;
	p1 =	slt.s32 s10, s11  }
0x35a: {  	s17 =	spop (v2sf);
	s2 =	smov.u32 @p1 s10  }
0x35b: {  	s10 =	smov.u32 s17;
	p1 =	slt.s32 s2, s17  }
0x35c: {  	s18 =	spop (v2sf);
	s10 =	smov.u32 @p1 s2  }
0x35d: {  	s2 =	smov.u32 s18;
	p1 =	slt.s32 s10, s18  }
0x35e: {  	s19 =	spop (v2sf);
	s2 =	smov.u32 @p1 s10  }
0x35f: {  	s10 =	smov.u32 s19;
	p1 =	slt.s32 s2, s19  }
0x360: {  	s20 =	spop (v2sf);
	s10 =	smov.u32 @p1 s2  }
0x361: {  	s2 =	smov.u32 s20;
	p1 =	slt.s32 s10, s20  }
0x362: {  	s21 =	spop (v2sf);
	s2 =	smov.u32 @p1 s10  }
0x363: {  	s10 =	smov.u32 s21;
	p1 =	slt.s32 s2, s21  }
0x364: {  	s22 =	spop (v2sf);
	s10 =	smov.u32 @p1 s2  }
0x365: {  	s2 =	smov.u32 s22;
	p1 =	slt.s32 s10, s22  }
0x366: {  	s23 =	spop (v2sf);
	s2 =	smov.u32 @p1 s10  }
0x367: {  	s10 =	smov.u32 s23;
	p1 =	slt.s32 s2, s23  }
0x368: {  	s24 =	spop (v2sf);
	s10 =	smov.u32 @p1 s2  }
0x369: {  	s2 =	smov.u32 s24;
	p1 =	slt.s32 s10, s24  }
0x36a: {  	s2 =	smov.u32 @p1 s10  }
0x36b: {  	p2 =	sne.s32 s2, $0x0  }
0x36c: {  	p1 =	seq.s32 @!p2 s24, $0x0  }
0x36d: {  	p3 =	seq.s32 @!p2 s23, $0x0;
	s2 =	simm.s32 @!p2 $0xF;
	p1 =	por !p1, p2  }
0x36e: {  	p4 =	seq.s32 @!p2 s22, $0x0;
	p3 =	por !p3, p2;
	s2 =	simm.s32 @p1 $0x10  }
0x36f: {  	p4 =	por !p4, p2;
	p1 =	seq.s32 @!p2 s21, $0x0;
	s2 =	simm.s32 @!p3 $0xE  }
0x370: {  	p3 =	seq.s32 @!p2 s20, $0x0;
	p1 =	por !p1, p2;
	s2 =	simm.s32 @!p4 $0xD  }
0x371: {  	p4 =	seq.s32 @!p2 s19, $0x0;
	p3 =	por !p3, p2;
	s2 =	simm.s32 @!p1 $0xC  }
0x372: {  	p1 =	seq.s32 @!p2 s18, $0x0;
	p4 =	por !p4, p2;
	s2 =	simm.s32 @!p3 $0xB  }
0x373: {  	p3 =	seq.s32 @!p2 s17, $0x0;
	p1 =	por !p1, p2;
	s2 =	simm.s32 @!p4 $0xA  }
0x374: {  	p4 =	seq.s32 @!p2 s11, $0x0;
	p3 =	por !p3, p2;
	s2 =	simm.s32 @!p1 $0x9  }
0x375: {  	p1 =	seq.s32 @!p2 s16, $0x0;
	p4 =	por !p4, p2;
	s2 =	simm.s32 @!p3 $0x8  }
0x376: {  	p3 =	seq.s32 @!p2 s15, $0x0;
	p1 =	por !p1, p2;
	s2 =	simm.s32 @!p4 $0x7  }
0x377: {  	p4 =	seq.s32 @!p2 s14, $0x0;
	p3 =	por !p3, p2;
	s2 =	simm.s32 @!p1 $0x6  }
0x378: {  	p1 =	seq.s32 @!p2 s13, $0x0;
	p4 =	por !p4, p2;
	s2 =	simm.s32 @!p3 $0x5  }
0x379: {  	p3 =	seq.s32 @!p2 s12, $0x0;
	p1 =	por !p1, p2;
	s2 =	simm.s32 @!p4 $0x4  }
0x37a: {  	p4 =	seq.s32 @!p2 s7, $0x0;
	p3 =	por !p3, p2;
	s2 =	simm.s32 @!p1 $0x3  }
0x37b: {  	p1 =	seq.s32 @!p2 s1, $0x0;
	p4 =	por !p4, p2;
	s2 =	simm.s32 @!p3 $0x2  }
0x37c: {  	p1 =	por !p1, p2;
	s2 =	simm.s32 @!p4 $0x1  }
0x37d: {  	v3 =	vlaneseq.u32 @!p2;
	s7 =	rddreg [dreg:$0xe];
	s2 =	simm.s32 @!p1 $0x0  }
0x37e: {  	vm0 =	veq.s32 @!p2 v2, $0x0;
	v2 =	vor.u32 @!p2 s7, v3;
	s1 =	sadd.s32 @!p2 s7, s2  }
0x37f: {  	v2 =	vnsel @!p2 vm0, s1, v2;
	_ =	sdelay $0x3  }
0x380: {  	s12 =	simm.s32 @!p2 $0x9;
	s2 =	simm.s32 @!p2 $0x16400;
	vm0 =	vmmov @!p2 $0xffff;
	s1 =	simm.s32 @!p2 $0x0  }
0x381: {  	[hbm4b:s3+s1] =	stream.indirect_vreg.scatter @!p2 [tilespmem:s2], [sflag:$0x9], $0x80, v2, vm0, $0xb8;
	[tilespmem:$0x16C00] =	vst v63  }
0x382: {  	s1 =	simm.s32 $0x40;
	_ =	swait.ge @!p2 [sflag:s12], $0x800  }
.LBB2_18:
0x383: {  	[sflag:s12] =	ssyncset.done @!p2 $0x0  }
0x384: {  	s7 =	sadd.s32 $0x10, s7;
	s2 =	smov.u32 s1;
	s1 =	sadd.s32 $0x40, s1  }
0x385: {  	s2 =	sshra.s32 s2, $0x2;
	p1 =	sne.s32 s1, $0x200;
	[sflag:s12] =	ssyncadd.s32 @!p2 $0xFFFFF800  }
0x386: {  	v2 =	vld.idx.msk [tilespmem:v1+s2+$0x0 ss:$0x1], $0xffff;
	_ =	sdelay $0x5  }
0x387: {  	(v2sf) =	vpush v2, $0x0  }
0x388: {  	(v2sf) =	vpush v2, $0x1  }
0x389: {  	(v2sf) =	vpush v2, $0x2;
	_ =	sdelay $0x1  }
0x38a: {  	(v2sf) =	vpush v2, $0x3;
	_ =	sdelay $0x1  }
0x38b: {  	(v2sf) =	vpush v2, $0x4;
	_ =	sdelay $0x1  }
0x38c: {  	(v2sf) =	vpush v2, $0x5;
	_ =	sdelay $0x1  }
0x38d: {  	(v2sf) =	vpush v2, $0x6;
	_ =	sdelay $0x1  }
0x38e: {  	(v2sf) =	vpush v2, $0x7;
	_ =	sdelay $0x1  }
0x38f: {  	(v2sf) =	vpush v2, $0x8  }
0x390: {  	s12 =	spop (v2sf)  }
0x391: {  	s13 =	spop (v2sf);
	(v2sf) =	vpush v2, $0x9  }
0x392: {  	p2 =	slt.s32 s12, s13;
	s14 =	spop (v2sf);
	s2 =	smov.u32 s13  }
0x393: {  	s2 =	smov.u32 @p2 s12;
	(v2sf) =	vpush v2, $0xA  }
0x394: {  	s10 =	smov.u32 s14;
	p2 =	slt.s32 s2, s14;
	s15 =	spop (v2sf)  }
0x395: {  	s10 =	smov.u32 @p2 s2;
	(v2sf) =	vpush v2, $0xB  }
0x396: {  	s2 =	smov.u32 s15;
	p2 =	slt.s32 s10, s15;
	s16 =	spop (v2sf)  }
0x397: {  	s2 =	smov.u32 @p2 s10;
	(v2sf) =	vpush v2, $0xC  }
0x398: {  	s10 =	smov.u32 s16;
	p2 =	slt.s32 s2, s16;
	s17 =	spop (v2sf)  }
0x399: {  	s10 =	smov.u32 @p2 s2;
	(v2sf) =	vpush v2, $0xD  }
0x39a: {  	s2 =	smov.u32 s17;
	p2 =	slt.s32 s10, s17;
	s18 =	spop (v2sf)  }
0x39b: {  	s2 =	smov.u32 @p2 s10;
	(v2sf) =	vpush v2, $0xE  }
0x39c: {  	s10 =	smov.u32 s18;
	p2 =	slt.s32 s2, s18;
	s19 =	spop (v2sf)  }
0x39d: {  	s10 =	smov.u32 @p2 s2;
	(v2sf) =	vpush v2, $0xF  }
0x39e: {  	s2 =	smov.u32 s19;
	p2 =	slt.s32 s10, s19;
	s20 =	spop (v2sf)  }
0x39f: {  	s2 =	smov.u32 @p2 s10  }
0x3a0: {  	s10 =	smov.u32 s20;
	p2 =	slt.s32 s2, s20;
	s21 =	spop (v2sf)  }
0x3a1: {  	s10 =	smov.u32 @p2 s2  }
0x3a2: {  	s11 =	smov.u32 s21;
	p2 =	slt.s32 s10, s21;
	s2 =	spop (v2sf)  }
0x3a3: {  	s11 =	smov.u32 @p2 s10  }
0x3a4: {  	s22 =	smov.u32 s2;
	p2 =	slt.s32 s11, s2;
	s10 =	spop (v2sf)  }
0x3a5: {  	s22 =	smov.u32 @p2 s11  }
0x3a6: {  	s23 =	smov.u32 s10;
	p2 =	slt.s32 s22, s10;
	s11 =	spop (v2sf)  }
0x3a7: {  	s23 =	smov.u32 @p2 s22  }
0x3a8: {  	s22 =	smov.u32 s11;
	p2 =	slt.s32 s23, s11;
	s24 =	spop (v2sf)  }
0x3a9: {  	s22 =	smov.u32 @p2 s23  }
0x3aa: {  	s25 =	smov.u32 s24;
	p2 =	slt.s32 s22, s24;
	s23 =	spop (v2sf)  }
0x3ab: {  	s25 =	smov.u32 @p2 s22  }
0x3ac: {  	s26 =	smov.u32 s23;
	p2 =	slt.s32 s25, s23;
	s22 =	spop (v2sf)  }
0x3ad: {  	s26 =	smov.u32 @p2 s25  }
0x3ae: {  	s25 =	smov.u32 s22;
	p2 =	slt.s32 s26, s22  }
0x3af: {  	s25 =	smov.u32 @p2 s26  }
0x3b0: {  	p2 =	sne.s32 s25, $0x0  }
0x3b1: {  	p3 =	seq.s32 @!p2 s23, $0x0;
	p4 =	seq.s32 @!p2 s22, $0x0;
	s22 =	simm.s32 @!p2 $0xF;
	vm0 =	veq.s32 @!p2 v2, $0x0;
	v2 =	vlaneseq.u32 @!p2  }
0x3b2: {  	p5 =	seq.s32 @!p2 s24, $0x0;
	p4 =	por !p4, p2;
	p3 =	por !p3, p2;
	v2 =	vor.u32 @!p2 s7, v2  }
0x3b3: {  	p6 =	seq.s32 @!p2 s11, $0x0;
	s22 =	simm.s32 @p4 $0x10;
	p4 =	por !p5, p2  }
0x3b4: {  	p5 =	seq.s32 @!p2 s10, $0x0;
	s22 =	simm.s32 @!p3 $0xE;
	p3 =	por !p6, p2  }
0x3b5: {  	p6 =	seq.s32 @!p2 s2, $0x0;
	s22 =	simm.s32 @!p4 $0xD;
	p4 =	por !p5, p2  }
0x3b6: {  	p5 =	seq.s32 @!p2 s21, $0x0;
	s22 =	simm.s32 @!p3 $0xC;
	p3 =	por !p6, p2  }
0x3b7: {  	p6 =	seq.s32 @!p2 s20, $0x0;
	s22 =	simm.s32 @!p4 $0xB;
	p4 =	por !p5, p2  }
0x3b8: {  	p5 =	seq.s32 @!p2 s19, $0x0;
	s22 =	simm.s32 @!p3 $0xA;
	p3 =	por !p6, p2  }
0x3b9: {  	p6 =	seq.s32 @!p2 s18, $0x0;
	s22 =	simm.s32 @!p4 $0x9;
	p4 =	por !p5, p2  }
0x3ba: {  	p5 =	seq.s32 @!p2 s17, $0x0;
	s22 =	simm.s32 @!p3 $0x8;
	p3 =	por !p6, p2  }
0x3bb: {  	p6 =	seq.s32 @!p2 s16, $0x0;
	s22 =	simm.s32 @!p4 $0x7;
	p4 =	por !p5, p2  }
0x3bc: {  	p5 =	seq.s32 @!p2 s15, $0x0;
	s22 =	simm.s32 @!p3 $0x6;
	p3 =	por !p6, p2  }
0x3bd: {  	p6 =	seq.s32 @!p2 s14, $0x0;
	s22 =	simm.s32 @!p4 $0x5;
	p4 =	por !p5, p2  }
0x3be: {  	p5 =	seq.s32 @!p2 s13, $0x0;
	s22 =	simm.s32 @!p3 $0x4;
	p3 =	por !p6, p2  }
0x3bf: {  	p6 =	seq.s32 @!p2 s12, $0x0;
	s22 =	simm.s32 @!p4 $0x3;
	p4 =	por !p5, p2  }
0x3c0: {  	s22 =	simm.s32 @!p3 $0x2;
	p3 =	por !p6, p2  }
0x3c1: {  	s22 =	simm.s32 @!p4 $0x1  }
0x3c2: {  	s22 =	simm.s32 @!p3 $0x0  }
0x3c3: {  	s2 =	sadd.s32 @!p2 s7, s22  }
0x3c4: {  	v2 =	vnsel @!p2 vm0, s2, v2;
	_ =	sdelay $0x1  }
.Ltmp10:
0x3c5: {  	(pc) =	sbr.rel @p1 .LBB2_18-.Ltmp10, $4  }
0x3c6: {  	s10 =	simm.s32 @!p2 $0x16400;
	vm0 =	vmmov @!p2 $0xffff;
	s2 =	simm.s32 @!p2 $0x0  }
0x3c7: {  	s12 =	simm.s32 @!p2 $0x9  }
0x3c8: {  	[hbm4b:s3+s2] =	stream.indirect_vreg.scatter @!p2 [tilespmem:s10], [sflag:$0x9], $0x80, v2, vm0, $0xb8;
	[tilespmem:$0x16C00] =	vst v63  }
0x3c9: {  	_ =	swait.ge @!p2 [sflag:s12], $0x800  }
0x3ca: {  	[sflag:s12] =	ssyncset.done @!p2 $0x0  }
0x3cb: {  	[sflag:s12] =	ssyncadd.s32 @!p2 $0xFFFFF800  }
.LBB2_20:
.Ltmp11:
0x3cc: {  	(pc) =	sbr.rel @p0 .LBB2_22-.Ltmp11, $1  }
0x3cd: {  	_ =	sdelay $0x3  }
0x3ce: {  	s23 =	rddreg [dreg:$0x11]  }
0x3cf: {  	s24 =	rddreg [dreg:$0x10]  }
0x3d0: {  	s0 =	sadd.s32 $0x380, s0;
	s1 =	simm.s32 $0x80;
	s25 =	rddreg [dreg:$0xf]  }
0x3d1: {  	[tilespmem:s29], [sflag:$0x4] =	stream.indirect.gather [hbm4b:s31+s1], $0x80, s0, s1, $0xb8;
	[tilespmem:$0x16C00] =	vst v63  }
.Ltmp12:
0x3d2: {  	s26 =	rddreg [dreg:$0xe];
	s0 =	sadd.s32 $0x200, s23;
	(pc) =	sbr.rel .LBB2_4-.Ltmp12, $4  }
0x3d3: {  	s4 =	sadd.s32 $0x1, s4;
	[dreg:$0x11] =	wrdreg s0;
	s0 =	sadd.s32 $0x200, s24  }
0x3d4: {  	s6 =	sadd.s32 $0x200, s6;
	[dreg:$0x10] =	wrdreg s0;
	s0 =	sadd.s32 $0x200, s25  }
0x3d5: {  	s30 =	sadd.s32 $0x200, s30;
	[dreg:$0xf] =	wrdreg s0;
	s0 =	sadd.s32 $0x200, s26  }
0x3d6: {  	s28 =	sadd.s32 $0x200, s28;
	s8 =	sadd.s32 $0x200, s8;
	[dreg:$0xe] =	wrdreg s0  }
.LBB2_23:
0x3d7: {  	_ =	sfence.sel $0x180000  }
0x3d8: {  	[bflag:$0x0] =	sbarrier.arrive $0xFFFF  }
0x3d9: {  	_ =	strace $0x90000047  }
0x3da: {  	s0 =	stileid.u32;
	[bflag:$0x2] =	sbarrier.arrive $0xFFFF  }
0x3db: {  	p0 =	sne.s32 s0, $0x0;
	s0 =	rddreg [dreg:$0x3]  }
0x3dc: {  	s0 =	sadd.s32 @!p0 $0x100000, s0  }
0x3dd: {  	[sflag:s0] =	ssyncadd.tile.s32 @!p0 $0x1;
	_ =	shalt  }
.Lfunc_end2:
_tile_overlayer_lowered:
.L_overlay_start_2:
0x3de: {  	(tag) =	ssettag $0x2  }
0x3df: {  	s0 =	rddreg [dreg:$0x0];
	s2 =	stileid.u32  }
0x3e0: {  	s1 =	rddreg [dreg:$0x1];
	p0 =	sne.s32 s2, $0x0  }
0x3e1: {  	s3 =	rddreg [dreg:$0x2];
	[bflag:$0x3] =	sbarrier.arrive $0xFFFF;
	s2 =	simm.s32 @!p0 $0x1C0A  }
0x3e2: {  	[timem:s3], [sflag:s2] =	dma.local @!p0 [hbm:s0], s1  }
0x3e3: {  	s0 =	simm.s32 @!p0 $0xA  }
0x3e4: {  	_ =	swait.ge @!p0 [sflag:s0], s1  }
0x3e5: {  	s1 =	ssub.s32 @!p0 $0x0, s1;
	[sflag:s0] =	ssyncset.done @!p0 $0x0  }
0x3e6: {  	[sflag:s0] =	ssyncadd.s32 @!p0 s1  }
0x3e7: {  	[bflag:$0x3] =	sbarrier.arrive $0xFFFF  }
0x3e8: {  	_ =	shalt  }

</sc_bundles>
